<compile_context>
chip_gen: v7x
topology: tpu7x:2x2x1
jax: 0.10.2.dev20260603
libtpu: 0.0.44.dev20260713+nightly
codegen_flags: <defaults>
</compile_context>

<pallas_src>
import functools

import jax
import jax.numpy as jnp
from jax import lax
from jax.experimental import pallas as pl
from jax.experimental.pallas import tpu as pltpu
from jax.experimental.pallas import tpu_sc as plsc

N = 10000
HD = 128
CLS = 40
E = 320000

NC = 2
NS = 16
NTILE = NC * NS
CH = 128
NJ = 80
EPT = NJ * CH
EP = NTILE * EPT
GR = N
NACC = 10240
SLAB = NACC // NS
TSL = 624
DW = 16
NBUF = 2
RB = 4

BR = 2000
_mesh = plsc.VectorSubcoreMesh(core_axis_name="core", subcore_axis_name="subcore")



@functools.partial(
    pl.kernel,
    out_type=jax.ShapeDtypeStruct((NC, NACC, DW), jnp.float32),
    mesh=_mesh,
    scratch_types=[
        pltpu.VMEM((NJ, CH), jnp.int32),
        pltpu.VMEM((CH, DW), jnp.float32),
        pltpu.VMEM((CH, DW), jnp.float32),
        pltpu.VMEM_SHARED((NACC, DW), jnp.float32),
        pltpu.SemaphoreType.DMA,
    ],
)
def _deg_sc(didx_hbm, out_hbm, didx_v, ones_v, zero_v, acc_sh, isem):
    c = lax.axis_index("core")
    s = lax.axis_index("subcore")
    wid = c * NS + s

    pltpu.async_copy(didx_hbm.at[wid], didx_v, isem)

    @pl.loop(0, CH)
    def _(r):
        ones_v[r, :] = jnp.ones((DW,), jnp.float32)
        zero_v[r, :] = jnp.zeros((DW,), jnp.float32)

    base = s * SLAB

    @pl.loop(0, SLAB // CH)
    def _(k):
        pltpu.sync_copy(zero_v, acc_sh.at[pl.ds(base + k * CH, CH)])

    pltpu.make_async_copy(didx_hbm.at[wid], didx_v, isem).wait()
    plsc.subcore_barrier()

    @pl.loop(0, NJ)
    def _(j):
        pltpu.sync_copy(ones_v, acc_sh.at[didx_v.at[j]], add=True)

    plsc.subcore_barrier()
    pltpu.sync_copy(acc_sh.at[pl.ds(base, SLAB)], out_hbm.at[c, pl.ds(base, SLAB)])


@functools.partial(
    pl.kernel,
    out_type=(jax.ShapeDtypeStruct((EP, HD), jnp.float32),
              jax.ShapeDtypeStruct((NC, NACC, HD), jnp.float32)),
    mesh=_mesh,
    scratch_types=[
        pltpu.VMEM((NJ, CH), jnp.int32),
        pltpu.VMEM((RB, CH), jnp.int32),
        pltpu.VMEM((RB, CH), jnp.int32),
        [pltpu.VMEM((CH, HD), jnp.float32)] * NBUF,
        pltpu.VMEM_SHARED((NACC, HD), jnp.float32),
        [pltpu.SemaphoreType.DMA] * NBUF,
        [pltpu.SemaphoreType.DMA] * NBUF,
        pltpu.SemaphoreType.DMA,
    ],
)
def _gcn_conv_sc(table_hbm, pidx_hbm, msg_hbm, out_hbm,
                 pidx_v, sring, dring, bufs, scr_sh, gsems, wsems, isem):
    c = lax.axis_index("core")
    s = lax.axis_index("subcore")
    wid = c * NS + s
    ebase = wid * EPT

    pltpu.async_copy(pidx_hbm.at[wid], pidx_v, isem)

    tb = s * TSL
    pltpu.sync_copy(table_hbm.at[pl.ds(tb, TSL)], scr_sh.at[pl.ds(tb, TSL)])

    @pl.when(s == 0)
    def _():
        pltpu.sync_copy(table_hbm.at[pl.ds(NS * TSL, N - NS * TSL)],
                        scr_sh.at[pl.ds(NS * TSL, N - NS * TSL)])

    pltpu.make_async_copy(pidx_hbm.at[wid], pidx_v, isem).wait()
    plsc.subcore_barrier()

    def _unpack_s(j):
        r = lax.rem(j, RB)

        @pl.loop(0, CH, step=16)
        def _(col):
            v = pidx_v[j, pl.ds(col, 16)]
            sring[r, pl.ds(col, 16)] = v & 0xFFFF

    def _unpack_d(j):
        r = lax.rem(j, RB)

        @pl.loop(0, CH, step=16)
        def _(col):
            v = pidx_v[j, pl.ds(col, 16)]
            dring[r, pl.ds(col, 16)] = lax.shift_right_logical(v, 16)

    def _gather(j, b):
        pltpu.async_copy(scr_sh.at[sring.at[lax.rem(j, RB)]], bufs[b], gsems[b])

    def _wait_gather(j, b):
        pltpu.make_async_copy(scr_sh.at[sring.at[lax.rem(j, RB)]],
                              bufs[b], gsems[b]).wait()

    def _write(j, b):
        pltpu.async_copy(bufs[b], msg_hbm.at[pl.ds(ebase + j * CH, CH)], wsems[b])

    def _wait_write(j, b):
        pltpu.make_async_copy(bufs[b], msg_hbm.at[pl.ds(ebase + j * CH, CH)],
                              wsems[b]).wait()

    _unpack_s(0)
    _gather(0, 0)

    @pl.loop(0, NJ, step=NBUF)
    def _(j):
        for b in range(NBUF):
            jj = j + b
            nb = (b + 1) % NBUF

            @pl.when(jj >= 1)
            def _():
                _wait_write(jj - 1, nb)

            @pl.when(jj + 1 < NJ)
            def _():
                _unpack_s(jj + 1)
                _gather(jj + 1, nb)

            _wait_gather(jj, b)
            _write(jj, b)

    _wait_write(NJ - 1, (NJ - 1) % NBUF)
    plsc.subcore_barrier()

    @pl.loop(0, CH)
    def _(r):
        @pl.loop(0, HD, step=16)
        def _(col):
            bufs[0][r, pl.ds(col, 16)] = jnp.zeros((16,), jnp.float32)

    base = s * SLAB

    @pl.loop(0, SLAB // CH)
    def _(k):
        pltpu.sync_copy(bufs[0], scr_sh.at[pl.ds(base + k * CH, CH)])

    plsc.subcore_barrier()

    def _read(j, b):
        pltpu.async_copy(msg_hbm.at[pl.ds(ebase + j * CH, CH)], bufs[b], gsems[b])

    def _wait_read(j, b):
        pltpu.make_async_copy(msg_hbm.at[pl.ds(ebase + j * CH, CH)],
                              bufs[b], gsems[b]).wait()

    def _scatter(j, b):
        pltpu.sync_copy(bufs[b], scr_sh.at[dring.at[lax.rem(j, RB)]], add=True)

    _unpack_d(0)
    _read(0, 0)

    @pl.loop(0, NJ, step=NBUF)
    def _(j):
        for b in range(NBUF):
            jj = j + b
            nb = (b + 1) % NBUF

            @pl.when(jj + 1 < NJ)
            def _():
                _unpack_d(jj + 1)
                _read(jj + 1, nb)

            _wait_read(jj, b)
            _scatter(jj, b)

    plsc.subcore_barrier()
    pltpu.sync_copy(scr_sh.at[pl.ds(base, SLAB)], out_hbm.at[c, pl.ds(base, SLAB)])


def _gcn_agg(hw, pidx):
    return _gcn_conv_sc(hw, pidx)[1]



def _gelu(x):
    return 0.5 * x * (1.0 + lax.erf(x * 0.7071067811865476))


def _dinv_of(degp_ref):
    deg = degp_ref[0] + degp_ref[1] + 1.0
    return lax.rsqrt(deg[:, 0:1])


def _tc0_body(x_ref, wred_ref, bred_ref, h0_ref):
    h0_ref[...] = _gelu(jnp.dot(x_ref[...], wred_ref[...],
                                preferred_element_type=jnp.float32) + bred_ref[...])


def _tc1_body(h0_ref, w1_ref, degp_ref, hw1_ref):
    dinv = _dinv_of(degp_ref)
    hw1_ref[...] = jnp.dot(h0_ref[...], w1_ref[...],
                           preferred_element_type=jnp.float32) * dinv


def _post_conv(acc_ref, hw_ref, res_ref, dinv, b_ref, g_ref, be_ref, m_ref, v_ref):
    agg = acc_ref[0] + acc_ref[1] + hw_ref[...]
    conv = agg * dinv + b_ref[...]
    bn = (conv - m_ref[...]) * lax.rsqrt(v_ref[...] + 1e-5) * g_ref[...] + be_ref[...]
    return _gelu(bn) + res_ref[...]


def _tc2_body(acc_ref, hw_ref, res_ref, degp_ref, b_ref, g_ref, be_ref,
              m_ref, v_ref, w_ref, h_ref, hwn_ref):
    dinv = _dinv_of(degp_ref)
    h = _post_conv(acc_ref, hw_ref, res_ref, dinv, b_ref, g_ref, be_ref, m_ref, v_ref)
    h_ref[...] = h
    hwn_ref[...] = jnp.dot(h, w_ref[...], preferred_element_type=jnp.float32) * dinv


def _tc3_body(acc_ref, hw_ref, res_ref, degp_ref, b_ref, g_ref, be_ref,
              m_ref, v_ref, wlin_ref, blin_ref, out_ref):
    dinv = _dinv_of(degp_ref)
    h = _post_conv(acc_ref, hw_ref, res_ref, dinv, b_ref, g_ref, be_ref, m_ref, v_ref)
    out_ref[...] = jnp.dot(h, wlin_ref[...],
                           preferred_element_type=jnp.float32) + blin_ref[...]


_row_spec = pl.BlockSpec((BR, HD), lambda i: (i, 0))
_w_spec = pl.BlockSpec((HD, HD), lambda i: (0, 0))
_vec_spec = pl.BlockSpec((1, HD), lambda i: (0, 0))
_deg_spec = pl.BlockSpec((2, BR, DW), lambda i: (0, i, 0))
_acc_spec = pl.BlockSpec((2, BR, HD), lambda i: (0, i, 0))
_G = N // BR


def _tc0(x, wred, bred):
    return pl.pallas_call(
        _tc0_body,
        grid=(_G,),
        in_specs=[_row_spec, _w_spec, _vec_spec],
        out_specs=[_row_spec],
        out_shape=[jax.ShapeDtypeStruct((N, HD), jnp.float32)],
    )(x, wred, bred)[0]


def _tc1(h0, w1, degp):
    return pl.pallas_call(
        _tc1_body,
        grid=(_G,),
        in_specs=[_row_spec, _w_spec, _deg_spec],
        out_specs=[_row_spec],
        out_shape=[jax.ShapeDtypeStruct((N, HD), jnp.float32)],
    )(h0, w1, degp)[0]


def _tc2(acc, hw, res, degp, b, g, be, m, v, w):
    return pl.pallas_call(
        _tc2_body,
        grid=(_G,),
        in_specs=[_acc_spec, _row_spec, _row_spec, _deg_spec,
                  _vec_spec, _vec_spec, _vec_spec, _vec_spec, _vec_spec, _w_spec],
        out_specs=[_row_spec, _row_spec],
        out_shape=[jax.ShapeDtypeStruct((N, HD), jnp.float32)] * 2,
    )(acc, hw, res, degp, b, g, be, m, v, w)


def _tc3(acc, hw, res, degp, b, g, be, m, v, wlin, blin):
    return pl.pallas_call(
        _tc3_body,
        grid=(_G,),
        in_specs=[_acc_spec, _row_spec, _row_spec, _deg_spec,
                  _vec_spec, _vec_spec, _vec_spec, _vec_spec, _vec_spec,
                  pl.BlockSpec((HD, CLS), lambda i: (0, 0)),
                  pl.BlockSpec((1, CLS), lambda i: (0, 0))],
        out_specs=[pl.BlockSpec((BR, CLS), lambda i: (i, 0))],
        out_shape=[jax.ShapeDtypeStruct((N, CLS), jnp.float32)],
    )(acc, hw, res, degp, b, g, be, m, v, wlin, blin)[0]



def kernel(x, edge_index, W_red, b_red, W1, b1, g1, beta1, m1, v1,
           W2, b2, g2, beta2, m2, v2, W_lin, b_lin):
    src = edge_index[0]
    dst = edge_index[1]
    sidx = jnp.concatenate([src, jnp.zeros((EP - E,), jnp.int32)])
    didx = jnp.concatenate([dst, jnp.full((EP - E,), GR, jnp.int32)])
    pidx = (sidx | (didx << 16)).reshape(NTILE, NJ, CH)
    didx = didx.reshape(NTILE, NJ, CH)

    h0 = _tc0(x, W_red, b_red.reshape(1, HD))
    degp = _deg_sc(didx)
    hw1 = _tc1(h0, W1, degp)
    acc1 = _gcn_agg(hw1, pidx)
    h1, hw2 = _tc2(acc1, hw1, h0, degp, b1.reshape(1, HD), g1.reshape(1, HD),
                   beta1.reshape(1, HD), m1.reshape(1, HD), v1.reshape(1, HD), W2)
    acc2 = _gcn_agg(hw2, pidx)
    return _tc3(acc2, hw2, h1, degp, b2.reshape(1, HD), g2.reshape(1, HD),
                beta2.reshape(1, HD), m2.reshape(1, HD), v2.reshape(1, HD),
                W_lin, b_lin.reshape(1, CLS))

# --- scband reference (transcript-rebuilt; emitter-appended) ---
"""Pipeline reference for scband-gnnmodel-65584150610196 (READ-ONLY COPY).

The authoritative reference and input builder live on the scoring server;
editing this copy changes nothing except your own understanding.
"""

import jax, jax.numpy as jnp
import numpy as np

N = 10000
E = 320000
D = 128
H = 128
C = 40


def setup_inputs(seed: int = 0) -> dict:
    key = jax.random.key(seed)
    ks = jax.random.split(key, 16)
    inp = {}
    inp["x"] = jax.random.normal(ks[0], (N, D), dtype=jnp.float32)
    inp["edge_index"] = jax.random.randint(ks[1], (2, E), 0, N, dtype=jnp.int32)
    # dim_reduce linear
    inp["W_red"] = jax.random.normal(ks[2], (D, H), dtype=jnp.float32) * (1.0 / np.sqrt(D))
    inp["b_red"] = jax.random.normal(ks[3], (H,), dtype=jnp.float32) * 0.01
    # GCNConv 1
    inp["W1"] = jax.random.normal(ks[4], (H, H), dtype=jnp.float32) * (1.0 / np.sqrt(H))
    inp["b1"] = jnp.zeros((H,), dtype=jnp.float32)
    inp["g1"] = jnp.ones((H,), dtype=jnp.float32)
    inp["beta1"] = jnp.zeros((H,), dtype=jnp.float32)
    inp["m1"] = jnp.zeros((H,), dtype=jnp.float32)
    inp["v1"] = jnp.ones((H,), dtype=jnp.float32)
    # GCNConv 2
    inp["W2"] = jax.random.normal(ks[5], (H, H), dtype=jnp.float32) * (1.0 / np.sqrt(H))
    inp["b2"] = jnp.zeros((H,), dtype=jnp.float32)
    inp["g2"] = jnp.ones((H,), dtype=jnp.float32)
    inp["beta2"] = jnp.zeros((H,), dtype=jnp.float32)
    inp["m2"] = jnp.zeros((H,), dtype=jnp.float32)
    inp["v2"] = jnp.ones((H,), dtype=jnp.float32)
    # output linear
    inp["W_lin"] = jax.random.normal(ks[6], (H, C), dtype=jnp.float32) * (1.0 / np.sqrt(H))
    inp["b_lin"] = jax.random.normal(ks[7], (C,), dtype=jnp.float32) * 0.01
    return inp


def reference(x, edge_index, W_red, b_red, W1, b1, g1, beta1, m1, v1, W2, b2, g2, beta2, m2, v2, W_lin, b_lin):
    n = x.shape[0]
    src = edge_index[0]
    dst = edge_index[1]
    loop = jnp.arange(n, dtype=src.dtype)
    s = jnp.concatenate([src, loop])
    d = jnp.concatenate([dst, loop])
    deg = jnp.zeros((n,), dtype=x.dtype).at[d].add(1.0)
    dinv = jnp.where(deg > 0, jax.lax.rsqrt(deg), 0.0)
    norm = (dinv[s] * dinv[d])[:, None]

    def gcn_conv(h, W, b):
        hw = h @ W
        msg = hw[s] * norm
        out = jnp.zeros_like(hw).at[d].add(msg)
        return out + b

    def bn_eval(h, g, be, m, v):
        return (h - m) * jax.lax.rsqrt(v + 1e-5) * g + be

    h = jax.nn.gelu(x @ W_red + b_red, approximate=False)
    identity = h
    h = gcn_conv(h, W1, b1)
    h = bn_eval(h, g1, beta1, m1, v1)
    h = jax.nn.gelu(h, approximate=False)
    h = h + identity  # dropout is identity in eval mode
    identity = h
    h = gcn_conv(h, W2, b2)
    h = bn_eval(h, g2, beta2, m2, v2)
    h = jax.nn.gelu(h, approximate=False)
    h = h + identity
    return h @ W_lin + b_lin

if __name__ == "__main__":
    import jax
    _d = setup_inputs()
    print(jax.jit(kernel)(*tuple(_d.values())))

</pallas_src>

<mosaic_0001>
#map = affine_map<(d0, d1) -> (0, 0, 0)>
module attributes {stable_mosaic.version = 14 : i64} {
  func.func @_deg_sc(%arg0: i32, %arg1: i32, %arg2: memref<32x80x128xi32, #tpu.memory_space<hbm>>, %arg3: memref<2x10240x16xf32, #tpu.memory_space<hbm>>, %arg4: memref<80x128xi32, #tpu.memory_space<vmem>>, %arg5: memref<128x16xf32, #tpu.memory_space<vmem>>, %arg6: memref<128x16xf32, #tpu.memory_space<vmem>>, %arg7: memref<10240x16xf32, #tpu.memory_space<vmem_shared>>, %arg8: memref<!tpu.dma_semaphore, #tpu.memory_space<semaphore_mem>>) attributes {dimension_semantics = [#tpu.dimension_semantics<core_parallel>, #tpu.dimension_semantics<subcore_parallel>], iteration_bounds = array<i64: 2, 16>, scalar_prefetch = 0 : i64, scratch_operands = 5 : i64, tpu.core_type = #tpu.core_type<sc_vector_subcore>, window_params = [{transform_indices = #map}, {transform_indices = #map}]} {
    %mul3A = arith.constant 16 : i32
    %mul3A_0 = arith.muli %arg0, %mul3A : i32
    %add3A = arith.addi %mul3A_0, %arg1 : i32
    %dma_start3A = arith.constant 0 : i32
    %dma_start3A_1 = arith.constant 0 : i32
    %dma_start3A_2 = tpu.memref_slice %arg2[%add3A, %dma_start3A, %dma_start3A_1] : memref<32x80x128xi32, #tpu.memory_space<hbm>> -> memref<1x80x128xi32, #tpu.memory_space<hbm>>
    %dma_start3A_3 = tpu.memref_squeeze %dma_start3A_2 : memref<1x80x128xi32, #tpu.memory_space<hbm>> -> memref<80x128xi32, #tpu.memory_space<hbm>>
    %dma_start3A_4 = arith.constant 0 : i32
    %dma_start3A_5 = arith.constant 0 : i32
    %dma_start3A_6 = tpu.memref_slice %arg2[%add3A, %dma_start3A_4, %dma_start3A_5] : memref<32x80x128xi32, #tpu.memory_space<hbm>> -> memref<1x80x128xi32, #tpu.memory_space<hbm>>
    %dma_start3A_7 = tpu.memref_squeeze %dma_start3A_6 : memref<1x80x128xi32, #tpu.memory_space<hbm>> -> memref<80x128xi32, #tpu.memory_space<hbm>>
    tpu.enqueue_dma source(%dma_start3A_7 : memref<80x128xi32, #tpu.memory_space<hbm>>) target(%arg4 : memref<80x128xi32, #tpu.memory_space<vmem>>) target_semaphore(%arg8 : memref<!tpu.dma_semaphore, #tpu.memory_space<semaphore_mem>>)
    %scan3A = arith.constant 0 : i32
    %scan3A_8 = arith.constant 128 : i32
    %scan3A_9 = arith.addi %scan3A, %scan3A_8 : i32
    %scan3A_10 = arith.constant 1 : i32
    scf.for %scan3A_32 = %scan3A to %scan3A_9 step %scan3A_10  : i32 {
      %mul3A_33 = arith.constant 1 : i32
      %mul3A_34 = arith.muli %scan3A_32, %mul3A_33 : i32
      %add3A_35 = arith.constant 0 : i32
      %add3A_36 = arith.addi %add3A_35, %mul3A_34 : i32
      %broadcast_in_dim3A = arith.constant 1.000000e+00 : f32
      %broadcast_in_dim3A_37 = vector.broadcast %broadcast_in_dim3A : f32 to vector<16xf32>
      %swap3A = arith.index_cast %add3A_36 : i32 to index
      %swap3A_38 = arith.constant 0 : index
      %swap3A_39 = tpu.vector_load %arg5[%swap3A, %swap3A_38] {strides = array<i32>} : memref<128x16xf32, #tpu.memory_space<vmem>>, vector<1x16xf32>,
      %swap3A_40 = vector.shape_cast %swap3A_39 : vector<1x16xf32> to vector<16xf32>
      %swap3A_41 = vector.shape_cast %broadcast_in_dim3A_37 : vector<16xf32> to vector<1x16xf32>
      tpu.vector_store %arg5[%swap3A, %swap3A_38], %swap3A_41 {strides = array<i32>} : memref<128x16xf32, #tpu.memory_space<vmem>>, vector<1x16xf32>,
      %broadcast_in_dim3A_42 = arith.constant 0.000000e+00 : f32
      %broadcast_in_dim3A_43 = vector.broadcast %broadcast_in_dim3A_42 : f32 to vector<16xf32>
      %swap3A_44 = arith.index_cast %add3A_36 : i32 to index
      %swap3A_45 = arith.constant 0 : index
      %swap3A_46 = tpu.vector_load %arg6[%swap3A_44, %swap3A_45] {strides = array<i32>} : memref<128x16xf32, #tpu.memory_space<vmem>>, vector<1x16xf32>,
      %swap3A_47 = vector.shape_cast %swap3A_46 : vector<1x16xf32> to vector<16xf32>
      %swap3A_48 = vector.shape_cast %broadcast_in_dim3A_43 : vector<16xf32> to vector<1x16xf32>
      tpu.vector_store %arg6[%swap3A_44, %swap3A_45], %swap3A_48 {strides = array<i32>} : memref<128x16xf32, #tpu.memory_space<vmem>>, vector<1x16xf32>,
    }
    %scan3A_11 = arith.constant 128 : i32
    %mul3A_12 = arith.constant 640 : i32
    %mul3A_13 = arith.muli %arg1, %mul3A_12 : i32
    %scan3A_14 = arith.constant 0 : i32
    %scan3A_15 = arith.constant 5 : i32
    %scan3A_16 = arith.addi %scan3A_14, %scan3A_15 : i32
    %scan3A_17 = arith.constant 1 : i32
    scf.for %scan3A_32 = %scan3A_14 to %scan3A_16 step %scan3A_17  : i32 {
      %mul3A_33 = arith.constant 1 : i32
      %mul3A_34 = arith.muli %scan3A_32, %mul3A_33 : i32
      %add3A_35 = arith.constant 0 : i32
      %add3A_36 = arith.addi %add3A_35, %mul3A_34 : i32
      %mul3A_37 = arith.constant 128 : i32
      %mul3A_38 = arith.muli %add3A_36, %mul3A_37 : i32
      %add3A_39 = arith.addi %mul3A_13, %mul3A_38 : i32
      "tpu.region"() ({
        %run_scoped3A = tpu.sem_alloc : memref<!tpu.dma_semaphore, #tpu.memory_space<semaphore_mem>>
        %dma_start3A_40 = arith.constant 0 : i32
        %dma_start3A_41 = tpu.memref_slice %arg7[%add3A_39, %dma_start3A_40] : memref<10240x16xf32, #tpu.memory_space<vmem_shared>> -> memref<128x16xf32, #tpu.memory_space<vmem_shared>>
        %dma_start3A_42 = arith.constant 0 : i32
        %dma_start3A_43 = tpu.memref_slice %arg7[%add3A_39, %dma_start3A_42] : memref<10240x16xf32, #tpu.memory_space<vmem_shared>> -> memref<128x16xf32, #tpu.memory_space<vmem_shared>>
        tpu.enqueue_dma source(%arg6 : memref<128x16xf32, #tpu.memory_space<vmem>>) target(%dma_start3A_43 : memref<128x16xf32, #tpu.memory_space<vmem_shared>>) target_semaphore(%run_scoped3A : memref<!tpu.dma_semaphore, #tpu.memory_space<semaphore_mem>>)
        %dma_wait3A_44 = arith.constant 0 : i32
        %dma_wait3A_45 = tpu.memref_slice %arg7[%add3A_39, %dma_wait3A_44] : memref<10240x16xf32, #tpu.memory_space<vmem_shared>> -> memref<128x16xf32, #tpu.memory_space<vmem_shared>>
        %dma_wait3A_46 = arith.constant 0 : i32
        %dma_wait3A_47 = tpu.memref_slice %arg7[%add3A_39, %dma_wait3A_46] : memref<10240x16xf32, #tpu.memory_space<vmem_shared>> -> memref<128x16xf32, #tpu.memory_space<vmem_shared>>
        tpu.wait_dma2 semaphore(%run_scoped3A : memref<!tpu.dma_semaphore, #tpu.memory_space<semaphore_mem>>) src(%arg6 : memref<128x16xf32, #tpu.memory_space<vmem>>) dst(%dma_wait3A_47 : memref<128x16xf32, #tpu.memory_space<vmem_shared>>)
        tpu.yield
      }) : () -> ()
    }
    %scan3A_18 = arith.constant 5 : i32
    %dma_wait3A = arith.constant 0 : i32
    %dma_wait3A_19 = arith.constant 0 : i32
    %dma_wait3A_20 = tpu.memref_slice %arg2[%add3A, %dma_wait3A, %dma_wait3A_19] : memref<32x80x128xi32, #tpu.memory_space<hbm>> -> memref<1x80x128xi32, #tpu.memory_space<hbm>>
    %dma_wait3A_21 = tpu.memref_squeeze %dma_wait3A_20 : memref<1x80x128xi32, #tpu.memory_space<hbm>> -> memref<80x128xi32, #tpu.memory_space<hbm>>
    %dma_wait3A_22 = arith.constant 0 : i32
    %dma_wait3A_23 = arith.constant 0 : i32
    %dma_wait3A_24 = tpu.memref_slice %arg2[%add3A, %dma_wait3A_22, %dma_wait3A_23] : memref<32x80x128xi32, #tpu.memory_space<hbm>> -> memref<1x80x128xi32, #tpu.memory_space<hbm>>
    %dma_wait3A_25 = tpu.memref_squeeze %dma_wait3A_24 : memref<1x80x128xi32, #tpu.memory_space<hbm>> -> memref<80x128xi32, #tpu.memory_space<hbm>>
    tpu.wait_dma2 semaphore(%arg8 : memref<!tpu.dma_semaphore, #tpu.memory_space<semaphore_mem>>) src(%dma_wait3A_25 : memref<80x128xi32, #tpu.memory_space<hbm>>) dst(%arg4 : memref<80x128xi32, #tpu.memory_space<vmem>>)
    %barrier3A = arith.constant 0 : index
    tpu.barrier barrier_id(%barrier3A)
    %scan3A_26 = arith.constant 0 : i32
    %scan3A_27 = arith.constant 80 : i32
    %scan3A_28 = arith.addi %scan3A_26, %scan3A_27 : i32
    %scan3A_29 = arith.constant 1 : i32
    scf.for %scan3A_32 = %scan3A_26 to %scan3A_28 step %scan3A_29  : i32 {
      %mul3A_33 = arith.constant 1 : i32
      %mul3A_34 = arith.muli %scan3A_32, %mul3A_33 : i32
      %add3A_35 = arith.constant 0 : i32
      %add3A_36 = arith.addi %add3A_35, %mul3A_34 : i32
      "tpu.region"() ({
        %run_scoped3A = tpu.sem_alloc : memref<!tpu.dma_semaphore, #tpu.memory_space<semaphore_mem>>
        %dma_start3A_37 = arith.constant 0 : i32
        %dma_start3A_38 = tpu.memref_slice %arg4[%add3A_36, %dma_start3A_37] : memref<80x128xi32, #tpu.memory_space<vmem>> -> memref<1x128xi32, #tpu.memory_space<vmem>>
        %dma_start3A_39 = tpu.memref_squeeze %dma_start3A_38 : memref<1x128xi32, #tpu.memory_space<vmem>> -> memref<128xi32, #tpu.memory_space<vmem>>
        %dma_start3A_40 = arith.constant 0 : i32
        %dma_start3A_41 = arith.constant 0 : i32
        %dma_start3A_42 = tpu.memref_slice %arg7[%dma_start3A_40, %dma_start3A_41] : memref<10240x16xf32, #tpu.memory_space<vmem_shared>> -> memref<10240x16xf32, #tpu.memory_space<vmem_shared>>
        tpu.enqueue_indirect_dma source(%arg5 : memref<128x16xf32, #tpu.memory_space<vmem>>) target(%dma_start3A_42 : memref<10240x16xf32, #tpu.memory_space<vmem_shared>>) offsets(%dma_start3A_39 : memref<128xi32, #tpu.memory_space<vmem>>) semaphore(%run_scoped3A : memref<!tpu.dma_semaphore, #tpu.memory_space<semaphore_mem>>) {add = true}
        %dma_wait3A_43 = arith.constant 0 : i32
        %dma_wait3A_44 = tpu.memref_slice %arg4[%add3A_36, %dma_wait3A_43] : memref<80x128xi32, #tpu.memory_space<vmem>> -> memref<1x128xi32, #tpu.memory_space<vmem>>
        %dma_wait3A_45 = tpu.memref_squeeze %dma_wait3A_44 : memref<1x128xi32, #tpu.memory_space<vmem>> -> memref<128xi32, #tpu.memory_space<vmem>>
        %dma_wait3A_46 = arith.constant 0 : i32
        %dma_wait3A_47 = arith.constant 0 : i32
        %dma_wait3A_48 = tpu.memref_slice %arg7[%dma_wait3A_46, %dma_wait3A_47] : memref<10240x16xf32, #tpu.memory_space<vmem_shared>> -> memref<10240x16xf32, #tpu.memory_space<vmem_shared>>
        tpu.wait_indirect_dma semaphore(%run_scoped3A : memref<!tpu.dma_semaphore, #tpu.memory_space<semaphore_mem>>) src(%arg5 : memref<128x16xf32, #tpu.memory_space<vmem>>) dst(%dma_wait3A_48 : memref<10240x16xf32, #tpu.memory_space<vmem_shared>>)
        tpu.yield
      }) : () -> ()
    }
    %scan3A_30 = arith.constant 80 : i32
    %barrier3A_31 = arith.constant 0 : index
    tpu.barrier barrier_id(%barrier3A_31)
    "tpu.region"() ({
      %run_scoped3A = tpu.sem_alloc : memref<!tpu.dma_semaphore, #tpu.memory_space<semaphore_mem>>
      %dma_start3A_32 = arith.constant 0 : i32
      %dma_start3A_33 = tpu.memref_slice %arg3[%arg0, %mul3A_13, %dma_start3A_32] : memref<2x10240x16xf32, #tpu.memory_space<hbm>> -> memref<1x640x16xf32, #tpu.memory_space<hbm>>
      %dma_start3A_34 = tpu.memref_squeeze %dma_start3A_33 : memref<1x640x16xf32, #tpu.memory_space<hbm>> -> memref<640x16xf32, #tpu.memory_space<hbm>>
      %dma_start3A_35 = arith.constant 0 : i32
      %dma_start3A_36 = tpu.memref_slice %arg7[%mul3A_13, %dma_start3A_35] : memref<10240x16xf32, #tpu.memory_space<vmem_shared>> -> memref<640x16xf32, #tpu.memory_space<vmem_shared>>
      tpu.enqueue_dma source(%dma_start3A_36 : memref<640x16xf32, #tpu.memory_space<vmem_shared>>) target(%dma_start3A_34 : memref<640x16xf32, #tpu.memory_space<hbm>>) target_semaphore(%run_scoped3A : memref<!tpu.dma_semaphore, #tpu.memory_space<semaphore_mem>>)
      %dma_wait3A_37 = arith.constant 0 : i32
      %dma_wait3A_38 = tpu.memref_slice %arg3[%arg0, %mul3A_13, %dma_wait3A_37] : memref<2x10240x16xf32, #tpu.memory_space<hbm>> -> memref<1x640x16xf32, #tpu.memory_space<hbm>>
      %dma_wait3A_39 = tpu.memref_squeeze %dma_wait3A_38 : memref<1x640x16xf32, #tpu.memory_space<hbm>> -> memref<640x16xf32, #tpu.memory_space<hbm>>
      %dma_wait3A_40 = arith.constant 0 : i32
      %dma_wait3A_41 = tpu.memref_slice %arg7[%mul3A_13, %dma_wait3A_40] : memref<10240x16xf32, #tpu.memory_space<vmem_shared>> -> memref<640x16xf32, #tpu.memory_space<vmem_shared>>
      tpu.wait_dma2 semaphore(%run_scoped3A : memref<!tpu.dma_semaphore, #tpu.memory_space<semaphore_mem>>) src(%dma_wait3A_41 : memref<640x16xf32, #tpu.memory_space<vmem_shared>>) dst(%dma_wait3A_39 : memref<640x16xf32, #tpu.memory_space<hbm>>)
      tpu.yield
    }) : () -> ()
    return
  }
}

#map = affine_map<(d0, d1) -> (0, 0)>
#map1 = affine_map<(d0, d1) -> (0, 0, 0)>
module attributes {stable_mosaic.version = 14 : i64} {
  func.func @_gcn_conv_sc(%arg0: i32, %arg1: i32, %arg2: memref<10000x128xf32, #tpu.memory_space<hbm>>, %arg3: memref<32x80x128xi32, #tpu.memory_space<hbm>>, %arg4: memref<327680x128xf32, #tpu.memory_space<hbm>>, %arg5: memref<2x10240x128xf32, #tpu.memory_space<hbm>>, %arg6: memref<80x128xi32, #tpu.memory_space<vmem>>, %arg7: memref<4x128xi32, #tpu.memory_space<vmem>>, %arg8: memref<4x128xi32, #tpu.memory_space<vmem>>, %arg9: memref<128x128xf32, #tpu.memory_space<vmem>>, %arg10: memref<128x128xf32, #tpu.memory_space<vmem>>, %arg11: memref<10240x128xf32, #tpu.memory_space<vmem_shared>>, %arg12: memref<!tpu.dma_semaphore, #tpu.memory_space<semaphore_mem>>, %arg13: memref<!tpu.dma_semaphore, #tpu.memory_space<semaphore_mem>>, %arg14: memref<!tpu.dma_semaphore, #tpu.memory_space<semaphore_mem>>, %arg15: memref<!tpu.dma_semaphore, #tpu.memory_space<semaphore_mem>>, %arg16: memref<!tpu.dma_semaphore, #tpu.memory_space<semaphore_mem>>) attributes {dimension_semantics = [#tpu.dimension_semantics<core_parallel>, #tpu.dimension_semantics<subcore_parallel>], iteration_bounds = array<i64: 2, 16>, scalar_prefetch = 0 : i64, scratch_operands = 11 : i64, tpu.core_type = #tpu.core_type<sc_vector_subcore>, window_params = [{transform_indices = #map}, {transform_indices = #map1}, {transform_indices = #map}, {transform_indices = #map1}]} {
    %mul3A = arith.constant 16 : i32
    %mul3A_0 = arith.muli %arg0, %mul3A : i32
    %add3A = arith.addi %mul3A_0, %arg1 : i32
    %mul3A_1 = arith.constant 10240 : i32
    %mul3A_2 = arith.muli %add3A, %mul3A_1 : i32
    %dma_start3A = arith.constant 0 : i32
    %dma_start3A_3 = arith.constant 0 : i32
    %dma_start3A_4 = tpu.memref_slice %arg3[%add3A, %dma_start3A, %dma_start3A_3] : memref<32x80x128xi32, #tpu.memory_space<hbm>> -> memref<1x80x128xi32, #tpu.memory_space<hbm>>
    %dma_start3A_5 = tpu.memref_squeeze %dma_start3A_4 : memref<1x80x128xi32, #tpu.memory_space<hbm>> -> memref<80x128xi32, #tpu.memory_space<hbm>>
    %dma_start3A_6 = arith.constant 0 : i32
    %dma_start3A_7 = arith.constant 0 : i32
    %dma_start3A_8 = tpu.memref_slice %arg3[%add3A, %dma_start3A_6, %dma_start3A_7] : memref<32x80x128xi32, #tpu.memory_space<hbm>> -> memref<1x80x128xi32, #tpu.memory_space<hbm>>
    %dma_start3A_9 = tpu.memref_squeeze %dma_start3A_8 : memref<1x80x128xi32, #tpu.memory_space<hbm>> -> memref<80x128xi32, #tpu.memory_space<hbm>>
    tpu.enqueue_dma source(%dma_start3A_9 : memref<80x128xi32, #tpu.memory_space<hbm>>) target(%arg6 : memref<80x128xi32, #tpu.memory_space<vmem>>) target_semaphore(%arg16 : memref<!tpu.dma_semaphore, #tpu.memory_space<semaphore_mem>>)
    %mul3A_10 = arith.constant 624 : i32
    %mul3A_11 = arith.muli %arg1, %mul3A_10 : i32
    "tpu.region"() ({
      %run_scoped3A = tpu.sem_alloc : memref<!tpu.dma_semaphore, #tpu.memory_space<semaphore_mem>>
      %dma_start3A_81 = arith.constant 0 : i32
      %dma_start3A_82 = tpu.memref_slice %arg11[%mul3A_11, %dma_start3A_81] : memref<10240x128xf32, #tpu.memory_space<vmem_shared>> -> memref<624x128xf32, #tpu.memory_space<vmem_shared>>
      %dma_start3A_83 = arith.constant 0 : i32
      %dma_start3A_84 = tpu.memref_slice %arg2[%mul3A_11, %dma_start3A_83] : memref<10000x128xf32, #tpu.memory_space<hbm>> -> memref<624x128xf32, #tpu.memory_space<hbm>>
      tpu.enqueue_dma source(%dma_start3A_84 : memref<624x128xf32, #tpu.memory_space<hbm>>) target(%dma_start3A_82 : memref<624x128xf32, #tpu.memory_space<vmem_shared>>) target_semaphore(%run_scoped3A : memref<!tpu.dma_semaphore, #tpu.memory_space<semaphore_mem>>)
      %dma_wait3A_85 = arith.constant 0 : i32
      %dma_wait3A_86 = tpu.memref_slice %arg11[%mul3A_11, %dma_wait3A_85] : memref<10240x128xf32, #tpu.memory_space<vmem_shared>> -> memref<624x128xf32, #tpu.memory_space<vmem_shared>>
      %dma_wait3A_87 = arith.constant 0 : i32
      %dma_wait3A_88 = tpu.memref_slice %arg2[%mul3A_11, %dma_wait3A_87] : memref<10000x128xf32, #tpu.memory_space<hbm>> -> memref<624x128xf32, #tpu.memory_space<hbm>>
      tpu.wait_dma2 semaphore(%run_scoped3A : memref<!tpu.dma_semaphore, #tpu.memory_space<semaphore_mem>>) src(%dma_wait3A_88 : memref<624x128xf32, #tpu.memory_space<hbm>>) dst(%dma_wait3A_86 : memref<624x128xf32, #tpu.memory_space<vmem_shared>>)
      tpu.yield
    }) : () -> ()
    %eq3A = arith.constant 0 : i32
    %eq3A_12 = arith.cmpi eq, %arg1, %eq3A : i32
    %convert_element_type3A = arith.extui %eq3A_12 : i1 to i32
    %cond3A = arith.constant 0 : i32
    %cond3A_13 = arith.cmpi ne, %convert_element_type3A, %cond3A : i32
    scf.if %cond3A_13 {
      "tpu.region"() ({
        %run_scoped3A = tpu.sem_alloc : memref<!tpu.dma_semaphore, #tpu.memory_space<semaphore_mem>>
        %dma_start3A_81 = arith.constant 9984 : i32
        %dma_start3A_82 = arith.constant 0 : i32
        %dma_start3A_83 = tpu.memref_slice %arg11[%dma_start3A_81, %dma_start3A_82] : memref<10240x128xf32, #tpu.memory_space<vmem_shared>> -> memref<16x128xf32, #tpu.memory_space<vmem_shared>>
        %dma_start3A_84 = arith.constant 9984 : i32
        %dma_start3A_85 = arith.constant 0 : i32
        %dma_start3A_86 = tpu.memref_slice %arg2[%dma_start3A_84, %dma_start3A_85] : memref<10000x128xf32, #tpu.memory_space<hbm>> -> memref<16x128xf32, #tpu.memory_space<hbm>>
        tpu.enqueue_dma source(%dma_start3A_86 : memref<16x128xf32, #tpu.memory_space<hbm>>) target(%dma_start3A_83 : memref<16x128xf32, #tpu.memory_space<vmem_shared>>) target_semaphore(%run_scoped3A : memref<!tpu.dma_semaphore, #tpu.memory_space<semaphore_mem>>)
        %dma_wait3A_87 = arith.constant 9984 : i32
        %dma_wait3A_88 = arith.constant 0 : i32
        %dma_wait3A_89 = tpu.memref_slice %arg11[%dma_wait3A_87, %dma_wait3A_88] : memref<10240x128xf32, #tpu.memory_space<vmem_shared>> -> memref<16x128xf32, #tpu.memory_space<vmem_shared>>
        %dma_wait3A_90 = arith.constant 9984 : i32
        %dma_wait3A_91 = arith.constant 0 : i32
        %dma_wait3A_92 = tpu.memref_slice %arg2[%dma_wait3A_90, %dma_wait3A_91] : memref<10000x128xf32, #tpu.memory_space<hbm>> -> memref<16x128xf32, #tpu.memory_space<hbm>>
        tpu.wait_dma2 semaphore(%run_scoped3A : memref<!tpu.dma_semaphore, #tpu.memory_space<semaphore_mem>>) src(%dma_wait3A_92 : memref<16x128xf32, #tpu.memory_space<hbm>>) dst(%dma_wait3A_89 : memref<16x128xf32, #tpu.memory_space<vmem_shared>>)
        tpu.yield
      }) : () -> ()
    } else {
    }
    %dma_wait3A = arith.constant 0 : i32
    %dma_wait3A_14 = arith.constant 0 : i32
    %dma_wait3A_15 = tpu.memref_slice %arg3[%add3A, %dma_wait3A, %dma_wait3A_14] : memref<32x80x128xi32, #tpu.memory_space<hbm>> -> memref<1x80x128xi32, #tpu.memory_space<hbm>>
    %dma_wait3A_16 = tpu.memref_squeeze %dma_wait3A_15 : memref<1x80x128xi32, #tpu.memory_space<hbm>> -> memref<80x128xi32, #tpu.memory_space<hbm>>
    %dma_wait3A_17 = arith.constant 0 : i32
    %dma_wait3A_18 = arith.constant 0 : i32
    %dma_wait3A_19 = tpu.memref_slice %arg3[%add3A, %dma_wait3A_17, %dma_wait3A_18] : memref<32x80x128xi32, #tpu.memory_space<hbm>> -> memref<1x80x128xi32, #tpu.memory_space<hbm>>
    %dma_wait3A_20 = tpu.memref_squeeze %dma_wait3A_19 : memref<1x80x128xi32, #tpu.memory_space<hbm>> -> memref<80x128xi32, #tpu.memory_space<hbm>>
    tpu.wait_dma2 semaphore(%arg16 : memref<!tpu.dma_semaphore, #tpu.memory_space<semaphore_mem>>) src(%dma_wait3A_20 : memref<80x128xi32, #tpu.memory_space<hbm>>) dst(%arg6 : memref<80x128xi32, #tpu.memory_space<vmem>>)
    %barrier3A = arith.constant 0 : index
    tpu.barrier barrier_id(%barrier3A)
    %rem3A = arith.constant 0 : i32
    %rem3A_21 = arith.constant 4 : i32
    %rem3A_22 = arith.remsi %rem3A, %rem3A_21 : i32
    %scan3A = arith.constant 0 : i32
    %scan3A_23 = arith.constant 8 : i32
    %scan3A_24 = arith.addi %scan3A, %scan3A_23 : i32
    %scan3A_25 = arith.constant 1 : i32
    scf.for %scan3A_81 = %scan3A to %scan3A_24 step %scan3A_25  : i32 {
      %mul3A_82 = arith.constant 16 : i32
      %mul3A_83 = arith.muli %scan3A_81, %mul3A_82 : i32
      %add3A_84 = arith.constant 0 : i32
      %add3A_85 = arith.addi %add3A_84, %mul3A_83 : i32
      %get3A = arith.constant 0 : i32
      %get3A_86 = arith.index_cast %get3A : i32 to index
      %get3A_87 = arith.index_cast %add3A_85 : i32 to index
      %get3A_88 = tpu.vector_load %arg6[%get3A_86, %get3A_87] {strides = array<i32>} : memref<80x128xi32, #tpu.memory_space<vmem>>, vector<1x16xi32>,
      %get3A_89 = vector.shape_cast %get3A_88 : vector<1x16xi32> to vector<16xi32>
      %and3A = arith.constant 65535 : i32
      %and3A_90 = vector.broadcast %and3A : i32 to vector<16xi32>
      %and3A_91 = arith.andi %get3A_89, %and3A_90 : vector<16xi32>
      %swap3A = arith.index_cast %rem3A_22 : i32 to index
      %swap3A_92 = arith.index_cast %add3A_85 : i32 to index
      %swap3A_93 = tpu.vector_load %arg7[%swap3A, %swap3A_92] {strides = array<i32>} : memref<4x128xi32, #tpu.memory_space<vmem>>, vector<1x16xi32>,
      %swap3A_94 = vector.shape_cast %swap3A_93 : vector<1x16xi32> to vector<16xi32>
      %swap3A_95 = vector.shape_cast %and3A_91 : vector<16xi32> to vector<1x16xi32>
      tpu.vector_store %arg7[%swap3A, %swap3A_92], %swap3A_95 {strides = array<i32>} : memref<4x128xi32, #tpu.memory_space<vmem>>, vector<1x16xi32>,
    }
    %scan3A_26 = arith.constant 8 : i32
    %rem3A_27 = arith.constant 0 : i32
    %rem3A_28 = arith.constant 4 : i32
    %rem3A_29 = arith.remsi %rem3A_27, %rem3A_28 : i32
    %dma_start3A_30 = arith.constant 0 : i32
    %dma_start3A_31 = tpu.memref_slice %arg7[%rem3A_29, %dma_start3A_30] : memref<4x128xi32, #tpu.memory_space<vmem>> -> memref<1x128xi32, #tpu.memory_space<vmem>>
    %dma_start3A_32 = tpu.memref_squeeze %dma_start3A_31 : memref<1x128xi32, #tpu.memory_space<vmem>> -> memref<128xi32, #tpu.memory_space<vmem>>
    %dma_start3A_33 = arith.constant 0 : i32
    %dma_start3A_34 = arith.constant 0 : i32
    %dma_start3A_35 = tpu.memref_slice %arg11[%dma_start3A_33, %dma_start3A_34] : memref<10240x128xf32, #tpu.memory_space<vmem_shared>> -> memref<10240x128xf32, #tpu.memory_space<vmem_shared>>
    tpu.enqueue_indirect_dma source(%dma_start3A_35 : memref<10240x128xf32, #tpu.memory_space<vmem_shared>>) target(%arg9 : memref<128x128xf32, #tpu.memory_space<vmem>>) offsets(%dma_start3A_32 : memref<128xi32, #tpu.memory_space<vmem>>) semaphore(%arg12 : memref<!tpu.dma_semaphore, #tpu.memory_space<semaphore_mem>>)
    %scan3A_36 = arith.constant 0 : i32
    %scan3A_37 = arith.constant 40 : i32
    %scan3A_38 = arith.addi %scan3A_36, %scan3A_37 : i32
    %scan3A_39 = arith.constant 1 : i32
    scf.for %scan3A_81 = %scan3A_36 to %scan3A_38 step %scan3A_39  : i32 {
      %mul3A_82 = arith.constant 2 : i32
      %mul3A_83 = arith.muli %scan3A_81, %mul3A_82 : i32
      %add3A_84 = arith.constant 0 : i32
      %add3A_85 = arith.addi %add3A_84, %mul3A_83 : i32
      %add3A_86 = arith.constant 0 : i32
      %add3A_87 = arith.addi %add3A_85, %add3A_86 : i32
      %ge3A = arith.constant 1 : i32
      %ge3A_88 = arith.cmpi sge, %add3A_87, %ge3A : i32
      %convert_element_type3A_89 = arith.extui %ge3A_88 : i1 to i32
      %cond3A_90 = arith.constant 0 : i32
      %cond3A_91 = arith.cmpi ne, %convert_element_type3A_89, %cond3A_90 : i32
      scf.if %cond3A_91 {
        %sub3A = arith.constant 1 : i32
        %sub3A_142 = arith.subi %add3A_87, %sub3A : i32
        %mul3A_143 = arith.constant 128 : i32
        %mul3A_144 = arith.muli %sub3A_142, %mul3A_143 : i32
        %add3A_145 = arith.addi %mul3A_2, %mul3A_144 : i32
        %dma_wait3A_146 = arith.constant 0 : i32
        %dma_wait3A_147 = tpu.memref_slice %arg4[%add3A_145, %dma_wait3A_146] : memref<327680x128xf32, #tpu.memory_space<hbm>> -> memref<128x128xf32, #tpu.memory_space<hbm>>
        %dma_wait3A_148 = arith.constant 0 : i32
        %dma_wait3A_149 = tpu.memref_slice %arg4[%add3A_145, %dma_wait3A_148] : memref<327680x128xf32, #tpu.memory_space<hbm>> -> memref<128x128xf32, #tpu.memory_space<hbm>>
        tpu.wait_dma2 semaphore(%arg15 : memref<!tpu.dma_semaphore, #tpu.memory_space<semaphore_mem>>) src(%arg10 : memref<128x128xf32, #tpu.memory_space<vmem>>) dst(%dma_wait3A_149 : memref<128x128xf32, #tpu.memory_space<hbm>>)
      } else {
      }
      %add3A_92 = arith.constant 1 : i32
      %add3A_93 = arith.addi %add3A_87, %add3A_92 : i32
      %lt3A = arith.constant 80 : i32
      %lt3A_94 = arith.cmpi slt, %add3A_93, %lt3A : i32
      %convert_element_type3A_95 = arith.extui %lt3A_94 : i1 to i32
      %cond3A_96 = arith.constant 0 : i32
      %cond3A_97 = arith.cmpi ne, %convert_element_type3A_95, %cond3A_96 : i32
      scf.if %cond3A_97 {
        %add3A_142 = arith.constant 1 : i32
        %add3A_143 = arith.addi %add3A_87, %add3A_142 : i32
        %rem3A_144 = arith.constant 4 : i32
        %rem3A_145 = arith.remsi %add3A_143, %rem3A_144 : i32
        %scan3A_146 = arith.constant 0 : i32
        %scan3A_147 = arith.constant 8 : i32
        %scan3A_148 = arith.addi %scan3A_146, %scan3A_147 : i32
        %scan3A_149 = arith.constant 1 : i32
        scf.for %scan3A_161 = %scan3A_146 to %scan3A_148 step %scan3A_149  : i32 {
          %mul3A_162 = arith.constant 16 : i32
          %mul3A_163 = arith.muli %scan3A_161, %mul3A_162 : i32
          %add3A_164 = arith.constant 0 : i32
          %add3A_165 = arith.addi %add3A_164, %mul3A_163 : i32
          %get3A = arith.index_cast %add3A_143 : i32 to index
          %get3A_166 = arith.index_cast %add3A_165 : i32 to index
          %get3A_167 = tpu.vector_load %arg6[%get3A, %get3A_166] {strides = array<i32>} : memref<80x128xi32, #tpu.memory_space<vmem>>, vector<1x16xi32>,
          %get3A_168 = vector.shape_cast %get3A_167 : vector<1x16xi32> to vector<16xi32>
          %and3A = arith.constant 65535 : i32
          %and3A_169 = vector.broadcast %and3A : i32 to vector<16xi32>
          %and3A_170 = arith.andi %get3A_168, %and3A_169 : vector<16xi32>
          %swap3A = arith.index_cast %rem3A_145 : i32 to index
          %swap3A_171 = arith.index_cast %add3A_165 : i32 to index
          %swap3A_172 = tpu.vector_load %arg7[%swap3A, %swap3A_171] {strides = array<i32>} : memref<4x128xi32, #tpu.memory_space<vmem>>, vector<1x16xi32>,
          %swap3A_173 = vector.shape_cast %swap3A_172 : vector<1x16xi32> to vector<16xi32>
          %swap3A_174 = vector.shape_cast %and3A_170 : vector<16xi32> to vector<1x16xi32>
          tpu.vector_store %arg7[%swap3A, %swap3A_171], %swap3A_174 {strides = array<i32>} : memref<4x128xi32, #tpu.memory_space<vmem>>, vector<1x16xi32>,
        }
        %scan3A_150 = arith.constant 8 : i32
        %add3A_151 = arith.constant 1 : i32
        %add3A_152 = arith.addi %add3A_87, %add3A_151 : i32
        %rem3A_153 = arith.constant 4 : i32
        %rem3A_154 = arith.remsi %add3A_152, %rem3A_153 : i32
        %dma_start3A_155 = arith.constant 0 : i32
        %dma_start3A_156 = tpu.memref_slice %arg7[%rem3A_154, %dma_start3A_155] : memref<4x128xi32, #tpu.memory_space<vmem>> -> memref<1x128xi32, #tpu.memory_space<vmem>>
        %dma_start3A_157 = tpu.memref_squeeze %dma_start3A_156 : memref<1x128xi32, #tpu.memory_space<vmem>> -> memref<128xi32, #tpu.memory_space<vmem>>
        %dma_start3A_158 = arith.constant 0 : i32
        %dma_start3A_159 = arith.constant 0 : i32
        %dma_start3A_160 = tpu.memref_slice %arg11[%dma_start3A_158, %dma_start3A_159] : memref<10240x128xf32, #tpu.memory_space<vmem_shared>> -> memref<10240x128xf32, #tpu.memory_space<vmem_shared>>
        tpu.enqueue_indirect_dma source(%dma_start3A_160 : memref<10240x128xf32, #tpu.memory_space<vmem_shared>>) target(%arg10 : memref<128x128xf32, #tpu.memory_space<vmem>>) offsets(%dma_start3A_157 : memref<128xi32, #tpu.memory_space<vmem>>) semaphore(%arg13 : memref<!tpu.dma_semaphore, #tpu.memory_space<semaphore_mem>>)
      } else {
      }
      %rem3A_98 = arith.constant 4 : i32
      %rem3A_99 = arith.remsi %add3A_87, %rem3A_98 : i32
      %dma_wait3A_100 = arith.constant 0 : i32
      %dma_wait3A_101 = tpu.memref_slice %arg7[%rem3A_99, %dma_wait3A_100] : memref<4x128xi32, #tpu.memory_space<vmem>> -> memref<1x128xi32, #tpu.memory_space<vmem>>
      %dma_wait3A_102 = tpu.memref_squeeze %dma_wait3A_101 : memref<1x128xi32, #tpu.memory_space<vmem>> -> memref<128xi32, #tpu.memory_space<vmem>>
      %dma_wait3A_103 = arith.constant 0 : i32
      %dma_wait3A_104 = arith.constant 0 : i32
      %dma_wait3A_105 = tpu.memref_slice %arg11[%dma_wait3A_103, %dma_wait3A_104] : memref<10240x128xf32, #tpu.memory_space<vmem_shared>> -> memref<10240x128xf32, #tpu.memory_space<vmem_shared>>
      tpu.wait_indirect_dma semaphore(%arg12 : memref<!tpu.dma_semaphore, #tpu.memory_space<semaphore_mem>>) src(%dma_wait3A_105 : memref<10240x128xf32, #tpu.memory_space<vmem_shared>>) dst(%arg9 : memref<128x128xf32, #tpu.memory_space<vmem>>)
      %mul3A_106 = arith.constant 128 : i32
      %mul3A_107 = arith.muli %add3A_87, %mul3A_106 : i32
      %add3A_108 = arith.addi %mul3A_2, %mul3A_107 : i32
      %dma_start3A_109 = arith.constant 0 : i32
      %dma_start3A_110 = tpu.memref_slice %arg4[%add3A_108, %dma_start3A_109] : memref<327680x128xf32, #tpu.memory_space<hbm>> -> memref<128x128xf32, #tpu.memory_space<hbm>>
      %dma_start3A_111 = arith.constant 0 : i32
      %dma_start3A_112 = tpu.memref_slice %arg4[%add3A_108, %dma_start3A_111] : memref<327680x128xf32, #tpu.memory_space<hbm>> -> memref<128x128xf32, #tpu.memory_space<hbm>>
      tpu.enqueue_dma source(%arg9 : memref<128x128xf32, #tpu.memory_space<vmem>>) target(%dma_start3A_112 : memref<128x128xf32, #tpu.memory_space<hbm>>) target_semaphore(%arg14 : memref<!tpu.dma_semaphore, #tpu.memory_space<semaphore_mem>>)
      %add3A_113 = arith.constant 1 : i32
      %add3A_114 = arith.addi %add3A_85, %add3A_113 : i32
      %ge3A_115 = arith.constant 1 : i32
      %ge3A_116 = arith.cmpi sge, %add3A_114, %ge3A_115 : i32
      %convert_element_type3A_117 = arith.extui %ge3A_116 : i1 to i32
      %cond3A_118 = arith.constant 0 : i32
      %cond3A_119 = arith.cmpi ne, %convert_element_type3A_117, %cond3A_118 : i32
      scf.if %cond3A_119 {
        %sub3A = arith.constant 1 : i32
        %sub3A_142 = arith.subi %add3A_114, %sub3A : i32
        %mul3A_143 = arith.constant 128 : i32
        %mul3A_144 = arith.muli %sub3A_142, %mul3A_143 : i32
        %add3A_145 = arith.addi %mul3A_2, %mul3A_144 : i32
        %dma_wait3A_146 = arith.constant 0 : i32
        %dma_wait3A_147 = tpu.memref_slice %arg4[%add3A_145, %dma_wait3A_146] : memref<327680x128xf32, #tpu.memory_space<hbm>> -> memref<128x128xf32, #tpu.memory_space<hbm>>
        %dma_wait3A_148 = arith.constant 0 : i32
        %dma_wait3A_149 = tpu.memref_slice %arg4[%add3A_145, %dma_wait3A_148] : memref<327680x128xf32, #tpu.memory_space<hbm>> -> memref<128x128xf32, #tpu.memory_space<hbm>>
        tpu.wait_dma2 semaphore(%arg14 : memref<!tpu.dma_semaphore, #tpu.memory_space<semaphore_mem>>) src(%arg9 : memref<128x128xf32, #tpu.memory_space<vmem>>) dst(%dma_wait3A_149 : memref<128x128xf32, #tpu.memory_space<hbm>>)
      } else {
      }
      %add3A_120 = arith.constant 1 : i32
      %add3A_121 = arith.addi %add3A_114, %add3A_120 : i32
      %lt3A_122 = arith.constant 80 : i32
      %lt3A_123 = arith.cmpi slt, %add3A_121, %lt3A_122 : i32
      %convert_element_type3A_124 = arith.extui %lt3A_123 : i1 to i32
      %cond3A_125 = arith.constant 0 : i32
      %cond3A_126 = arith.cmpi ne, %convert_element_type3A_124, %cond3A_125 : i32
      scf.if %cond3A_126 {
        %add3A_142 = arith.constant 1 : i32
        %add3A_143 = arith.addi %add3A_114, %add3A_142 : i32
        %rem3A_144 = arith.constant 4 : i32
        %rem3A_145 = arith.remsi %add3A_143, %rem3A_144 : i32
        %scan3A_146 = arith.constant 0 : i32
        %scan3A_147 = arith.constant 8 : i32
        %scan3A_148 = arith.addi %scan3A_146, %scan3A_147 : i32
        %scan3A_149 = arith.constant 1 : i32
        scf.for %scan3A_161 = %scan3A_146 to %scan3A_148 step %scan3A_149  : i32 {
          %mul3A_162 = arith.constant 16 : i32
          %mul3A_163 = arith.muli %scan3A_161, %mul3A_162 : i32
          %add3A_164 = arith.constant 0 : i32
          %add3A_165 = arith.addi %add3A_164, %mul3A_163 : i32
          %get3A = arith.index_cast %add3A_143 : i32 to index
          %get3A_166 = arith.index_cast %add3A_165 : i32 to index
          %get3A_167 = tpu.vector_load %arg6[%get3A, %get3A_166] {strides = array<i32>} : memref<80x128xi32, #tpu.memory_space<vmem>>, vector<1x16xi32>,
          %get3A_168 = vector.shape_cast %get3A_167 : vector<1x16xi32> to vector<16xi32>
          %and3A = arith.constant 65535 : i32
          %and3A_169 = vector.broadcast %and3A : i32 to vector<16xi32>
          %and3A_170 = arith.andi %get3A_168, %and3A_169 : vector<16xi32>
          %swap3A = arith.index_cast %rem3A_145 : i32 to index
          %swap3A_171 = arith.index_cast %add3A_165 : i32 to index
          %swap3A_172 = tpu.vector_load %arg7[%swap3A, %swap3A_171] {strides = array<i32>} : memref<4x128xi32, #tpu.memory_space<vmem>>, vector<1x16xi32>,
          %swap3A_173 = vector.shape_cast %swap3A_172 : vector<1x16xi32> to vector<16xi32>
          %swap3A_174 = vector.shape_cast %and3A_170 : vector<16xi32> to vector<1x16xi32>
          tpu.vector_store %arg7[%swap3A, %swap3A_171], %swap3A_174 {strides = array<i32>} : memref<4x128xi32, #tpu.memory_space<vmem>>, vector<1x16xi32>,
        }
        %scan3A_150 = arith.constant 8 : i32
        %add3A_151 = arith.constant 1 : i32
        %add3A_152 = arith.addi %add3A_114, %add3A_151 : i32
        %rem3A_153 = arith.constant 4 : i32
        %rem3A_154 = arith.remsi %add3A_152, %rem3A_153 : i32
        %dma_start3A_155 = arith.constant 0 : i32
        %dma_start3A_156 = tpu.memref_slice %arg7[%rem3A_154, %dma_start3A_155] : memref<4x128xi32, #tpu.memory_space<vmem>> -> memref<1x128xi32, #tpu.memory_space<vmem>>
        %dma_start3A_157 = tpu.memref_squeeze %dma_start3A_156 : memref<1x128xi32, #tpu.memory_space<vmem>> -> memref<128xi32, #tpu.memory_space<vmem>>
        %dma_start3A_158 = arith.constant 0 : i32
        %dma_start3A_159 = arith.constant 0 : i32
        %dma_start3A_160 = tpu.memref_slice %arg11[%dma_start3A_158, %dma_start3A_159] : memref<10240x128xf32, #tpu.memory_space<vmem_shared>> -> memref<10240x128xf32, #tpu.memory_space<vmem_shared>>
        tpu.enqueue_indirect_dma source(%dma_start3A_160 : memref<10240x128xf32, #tpu.memory_space<vmem_shared>>) target(%arg9 : memref<128x128xf32, #tpu.memory_space<vmem>>) offsets(%dma_start3A_157 : memref<128xi32, #tpu.memory_space<vmem>>) semaphore(%arg12 : memref<!tpu.dma_semaphore, #tpu.memory_space<semaphore_mem>>)
      } else {
      }
      %rem3A_127 = arith.constant 4 : i32
      %rem3A_128 = arith.remsi %add3A_114, %rem3A_127 : i32
      %dma_wait3A_129 = arith.constant 0 : i32
      %dma_wait3A_130 = tpu.memref_slice %arg7[%rem3A_128, %dma_wait3A_129] : memref<4x128xi32, #tpu.memory_space<vmem>> -> memref<1x128xi32, #tpu.memory_space<vmem>>
      %dma_wait3A_131 = tpu.memref_squeeze %dma_wait3A_130 : memref<1x128xi32, #tpu.memory_space<vmem>> -> memref<128xi32, #tpu.memory_space<vmem>>
      %dma_wait3A_132 = arith.constant 0 : i32
      %dma_wait3A_133 = arith.constant 0 : i32
      %dma_wait3A_134 = tpu.memref_slice %arg11[%dma_wait3A_132, %dma_wait3A_133] : memref<10240x128xf32, #tpu.memory_space<vmem_shared>> -> memref<10240x128xf32, #tpu.memory_space<vmem_shared>>
      tpu.wait_indirect_dma semaphore(%arg13 : memref<!tpu.dma_semaphore, #tpu.memory_space<semaphore_mem>>) src(%dma_wait3A_134 : memref<10240x128xf32, #tpu.memory_space<vmem_shared>>) dst(%arg10 : memref<128x128xf32, #tpu.memory_space<vmem>>)
      %mul3A_135 = arith.constant 128 : i32
      %mul3A_136 = arith.muli %add3A_114, %mul3A_135 : i32
      %add3A_137 = arith.addi %mul3A_2, %mul3A_136 : i32
      %dma_start3A_138 = arith.constant 0 : i32
      %dma_start3A_139 = tpu.memref_slice %arg4[%add3A_137, %dma_start3A_138] : memref<327680x128xf32, #tpu.memory_space<hbm>> -> memref<128x128xf32, #tpu.memory_space<hbm>>
      %dma_start3A_140 = arith.constant 0 : i32
      %dma_start3A_141 = tpu.memref_slice %arg4[%add3A_137, %dma_start3A_140] : memref<327680x128xf32, #tpu.memory_space<hbm>> -> memref<128x128xf32, #tpu.memory_space<hbm>>
      tpu.enqueue_dma source(%arg10 : memref<128x128xf32, #tpu.memory_space<vmem>>) target(%dma_start3A_141 : memref<128x128xf32, #tpu.memory_space<hbm>>) target_semaphore(%arg15 : memref<!tpu.dma_semaphore, #tpu.memory_space<semaphore_mem>>)
    }
    %scan3A_40 = arith.constant 40 : i32
    %add3A_41 = arith.constant 10112 : i32
    %add3A_42 = arith.addi %mul3A_2, %add3A_41 : i32
    %dma_wait3A_43 = arith.constant 0 : i32
    %dma_wait3A_44 = tpu.memref_slice %arg4[%add3A_42, %dma_wait3A_43] : memref<327680x128xf32, #tpu.memory_space<hbm>> -> memref<128x128xf32, #tpu.memory_space<hbm>>
    %dma_wait3A_45 = arith.constant 0 : i32
    %dma_wait3A_46 = tpu.memref_slice %arg4[%add3A_42, %dma_wait3A_45] : memref<327680x128xf32, #tpu.memory_space<hbm>> -> memref<128x128xf32, #tpu.memory_space<hbm>>
    tpu.wait_dma2 semaphore(%arg15 : memref<!tpu.dma_semaphore, #tpu.memory_space<semaphore_mem>>) src(%arg10 : memref<128x128xf32, #tpu.memory_space<vmem>>) dst(%dma_wait3A_46 : memref<128x128xf32, #tpu.memory_space<hbm>>)
    %barrier3A_47 = arith.constant 0 : index
    tpu.barrier barrier_id(%barrier3A_47)
    %scan3A_48 = arith.constant 0 : i32
    %scan3A_49 = arith.constant 128 : i32
    %scan3A_50 = arith.addi %scan3A_48, %scan3A_49 : i32
    %scan3A_51 = arith.constant 1 : i32
    scf.for %scan3A_81 = %scan3A_48 to %scan3A_50 step %scan3A_51  : i32 {
      %mul3A_82 = arith.constant 1 : i32
      %mul3A_83 = arith.muli %scan3A_81, %mul3A_82 : i32
      %add3A_84 = arith.constant 0 : i32
      %add3A_85 = arith.addi %add3A_84, %mul3A_83 : i32
      %scan3A_86 = arith.constant 0 : i32
      %scan3A_87 = arith.constant 8 : i32
      %scan3A_88 = arith.addi %scan3A_86, %scan3A_87 : i32
      %scan3A_89 = arith.constant 1 : i32
      scf.for %scan3A_91 = %scan3A_86 to %scan3A_88 step %scan3A_89  : i32 {
        %mul3A_92 = arith.constant 16 : i32
        %mul3A_93 = arith.muli %scan3A_91, %mul3A_92 : i32
        %add3A_94 = arith.constant 0 : i32
        %add3A_95 = arith.addi %add3A_94, %mul3A_93 : i32
        %broadcast_in_dim3A = arith.constant 0.000000e+00 : f32
        %broadcast_in_dim3A_96 = vector.broadcast %broadcast_in_dim3A : f32 to vector<16xf32>
        %swap3A = arith.index_cast %add3A_85 : i32 to index
        %swap3A_97 = arith.index_cast %add3A_95 : i32 to index
        %swap3A_98 = tpu.vector_load %arg9[%swap3A, %swap3A_97] {strides = array<i32>} : memref<128x128xf32, #tpu.memory_space<vmem>>, vector<1x16xf32>,
        %swap3A_99 = vector.shape_cast %swap3A_98 : vector<1x16xf32> to vector<16xf32>
        %swap3A_100 = vector.shape_cast %broadcast_in_dim3A_96 : vector<16xf32> to vector<1x16xf32>
        tpu.vector_store %arg9[%swap3A, %swap3A_97], %swap3A_100 {strides = array<i32>} : memref<128x128xf32, #tpu.memory_space<vmem>>, vector<1x16xf32>,
      }
      %scan3A_90 = arith.constant 8 : i32
    }
    %scan3A_52 = arith.constant 128 : i32
    %mul3A_53 = arith.constant 640 : i32
    %mul3A_54 = arith.muli %arg1, %mul3A_53 : i32
    %scan3A_55 = arith.constant 0 : i32
    %scan3A_56 = arith.constant 5 : i32
    %scan3A_57 = arith.addi %scan3A_55, %scan3A_56 : i32
    %scan3A_58 = arith.constant 1 : i32
    scf.for %scan3A_81 = %scan3A_55 to %scan3A_57 step %scan3A_58  : i32 {
      %mul3A_82 = arith.constant 1 : i32
      %mul3A_83 = arith.muli %scan3A_81, %mul3A_82 : i32
      %add3A_84 = arith.constant 0 : i32
      %add3A_85 = arith.addi %add3A_84, %mul3A_83 : i32
      %mul3A_86 = arith.constant 128 : i32
      %mul3A_87 = arith.muli %add3A_85, %mul3A_86 : i32
      %add3A_88 = arith.addi %mul3A_54, %mul3A_87 : i32
      "tpu.region"() ({
        %run_scoped3A = tpu.sem_alloc : memref<!tpu.dma_semaphore, #tpu.memory_space<semaphore_mem>>
        %dma_start3A_89 = arith.constant 0 : i32
        %dma_start3A_90 = tpu.memref_slice %arg11[%add3A_88, %dma_start3A_89] : memref<10240x128xf32, #tpu.memory_space<vmem_shared>> -> memref<128x128xf32, #tpu.memory_space<vmem_shared>>
        %dma_start3A_91 = arith.constant 0 : i32
        %dma_start3A_92 = tpu.memref_slice %arg11[%add3A_88, %dma_start3A_91] : memref<10240x128xf32, #tpu.memory_space<vmem_shared>> -> memref<128x128xf32, #tpu.memory_space<vmem_shared>>
        tpu.enqueue_dma source(%arg9 : memref<128x128xf32, #tpu.memory_space<vmem>>) target(%dma_start3A_92 : memref<128x128xf32, #tpu.memory_space<vmem_shared>>) target_semaphore(%run_scoped3A : memref<!tpu.dma_semaphore, #tpu.memory_space<semaphore_mem>>)
        %dma_wait3A_93 = arith.constant 0 : i32
        %dma_wait3A_94 = tpu.memref_slice %arg11[%add3A_88, %dma_wait3A_93] : memref<10240x128xf32, #tpu.memory_space<vmem_shared>> -> memref<128x128xf32, #tpu.memory_space<vmem_shared>>
        %dma_wait3A_95 = arith.constant 0 : i32
        %dma_wait3A_96 = tpu.memref_slice %arg11[%add3A_88, %dma_wait3A_95] : memref<10240x128xf32, #tpu.memory_space<vmem_shared>> -> memref<128x128xf32, #tpu.memory_space<vmem_shared>>
        tpu.wait_dma2 semaphore(%run_scoped3A : memref<!tpu.dma_semaphore, #tpu.memory_space<semaphore_mem>>) src(%arg9 : memref<128x128xf32, #tpu.memory_space<vmem>>) dst(%dma_wait3A_96 : memref<128x128xf32, #tpu.memory_space<vmem_shared>>)
        tpu.yield
      }) : () -> ()
    }
    %scan3A_59 = arith.constant 5 : i32
    %barrier3A_60 = arith.constant 0 : index
    tpu.barrier barrier_id(%barrier3A_60)
    %rem3A_61 = arith.constant 0 : i32
    %rem3A_62 = arith.constant 4 : i32
    %rem3A_63 = arith.remsi %rem3A_61, %rem3A_62 : i32
    %scan3A_64 = arith.constant 0 : i32
    %scan3A_65 = arith.constant 8 : i32
    %scan3A_66 = arith.addi %scan3A_64, %scan3A_65 : i32
    %scan3A_67 = arith.constant 1 : i32
    scf.for %scan3A_81 = %scan3A_64 to %scan3A_66 step %scan3A_67  : i32 {
      %mul3A_82 = arith.constant 16 : i32
      %mul3A_83 = arith.muli %scan3A_81, %mul3A_82 : i32
      %add3A_84 = arith.constant 0 : i32
      %add3A_85 = arith.addi %add3A_84, %mul3A_83 : i32
      %get3A = arith.constant 0 : i32
      %get3A_86 = arith.index_cast %get3A : i32 to index
      %get3A_87 = arith.index_cast %add3A_85 : i32 to index
      %get3A_88 = tpu.vector_load %arg6[%get3A_86, %get3A_87] {strides = array<i32>} : memref<80x128xi32, #tpu.memory_space<vmem>>, vector<1x16xi32>,
      %get3A_89 = vector.shape_cast %get3A_88 : vector<1x16xi32> to vector<16xi32>
      %shift_right_logical3A = arith.constant 16 : i32
      %shift_right_logical3A_90 = vector.broadcast %shift_right_logical3A : i32 to vector<16xi32>
      %shift_right_logical3A_91 = arith.shrui %get3A_89, %shift_right_logical3A_90 : vector<16xi32>
      %swap3A = arith.index_cast %rem3A_63 : i32 to index
      %swap3A_92 = arith.index_cast %add3A_85 : i32 to index
      %swap3A_93 = tpu.vector_load %arg8[%swap3A, %swap3A_92] {strides = array<i32>} : memref<4x128xi32, #tpu.memory_space<vmem>>, vector<1x16xi32>,
      %swap3A_94 = vector.shape_cast %swap3A_93 : vector<1x16xi32> to vector<16xi32>
      %swap3A_95 = vector.shape_cast %shift_right_logical3A_91 : vector<16xi32> to vector<1x16xi32>
      tpu.vector_store %arg8[%swap3A, %swap3A_92], %swap3A_95 {strides = array<i32>} : memref<4x128xi32, #tpu.memory_space<vmem>>, vector<1x16xi32>,
    }
    %scan3A_68 = arith.constant 8 : i32
    %add3A_69 = arith.constant 0 : i32
    %add3A_70 = arith.addi %mul3A_2, %add3A_69 : i32
    %dma_start3A_71 = arith.constant 0 : i32
    %dma_start3A_72 = tpu.memref_slice %arg4[%add3A_70, %dma_start3A_71] : memref<327680x128xf32, #tpu.memory_space<hbm>> -> memref<128x128xf32, #tpu.memory_space<hbm>>
    %dma_start3A_73 = arith.constant 0 : i32
    %dma_start3A_74 = tpu.memref_slice %arg4[%add3A_70, %dma_start3A_73] : memref<327680x128xf32, #tpu.memory_space<hbm>> -> memref<128x128xf32, #tpu.memory_space<hbm>>
    tpu.enqueue_dma source(%dma_start3A_74 : memref<128x128xf32, #tpu.memory_space<hbm>>) target(%arg9 : memref<128x128xf32, #tpu.memory_space<vmem>>) target_semaphore(%arg12 : memref<!tpu.dma_semaphore, #tpu.memory_space<semaphore_mem>>)
    %scan3A_75 = arith.constant 0 : i32
    %scan3A_76 = arith.constant 40 : i32
    %scan3A_77 = arith.addi %scan3A_75, %scan3A_76 : i32
    %scan3A_78 = arith.constant 1 : i32
    scf.for %scan3A_81 = %scan3A_75 to %scan3A_77 step %scan3A_78  : i32 {
      %mul3A_82 = arith.constant 2 : i32
      %mul3A_83 = arith.muli %scan3A_81, %mul3A_82 : i32
      %add3A_84 = arith.constant 0 : i32
      %add3A_85 = arith.addi %add3A_84, %mul3A_83 : i32
      %add3A_86 = arith.constant 0 : i32
      %add3A_87 = arith.addi %add3A_85, %add3A_86 : i32
      %add3A_88 = arith.constant 1 : i32
      %add3A_89 = arith.addi %add3A_87, %add3A_88 : i32
      %lt3A = arith.constant 80 : i32
      %lt3A_90 = arith.cmpi slt, %add3A_89, %lt3A : i32
      %convert_element_type3A_91 = arith.extui %lt3A_90 : i1 to i32
      %cond3A_92 = arith.constant 0 : i32
      %cond3A_93 = arith.cmpi ne, %convert_element_type3A_91, %cond3A_92 : i32
      scf.if %cond3A_93 {
        %add3A_121 = arith.constant 1 : i32
        %add3A_122 = arith.addi %add3A_87, %add3A_121 : i32
        %rem3A_123 = arith.constant 4 : i32
        %rem3A_124 = arith.remsi %add3A_122, %rem3A_123 : i32
        %scan3A_125 = arith.constant 0 : i32
        %scan3A_126 = arith.constant 8 : i32
        %scan3A_127 = arith.addi %scan3A_125, %scan3A_126 : i32
        %scan3A_128 = arith.constant 1 : i32
        scf.for %scan3A_139 = %scan3A_125 to %scan3A_127 step %scan3A_128  : i32 {
          %mul3A_140 = arith.constant 16 : i32
          %mul3A_141 = arith.muli %scan3A_139, %mul3A_140 : i32
          %add3A_142 = arith.constant 0 : i32
          %add3A_143 = arith.addi %add3A_142, %mul3A_141 : i32
          %get3A = arith.index_cast %add3A_122 : i32 to index
          %get3A_144 = arith.index_cast %add3A_143 : i32 to index
          %get3A_145 = tpu.vector_load %arg6[%get3A, %get3A_144] {strides = array<i32>} : memref<80x128xi32, #tpu.memory_space<vmem>>, vector<1x16xi32>,
          %get3A_146 = vector.shape_cast %get3A_145 : vector<1x16xi32> to vector<16xi32>
          %shift_right_logical3A = arith.constant 16 : i32
          %shift_right_logical3A_147 = vector.broadcast %shift_right_logical3A : i32 to vector<16xi32>
          %shift_right_logical3A_148 = arith.shrui %get3A_146, %shift_right_logical3A_147 : vector<16xi32>
          %swap3A = arith.index_cast %rem3A_124 : i32 to index
          %swap3A_149 = arith.index_cast %add3A_143 : i32 to index
          %swap3A_150 = tpu.vector_load %arg8[%swap3A, %swap3A_149] {strides = array<i32>} : memref<4x128xi32, #tpu.memory_space<vmem>>, vector<1x16xi32>,
          %swap3A_151 = vector.shape_cast %swap3A_150 : vector<1x16xi32> to vector<16xi32>
          %swap3A_152 = vector.shape_cast %shift_right_logical3A_148 : vector<16xi32> to vector<1x16xi32>
          tpu.vector_store %arg8[%swap3A, %swap3A_149], %swap3A_152 {strides = array<i32>} : memref<4x128xi32, #tpu.memory_space<vmem>>, vector<1x16xi32>,
        }
        %scan3A_129 = arith.constant 8 : i32
        %add3A_130 = arith.constant 1 : i32
        %add3A_131 = arith.addi %add3A_87, %add3A_130 : i32
        %mul3A_132 = arith.constant 128 : i32
        %mul3A_133 = arith.muli %add3A_131, %mul3A_132 : i32
        %add3A_134 = arith.addi %mul3A_2, %mul3A_133 : i32
        %dma_start3A_135 = arith.constant 0 : i32
        %dma_start3A_136 = tpu.memref_slice %arg4[%add3A_134, %dma_start3A_135] : memref<327680x128xf32, #tpu.memory_space<hbm>> -> memref<128x128xf32, #tpu.memory_space<hbm>>
        %dma_start3A_137 = arith.constant 0 : i32
        %dma_start3A_138 = tpu.memref_slice %arg4[%add3A_134, %dma_start3A_137] : memref<327680x128xf32, #tpu.memory_space<hbm>> -> memref<128x128xf32, #tpu.memory_space<hbm>>
        tpu.enqueue_dma source(%dma_start3A_138 : memref<128x128xf32, #tpu.memory_space<hbm>>) target(%arg10 : memref<128x128xf32, #tpu.memory_space<vmem>>) target_semaphore(%arg13 : memref<!tpu.dma_semaphore, #tpu.memory_space<semaphore_mem>>)
      } else {
      }
      %mul3A_94 = arith.constant 128 : i32
      %mul3A_95 = arith.muli %add3A_87, %mul3A_94 : i32
      %add3A_96 = arith.addi %mul3A_2, %mul3A_95 : i32
      %dma_wait3A_97 = arith.constant 0 : i32
      %dma_wait3A_98 = tpu.memref_slice %arg4[%add3A_96, %dma_wait3A_97] : memref<327680x128xf32, #tpu.memory_space<hbm>> -> memref<128x128xf32, #tpu.memory_space<hbm>>
      %dma_wait3A_99 = arith.constant 0 : i32
      %dma_wait3A_100 = tpu.memref_slice %arg4[%add3A_96, %dma_wait3A_99] : memref<327680x128xf32, #tpu.memory_space<hbm>> -> memref<128x128xf32, #tpu.memory_space<hbm>>
      tpu.wait_dma2 semaphore(%arg12 : memref<!tpu.dma_semaphore, #tpu.memory_space<semaphore_mem>>) src(%dma_wait3A_100 : memref<128x128xf32, #tpu.memory_space<hbm>>) dst(%arg9 : memref<128x128xf32, #tpu.memory_space<vmem>>)
      %rem3A_101 = arith.constant 4 : i32
      %rem3A_102 = arith.remsi %add3A_87, %rem3A_101 : i32
      "tpu.region"() ({
        %run_scoped3A = tpu.sem_alloc : memref<!tpu.dma_semaphore, #tpu.memory_space<semaphore_mem>>
        %dma_start3A_121 = arith.constant 0 : i32
        %dma_start3A_122 = tpu.memref_slice %arg8[%rem3A_102, %dma_start3A_121] : memref<4x128xi32, #tpu.memory_space<vmem>> -> memref<1x128xi32, #tpu.memory_space<vmem>>
        %dma_start3A_123 = tpu.memref_squeeze %dma_start3A_122 : memref<1x128xi32, #tpu.memory_space<vmem>> -> memref<128xi32, #tpu.memory_space<vmem>>
        %dma_start3A_124 = arith.constant 0 : i32
        %dma_start3A_125 = arith.constant 0 : i32
        %dma_start3A_126 = tpu.memref_slice %arg11[%dma_start3A_124, %dma_start3A_125] : memref<10240x128xf32, #tpu.memory_space<vmem_shared>> -> memref<10240x128xf32, #tpu.memory_space<vmem_shared>>
        tpu.enqueue_indirect_dma source(%arg9 : memref<128x128xf32, #tpu.memory_space<vmem>>) target(%dma_start3A_126 : memref<10240x128xf32, #tpu.memory_space<vmem_shared>>) offsets(%dma_start3A_123 : memref<128xi32, #tpu.memory_space<vmem>>) semaphore(%run_scoped3A : memref<!tpu.dma_semaphore, #tpu.memory_space<semaphore_mem>>) {add = true}
        %dma_wait3A_127 = arith.constant 0 : i32
        %dma_wait3A_128 = tpu.memref_slice %arg8[%rem3A_102, %dma_wait3A_127] : memref<4x128xi32, #tpu.memory_space<vmem>> -> memref<1x128xi32, #tpu.memory_space<vmem>>
        %dma_wait3A_129 = tpu.memref_squeeze %dma_wait3A_128 : memref<1x128xi32, #tpu.memory_space<vmem>> -> memref<128xi32, #tpu.memory_space<vmem>>
        %dma_wait3A_130 = arith.constant 0 : i32
        %dma_wait3A_131 = arith.constant 0 : i32
        %dma_wait3A_132 = tpu.memref_slice %arg11[%dma_wait3A_130, %dma_wait3A_131] : memref<10240x128xf32, #tpu.memory_space<vmem_shared>> -> memref<10240x128xf32, #tpu.memory_space<vmem_shared>>
        tpu.wait_indirect_dma semaphore(%run_scoped3A : memref<!tpu.dma_semaphore, #tpu.memory_space<semaphore_mem>>) src(%arg9 : memref<128x128xf32, #tpu.memory_space<vmem>>) dst(%dma_wait3A_132 : memref<10240x128xf32, #tpu.memory_space<vmem_shared>>)
        tpu.yield
      }) : () -> ()
      %add3A_103 = arith.constant 1 : i32
      %add3A_104 = arith.addi %add3A_85, %add3A_103 : i32
      %add3A_105 = arith.constant 1 : i32
      %add3A_106 = arith.addi %add3A_104, %add3A_105 : i32
      %lt3A_107 = arith.constant 80 : i32
      %lt3A_108 = arith.cmpi slt, %add3A_106, %lt3A_107 : i32
      %convert_element_type3A_109 = arith.extui %lt3A_108 : i1 to i32
      %cond3A_110 = arith.constant 0 : i32
      %cond3A_111 = arith.cmpi ne, %convert_element_type3A_109, %cond3A_110 : i32
      scf.if %cond3A_111 {
        %add3A_121 = arith.constant 1 : i32
        %add3A_122 = arith.addi %add3A_104, %add3A_121 : i32
        %rem3A_123 = arith.constant 4 : i32
        %rem3A_124 = arith.remsi %add3A_122, %rem3A_123 : i32
        %scan3A_125 = arith.constant 0 : i32
        %scan3A_126 = arith.constant 8 : i32
        %scan3A_127 = arith.addi %scan3A_125, %scan3A_126 : i32
        %scan3A_128 = arith.constant 1 : i32
        scf.for %scan3A_139 = %scan3A_125 to %scan3A_127 step %scan3A_128  : i32 {
          %mul3A_140 = arith.constant 16 : i32
          %mul3A_141 = arith.muli %scan3A_139, %mul3A_140 : i32
          %add3A_142 = arith.constant 0 : i32
          %add3A_143 = arith.addi %add3A_142, %mul3A_141 : i32
          %get3A = arith.index_cast %add3A_122 : i32 to index
          %get3A_144 = arith.index_cast %add3A_143 : i32 to index
          %get3A_145 = tpu.vector_load %arg6[%get3A, %get3A_144] {strides = array<i32>} : memref<80x128xi32, #tpu.memory_space<vmem>>, vector<1x16xi32>,
          %get3A_146 = vector.shape_cast %get3A_145 : vector<1x16xi32> to vector<16xi32>
          %shift_right_logical3A = arith.constant 16 : i32
          %shift_right_logical3A_147 = vector.broadcast %shift_right_logical3A : i32 to vector<16xi32>
          %shift_right_logical3A_148 = arith.shrui %get3A_146, %shift_right_logical3A_147 : vector<16xi32>
          %swap3A = arith.index_cast %rem3A_124 : i32 to index
          %swap3A_149 = arith.index_cast %add3A_143 : i32 to index
          %swap3A_150 = tpu.vector_load %arg8[%swap3A, %swap3A_149] {strides = array<i32>} : memref<4x128xi32, #tpu.memory_space<vmem>>, vector<1x16xi32>,
          %swap3A_151 = vector.shape_cast %swap3A_150 : vector<1x16xi32> to vector<16xi32>
          %swap3A_152 = vector.shape_cast %shift_right_logical3A_148 : vector<16xi32> to vector<1x16xi32>
          tpu.vector_store %arg8[%swap3A, %swap3A_149], %swap3A_152 {strides = array<i32>} : memref<4x128xi32, #tpu.memory_space<vmem>>, vector<1x16xi32>,
        }
        %scan3A_129 = arith.constant 8 : i32
        %add3A_130 = arith.constant 1 : i32
        %add3A_131 = arith.addi %add3A_104, %add3A_130 : i32
        %mul3A_132 = arith.constant 128 : i32
        %mul3A_133 = arith.muli %add3A_131, %mul3A_132 : i32
        %add3A_134 = arith.addi %mul3A_2, %mul3A_133 : i32
        %dma_start3A_135 = arith.constant 0 : i32
        %dma_start3A_136 = tpu.memref_slice %arg4[%add3A_134, %dma_start3A_135] : memref<327680x128xf32, #tpu.memory_space<hbm>> -> memref<128x128xf32, #tpu.memory_space<hbm>>
        %dma_start3A_137 = arith.constant 0 : i32
        %dma_start3A_138 = tpu.memref_slice %arg4[%add3A_134, %dma_start3A_137] : memref<327680x128xf32, #tpu.memory_space<hbm>> -> memref<128x128xf32, #tpu.memory_space<hbm>>
        tpu.enqueue_dma source(%dma_start3A_138 : memref<128x128xf32, #tpu.memory_space<hbm>>) target(%arg9 : memref<128x128xf32, #tpu.memory_space<vmem>>) target_semaphore(%arg12 : memref<!tpu.dma_semaphore, #tpu.memory_space<semaphore_mem>>)
      } else {
      }
      %mul3A_112 = arith.constant 128 : i32
      %mul3A_113 = arith.muli %add3A_104, %mul3A_112 : i32
      %add3A_114 = arith.addi %mul3A_2, %mul3A_113 : i32
      %dma_wait3A_115 = arith.constant 0 : i32
      %dma_wait3A_116 = tpu.memref_slice %arg4[%add3A_114, %dma_wait3A_115] : memref<327680x128xf32, #tpu.memory_space<hbm>> -> memref<128x128xf32, #tpu.memory_space<hbm>>
      %dma_wait3A_117 = arith.constant 0 : i32
      %dma_wait3A_118 = tpu.memref_slice %arg4[%add3A_114, %dma_wait3A_117] : memref<327680x128xf32, #tpu.memory_space<hbm>> -> memref<128x128xf32, #tpu.memory_space<hbm>>
      tpu.wait_dma2 semaphore(%arg13 : memref<!tpu.dma_semaphore, #tpu.memory_space<semaphore_mem>>) src(%dma_wait3A_118 : memref<128x128xf32, #tpu.memory_space<hbm>>) dst(%arg10 : memref<128x128xf32, #tpu.memory_space<vmem>>)
      %rem3A_119 = arith.constant 4 : i32
      %rem3A_120 = arith.remsi %add3A_104, %rem3A_119 : i32
      "tpu.region"() ({
        %run_scoped3A = tpu.sem_alloc : memref<!tpu.dma_semaphore, #tpu.memory_space<semaphore_mem>>
        %dma_start3A_121 = arith.constant 0 : i32
        %dma_start3A_122 = tpu.memref_slice %arg8[%rem3A_120, %dma_start3A_121] : memref<4x128xi32, #tpu.memory_space<vmem>> -> memref<1x128xi32, #tpu.memory_space<vmem>>
        %dma_start3A_123 = tpu.memref_squeeze %dma_start3A_122 : memref<1x128xi32, #tpu.memory_space<vmem>> -> memref<128xi32, #tpu.memory_space<vmem>>
        %dma_start3A_124 = arith.constant 0 : i32
        %dma_start3A_125 = arith.constant 0 : i32
        %dma_start3A_126 = tpu.memref_slice %arg11[%dma_start3A_124, %dma_start3A_125] : memref<10240x128xf32, #tpu.memory_space<vmem_shared>> -> memref<10240x128xf32, #tpu.memory_space<vmem_shared>>
        tpu.enqueue_indirect_dma source(%arg10 : memref<128x128xf32, #tpu.memory_space<vmem>>) target(%dma_start3A_126 : memref<10240x128xf32, #tpu.memory_space<vmem_shared>>) offsets(%dma_start3A_123 : memref<128xi32, #tpu.memory_space<vmem>>) semaphore(%run_scoped3A : memref<!tpu.dma_semaphore, #tpu.memory_space<semaphore_mem>>) {add = true}
        %dma_wait3A_127 = arith.constant 0 : i32
        %dma_wait3A_128 = tpu.memref_slice %arg8[%rem3A_120, %dma_wait3A_127] : memref<4x128xi32, #tpu.memory_space<vmem>> -> memref<1x128xi32, #tpu.memory_space<vmem>>
        %dma_wait3A_129 = tpu.memref_squeeze %dma_wait3A_128 : memref<1x128xi32, #tpu.memory_space<vmem>> -> memref<128xi32, #tpu.memory_space<vmem>>
        %dma_wait3A_130 = arith.constant 0 : i32
        %dma_wait3A_131 = arith.constant 0 : i32
        %dma_wait3A_132 = tpu.memref_slice %arg11[%dma_wait3A_130, %dma_wait3A_131] : memref<10240x128xf32, #tpu.memory_space<vmem_shared>> -> memref<10240x128xf32, #tpu.memory_space<vmem_shared>>
        tpu.wait_indirect_dma semaphore(%run_scoped3A : memref<!tpu.dma_semaphore, #tpu.memory_space<semaphore_mem>>) src(%arg10 : memref<128x128xf32, #tpu.memory_space<vmem>>) dst(%dma_wait3A_132 : memref<10240x128xf32, #tpu.memory_space<vmem_shared>>)
        tpu.yield
      }) : () -> ()
    }
    %scan3A_79 = arith.constant 40 : i32
    %barrier3A_80 = arith.constant 0 : index
    tpu.barrier barrier_id(%barrier3A_80)
    "tpu.region"() ({
      %run_scoped3A = tpu.sem_alloc : memref<!tpu.dma_semaphore, #tpu.memory_space<semaphore_mem>>
      %dma_start3A_81 = arith.constant 0 : i32
      %dma_start3A_82 = tpu.memref_slice %arg5[%arg0, %mul3A_54, %dma_start3A_81] : memref<2x10240x128xf32, #tpu.memory_space<hbm>> -> memref<1x640x128xf32, #tpu.memory_space<hbm>>
      %dma_start3A_83 = tpu.memref_squeeze %dma_start3A_82 : memref<1x640x128xf32, #tpu.memory_space<hbm>> -> memref<640x128xf32, #tpu.memory_space<hbm>>
      %dma_start3A_84 = arith.constant 0 : i32
      %dma_start3A_85 = tpu.memref_slice %arg11[%mul3A_54, %dma_start3A_84] : memref<10240x128xf32, #tpu.memory_space<vmem_shared>> -> memref<640x128xf32, #tpu.memory_space<vmem_shared>>
      tpu.enqueue_dma source(%dma_start3A_85 : memref<640x128xf32, #tpu.memory_space<vmem_shared>>) target(%dma_start3A_83 : memref<640x128xf32, #tpu.memory_space<hbm>>) target_semaphore(%run_scoped3A : memref<!tpu.dma_semaphore, #tpu.memory_space<semaphore_mem>>)
      %dma_wait3A_86 = arith.constant 0 : i32
      %dma_wait3A_87 = tpu.memref_slice %arg5[%arg0, %mul3A_54, %dma_wait3A_86] : memref<2x10240x128xf32, #tpu.memory_space<hbm>> -> memref<1x640x128xf32, #tpu.memory_space<hbm>>
      %dma_wait3A_88 = tpu.memref_squeeze %dma_wait3A_87 : memref<1x640x128xf32, #tpu.memory_space<hbm>> -> memref<640x128xf32, #tpu.memory_space<hbm>>
      %dma_wait3A_89 = arith.constant 0 : i32
      %dma_wait3A_90 = tpu.memref_slice %arg11[%mul3A_54, %dma_wait3A_89] : memref<10240x128xf32, #tpu.memory_space<vmem_shared>> -> memref<640x128xf32, #tpu.memory_space<vmem_shared>>
      tpu.wait_dma2 semaphore(%run_scoped3A : memref<!tpu.dma_semaphore, #tpu.memory_space<semaphore_mem>>) src(%dma_wait3A_90 : memref<640x128xf32, #tpu.memory_space<vmem_shared>>) dst(%dma_wait3A_88 : memref<640x128xf32, #tpu.memory_space<hbm>>)
      tpu.yield
    }) : () -> ()
    return
  }
}

#map = affine_map<(d0, d1) -> (0, 0)>
#map1 = affine_map<(d0, d1) -> (0, 0, 0)>
module attributes {stable_mosaic.version = 14 : i64} {
  func.func @_gcn_conv_sc(%arg0: i32, %arg1: i32, %arg2: memref<10000x128xf32, #tpu.memory_space<hbm>>, %arg3: memref<32x80x128xi32, #tpu.memory_space<hbm>>, %arg4: memref<327680x128xf32, #tpu.memory_space<hbm>>, %arg5: memref<2x10240x128xf32, #tpu.memory_space<hbm>>, %arg6: memref<80x128xi32, #tpu.memory_space<vmem>>, %arg7: memref<4x128xi32, #tpu.memory_space<vmem>>, %arg8: memref<4x128xi32, #tpu.memory_space<vmem>>, %arg9: memref<128x128xf32, #tpu.memory_space<vmem>>, %arg10: memref<128x128xf32, #tpu.memory_space<vmem>>, %arg11: memref<10240x128xf32, #tpu.memory_space<vmem_shared>>, %arg12: memref<!tpu.dma_semaphore, #tpu.memory_space<semaphore_mem>>, %arg13: memref<!tpu.dma_semaphore, #tpu.memory_space<semaphore_mem>>, %arg14: memref<!tpu.dma_semaphore, #tpu.memory_space<semaphore_mem>>, %arg15: memref<!tpu.dma_semaphore, #tpu.memory_space<semaphore_mem>>, %arg16: memref<!tpu.dma_semaphore, #tpu.memory_space<semaphore_mem>>) attributes {dimension_semantics = [#tpu.dimension_semantics<core_parallel>, #tpu.dimension_semantics<subcore_parallel>], iteration_bounds = array<i64: 2, 16>, scalar_prefetch = 0 : i64, scratch_operands = 11 : i64, tpu.core_type = #tpu.core_type<sc_vector_subcore>, window_params = [{transform_indices = #map}, {transform_indices = #map1}, {transform_indices = #map}, {transform_indices = #map1}]} {
    %mul3A = arith.constant 16 : i32
    %mul3A_0 = arith.muli %arg0, %mul3A : i32
    %add3A = arith.addi %mul3A_0, %arg1 : i32
    %mul3A_1 = arith.constant 10240 : i32
    %mul3A_2 = arith.muli %add3A, %mul3A_1 : i32
    %dma_start3A = arith.constant 0 : i32
    %dma_start3A_3 = arith.constant 0 : i32
    %dma_start3A_4 = tpu.memref_slice %arg3[%add3A, %dma_start3A, %dma_start3A_3] : memref<32x80x128xi32, #tpu.memory_space<hbm>> -> memref<1x80x128xi32, #tpu.memory_space<hbm>>
    %dma_start3A_5 = tpu.memref_squeeze %dma_start3A_4 : memref<1x80x128xi32, #tpu.memory_space<hbm>> -> memref<80x128xi32, #tpu.memory_space<hbm>>
    %dma_start3A_6 = arith.constant 0 : i32
    %dma_start3A_7 = arith.constant 0 : i32
    %dma_start3A_8 = tpu.memref_slice %arg3[%add3A, %dma_start3A_6, %dma_start3A_7] : memref<32x80x128xi32, #tpu.memory_space<hbm>> -> memref<1x80x128xi32, #tpu.memory_space<hbm>>
    %dma_start3A_9 = tpu.memref_squeeze %dma_start3A_8 : memref<1x80x128xi32, #tpu.memory_space<hbm>> -> memref<80x128xi32, #tpu.memory_space<hbm>>
    tpu.enqueue_dma source(%dma_start3A_9 : memref<80x128xi32, #tpu.memory_space<hbm>>) target(%arg6 : memref<80x128xi32, #tpu.memory_space<vmem>>) target_semaphore(%arg16 : memref<!tpu.dma_semaphore, #tpu.memory_space<semaphore_mem>>)
    %mul3A_10 = arith.constant 624 : i32
    %mul3A_11 = arith.muli %arg1, %mul3A_10 : i32
    "tpu.region"() ({
      %run_scoped3A = tpu.sem_alloc : memref<!tpu.dma_semaphore, #tpu.memory_space<semaphore_mem>>
      %dma_start3A_81 = arith.constant 0 : i32
      %dma_start3A_82 = tpu.memref_slice %arg11[%mul3A_11, %dma_start3A_81] : memref<10240x128xf32, #tpu.memory_space<vmem_shared>> -> memref<624x128xf32, #tpu.memory_space<vmem_shared>>
      %dma_start3A_83 = arith.constant 0 : i32
      %dma_start3A_84 = tpu.memref_slice %arg2[%mul3A_11, %dma_start3A_83] : memref<10000x128xf32, #tpu.memory_space<hbm>> -> memref<624x128xf32, #tpu.memory_space<hbm>>
      tpu.enqueue_dma source(%dma_start3A_84 : memref<624x128xf32, #tpu.memory_space<hbm>>) target(%dma_start3A_82 : memref<624x128xf32, #tpu.memory_space<vmem_shared>>) target_semaphore(%run_scoped3A : memref<!tpu.dma_semaphore, #tpu.memory_space<semaphore_mem>>)
      %dma_wait3A_85 = arith.constant 0 : i32
      %dma_wait3A_86 = tpu.memref_slice %arg11[%mul3A_11, %dma_wait3A_85] : memref<10240x128xf32, #tpu.memory_space<vmem_shared>> -> memref<624x128xf32, #tpu.memory_space<vmem_shared>>
      %dma_wait3A_87 = arith.constant 0 : i32
      %dma_wait3A_88 = tpu.memref_slice %arg2[%mul3A_11, %dma_wait3A_87] : memref<10000x128xf32, #tpu.memory_space<hbm>> -> memref<624x128xf32, #tpu.memory_space<hbm>>
      tpu.wait_dma2 semaphore(%run_scoped3A : memref<!tpu.dma_semaphore, #tpu.memory_space<semaphore_mem>>) src(%dma_wait3A_88 : memref<624x128xf32, #tpu.memory_space<hbm>>) dst(%dma_wait3A_86 : memref<624x128xf32, #tpu.memory_space<vmem_shared>>)
      tpu.yield
    }) : () -> ()
    %eq3A = arith.constant 0 : i32
    %eq3A_12 = arith.cmpi eq, %arg1, %eq3A : i32
    %convert_element_type3A = arith.extui %eq3A_12 : i1 to i32
    %cond3A = arith.constant 0 : i32
    %cond3A_13 = arith.cmpi ne, %convert_element_type3A, %cond3A : i32
    scf.if %cond3A_13 {
      "tpu.region"() ({
        %run_scoped3A = tpu.sem_alloc : memref<!tpu.dma_semaphore, #tpu.memory_space<semaphore_mem>>
        %dma_start3A_81 = arith.constant 9984 : i32
        %dma_start3A_82 = arith.constant 0 : i32
        %dma_start3A_83 = tpu.memref_slice %arg11[%dma_start3A_81, %dma_start3A_82] : memref<10240x128xf32, #tpu.memory_space<vmem_shared>> -> memref<16x128xf32, #tpu.memory_space<vmem_shared>>
        %dma_start3A_84 = arith.constant 9984 : i32
        %dma_start3A_85 = arith.constant 0 : i32
        %dma_start3A_86 = tpu.memref_slice %arg2[%dma_start3A_84, %dma_start3A_85] : memref<10000x128xf32, #tpu.memory_space<hbm>> -> memref<16x128xf32, #tpu.memory_space<hbm>>
        tpu.enqueue_dma source(%dma_start3A_86 : memref<16x128xf32, #tpu.memory_space<hbm>>) target(%dma_start3A_83 : memref<16x128xf32, #tpu.memory_space<vmem_shared>>) target_semaphore(%run_scoped3A : memref<!tpu.dma_semaphore, #tpu.memory_space<semaphore_mem>>)
        %dma_wait3A_87 = arith.constant 9984 : i32
        %dma_wait3A_88 = arith.constant 0 : i32
        %dma_wait3A_89 = tpu.memref_slice %arg11[%dma_wait3A_87, %dma_wait3A_88] : memref<10240x128xf32, #tpu.memory_space<vmem_shared>> -> memref<16x128xf32, #tpu.memory_space<vmem_shared>>
        %dma_wait3A_90 = arith.constant 9984 : i32
        %dma_wait3A_91 = arith.constant 0 : i32
        %dma_wait3A_92 = tpu.memref_slice %arg2[%dma_wait3A_90, %dma_wait3A_91] : memref<10000x128xf32, #tpu.memory_space<hbm>> -> memref<16x128xf32, #tpu.memory_space<hbm>>
        tpu.wait_dma2 semaphore(%run_scoped3A : memref<!tpu.dma_semaphore, #tpu.memory_space<semaphore_mem>>) src(%dma_wait3A_92 : memref<16x128xf32, #tpu.memory_space<hbm>>) dst(%dma_wait3A_89 : memref<16x128xf32, #tpu.memory_space<vmem_shared>>)
        tpu.yield
      }) : () -> ()
    } else {
    }
    %dma_wait3A = arith.constant 0 : i32
    %dma_wait3A_14 = arith.constant 0 : i32
    %dma_wait3A_15 = tpu.memref_slice %arg3[%add3A, %dma_wait3A, %dma_wait3A_14] : memref<32x80x128xi32, #tpu.memory_space<hbm>> -> memref<1x80x128xi32, #tpu.memory_space<hbm>>
    %dma_wait3A_16 = tpu.memref_squeeze %dma_wait3A_15 : memref<1x80x128xi32, #tpu.memory_space<hbm>> -> memref<80x128xi32, #tpu.memory_space<hbm>>
    %dma_wait3A_17 = arith.constant 0 : i32
    %dma_wait3A_18 = arith.constant 0 : i32
    %dma_wait3A_19 = tpu.memref_slice %arg3[%add3A, %dma_wait3A_17, %dma_wait3A_18] : memref<32x80x128xi32, #tpu.memory_space<hbm>> -> memref<1x80x128xi32, #tpu.memory_space<hbm>>
    %dma_wait3A_20 = tpu.memref_squeeze %dma_wait3A_19 : memref<1x80x128xi32, #tpu.memory_space<hbm>> -> memref<80x128xi32, #tpu.memory_space<hbm>>
    tpu.wait_dma2 semaphore(%arg16 : memref<!tpu.dma_semaphore, #tpu.memory_space<semaphore_mem>>) src(%dma_wait3A_20 : memref<80x128xi32, #tpu.memory_space<hbm>>) dst(%arg6 : memref<80x128xi32, #tpu.memory_space<vmem>>)
    %barrier3A = arith.constant 0 : index
    tpu.barrier barrier_id(%barrier3A)
    %rem3A = arith.constant 0 : i32
    %rem3A_21 = arith.constant 4 : i32
    %rem3A_22 = arith.remsi %rem3A, %rem3A_21 : i32
    %scan3A = arith.constant 0 : i32
    %scan3A_23 = arith.constant 8 : i32
    %scan3A_24 = arith.addi %scan3A, %scan3A_23 : i32
    %scan3A_25 = arith.constant 1 : i32
    scf.for %scan3A_81 = %scan3A to %scan3A_24 step %scan3A_25  : i32 {
      %mul3A_82 = arith.constant 16 : i32
      %mul3A_83 = arith.muli %scan3A_81, %mul3A_82 : i32
      %add3A_84 = arith.constant 0 : i32
      %add3A_85 = arith.addi %add3A_84, %mul3A_83 : i32
      %get3A = arith.constant 0 : i32
      %get3A_86 = arith.index_cast %get3A : i32 to index
      %get3A_87 = arith.index_cast %add3A_85 : i32 to index
      %get3A_88 = tpu.vector_load %arg6[%get3A_86, %get3A_87] {strides = array<i32>} : memref<80x128xi32, #tpu.memory_space<vmem>>, vector<1x16xi32>,
      %get3A_89 = vector.shape_cast %get3A_88 : vector<1x16xi32> to vector<16xi32>
      %and3A = arith.constant 65535 : i32
      %and3A_90 = vector.broadcast %and3A : i32 to vector<16xi32>
      %and3A_91 = arith.andi %get3A_89, %and3A_90 : vector<16xi32>
      %swap3A = arith.index_cast %rem3A_22 : i32 to index
      %swap3A_92 = arith.index_cast %add3A_85 : i32 to index
      %swap3A_93 = tpu.vector_load %arg7[%swap3A, %swap3A_92] {strides = array<i32>} : memref<4x128xi32, #tpu.memory_space<vmem>>, vector<1x16xi32>,
      %swap3A_94 = vector.shape_cast %swap3A_93 : vector<1x16xi32> to vector<16xi32>
      %swap3A_95 = vector.shape_cast %and3A_91 : vector<16xi32> to vector<1x16xi32>
      tpu.vector_store %arg7[%swap3A, %swap3A_92], %swap3A_95 {strides = array<i32>} : memref<4x128xi32, #tpu.memory_space<vmem>>, vector<1x16xi32>,
    }
    %scan3A_26 = arith.constant 8 : i32
    %rem3A_27 = arith.constant 0 : i32
    %rem3A_28 = arith.constant 4 : i32
    %rem3A_29 = arith.remsi %rem3A_27, %rem3A_28 : i32
    %dma_start3A_30 = arith.constant 0 : i32
    %dma_start3A_31 = tpu.memref_slice %arg7[%rem3A_29, %dma_start3A_30] : memref<4x128xi32, #tpu.memory_space<vmem>> -> memref<1x128xi32, #tpu.memory_space<vmem>>
    %dma_start3A_32 = tpu.memref_squeeze %dma_start3A_31 : memref<1x128xi32, #tpu.memory_space<vmem>> -> memref<128xi32, #tpu.memory_space<vmem>>
    %dma_start3A_33 = arith.constant 0 : i32
    %dma_start3A_34 = arith.constant 0 : i32
    %dma_start3A_35 = tpu.memref_slice %arg11[%dma_start3A_33, %dma_start3A_34] : memref<10240x128xf32, #tpu.memory_space<vmem_shared>> -> memref<10240x128xf32, #tpu.memory_space<vmem_shared>>
    tpu.enqueue_indirect_dma source(%dma_start3A_35 : memref<10240x128xf32, #tpu.memory_space<vmem_shared>>) target(%arg9 : memref<128x128xf32, #tpu.memory_space<vmem>>) offsets(%dma_start3A_32 : memref<128xi32, #tpu.memory_space<vmem>>) semaphore(%arg12 : memref<!tpu.dma_semaphore, #tpu.memory_space<semaphore_mem>>)
    %scan3A_36 = arith.constant 0 : i32
    %scan3A_37 = arith.constant 40 : i32
    %scan3A_38 = arith.addi %scan3A_36, %scan3A_37 : i32
    %scan3A_39 = arith.constant 1 : i32
    scf.for %scan3A_81 = %scan3A_36 to %scan3A_38 step %scan3A_39  : i32 {
      %mul3A_82 = arith.constant 2 : i32
      %mul3A_83 = arith.muli %scan3A_81, %mul3A_82 : i32
      %add3A_84 = arith.constant 0 : i32
      %add3A_85 = arith.addi %add3A_84, %mul3A_83 : i32
      %add3A_86 = arith.constant 0 : i32
      %add3A_87 = arith.addi %add3A_85, %add3A_86 : i32
      %ge3A = arith.constant 1 : i32
      %ge3A_88 = arith.cmpi sge, %add3A_87, %ge3A : i32
      %convert_element_type3A_89 = arith.extui %ge3A_88 : i1 to i32
      %cond3A_90 = arith.constant 0 : i32
      %cond3A_91 = arith.cmpi ne, %convert_element_type3A_89, %cond3A_90 : i32
      scf.if %cond3A_91 {
        %sub3A = arith.constant 1 : i32
        %sub3A_142 = arith.subi %add3A_87, %sub3A : i32
        %mul3A_143 = arith.constant 128 : i32
        %mul3A_144 = arith.muli %sub3A_142, %mul3A_143 : i32
        %add3A_145 = arith.addi %mul3A_2, %mul3A_144 : i32
        %dma_wait3A_146 = arith.constant 0 : i32
        %dma_wait3A_147 = tpu.memref_slice %arg4[%add3A_145, %dma_wait3A_146] : memref<327680x128xf32, #tpu.memory_space<hbm>> -> memref<128x128xf32, #tpu.memory_space<hbm>>
        %dma_wait3A_148 = arith.constant 0 : i32
        %dma_wait3A_149 = tpu.memref_slice %arg4[%add3A_145, %dma_wait3A_148] : memref<327680x128xf32, #tpu.memory_space<hbm>> -> memref<128x128xf32, #tpu.memory_space<hbm>>
        tpu.wait_dma2 semaphore(%arg15 : memref<!tpu.dma_semaphore, #tpu.memory_space<semaphore_mem>>) src(%arg10 : memref<128x128xf32, #tpu.memory_space<vmem>>) dst(%dma_wait3A_149 : memref<128x128xf32, #tpu.memory_space<hbm>>)
      } else {
      }
      %add3A_92 = arith.constant 1 : i32
      %add3A_93 = arith.addi %add3A_87, %add3A_92 : i32
      %lt3A = arith.constant 80 : i32
      %lt3A_94 = arith.cmpi slt, %add3A_93, %lt3A : i32
      %convert_element_type3A_95 = arith.extui %lt3A_94 : i1 to i32
      %cond3A_96 = arith.constant 0 : i32
      %cond3A_97 = arith.cmpi ne, %convert_element_type3A_95, %cond3A_96 : i32
      scf.if %cond3A_97 {
        %add3A_142 = arith.constant 1 : i32
        %add3A_143 = arith.addi %add3A_87, %add3A_142 : i32
        %rem3A_144 = arith.constant 4 : i32
        %rem3A_145 = arith.remsi %add3A_143, %rem3A_144 : i32
        %scan3A_146 = arith.constant 0 : i32
        %scan3A_147 = arith.constant 8 : i32
        %scan3A_148 = arith.addi %scan3A_146, %scan3A_147 : i32
        %scan3A_149 = arith.constant 1 : i32
        scf.for %scan3A_161 = %scan3A_146 to %scan3A_148 step %scan3A_149  : i32 {
          %mul3A_162 = arith.constant 16 : i32
          %mul3A_163 = arith.muli %scan3A_161, %mul3A_162 : i32
          %add3A_164 = arith.constant 0 : i32
          %add3A_165 = arith.addi %add3A_164, %mul3A_163 : i32
          %get3A = arith.index_cast %add3A_143 : i32 to index
          %get3A_166 = arith.index_cast %add3A_165 : i32 to index
          %get3A_167 = tpu.vector_load %arg6[%get3A, %get3A_166] {strides = array<i32>} : memref<80x128xi32, #tpu.memory_space<vmem>>, vector<1x16xi32>,
          %get3A_168 = vector.shape_cast %get3A_167 : vector<1x16xi32> to vector<16xi32>
          %and3A = arith.constant 65535 : i32
          %and3A_169 = vector.broadcast %and3A : i32 to vector<16xi32>
          %and3A_170 = arith.andi %get3A_168, %and3A_169 : vector<16xi32>
          %swap3A = arith.index_cast %rem3A_145 : i32 to index
          %swap3A_171 = arith.index_cast %add3A_165 : i32 to index
          %swap3A_172 = tpu.vector_load %arg7[%swap3A, %swap3A_171] {strides = array<i32>} : memref<4x128xi32, #tpu.memory_space<vmem>>, vector<1x16xi32>,
          %swap3A_173 = vector.shape_cast %swap3A_172 : vector<1x16xi32> to vector<16xi32>
          %swap3A_174 = vector.shape_cast %and3A_170 : vector<16xi32> to vector<1x16xi32>
          tpu.vector_store %arg7[%swap3A, %swap3A_171], %swap3A_174 {strides = array<i32>} : memref<4x128xi32, #tpu.memory_space<vmem>>, vector<1x16xi32>,
        }
        %scan3A_150 = arith.constant 8 : i32
        %add3A_151 = arith.constant 1 : i32
        %add3A_152 = arith.addi %add3A_87, %add3A_151 : i32
        %rem3A_153 = arith.constant 4 : i32
        %rem3A_154 = arith.remsi %add3A_152, %rem3A_153 : i32
        %dma_start3A_155 = arith.constant 0 : i32
        %dma_start3A_156 = tpu.memref_slice %arg7[%rem3A_154, %dma_start3A_155] : memref<4x128xi32, #tpu.memory_space<vmem>> -> memref<1x128xi32, #tpu.memory_space<vmem>>
        %dma_start3A_157 = tpu.memref_squeeze %dma_start3A_156 : memref<1x128xi32, #tpu.memory_space<vmem>> -> memref<128xi32, #tpu.memory_space<vmem>>
        %dma_start3A_158 = arith.constant 0 : i32
        %dma_start3A_159 = arith.constant 0 : i32
        %dma_start3A_160 = tpu.memref_slice %arg11[%dma_start3A_158, %dma_start3A_159] : memref<10240x128xf32, #tpu.memory_space<vmem_shared>> -> memref<10240x128xf32, #tpu.memory_space<vmem_shared>>
        tpu.enqueue_indirect_dma source(%dma_start3A_160 : memref<10240x128xf32, #tpu.memory_space<vmem_shared>>) target(%arg10 : memref<128x128xf32, #tpu.memory_space<vmem>>) offsets(%dma_start3A_157 : memref<128xi32, #tpu.memory_space<vmem>>) semaphore(%arg13 : memref<!tpu.dma_semaphore, #tpu.memory_space<semaphore_mem>>)
      } else {
      }
      %rem3A_98 = arith.constant 4 : i32
      %rem3A_99 = arith.remsi %add3A_87, %rem3A_98 : i32
      %dma_wait3A_100 = arith.constant 0 : i32
      %dma_wait3A_101 = tpu.memref_slice %arg7[%rem3A_99, %dma_wait3A_100] : memref<4x128xi32, #tpu.memory_space<vmem>> -> memref<1x128xi32, #tpu.memory_space<vmem>>
      %dma_wait3A_102 = tpu.memref_squeeze %dma_wait3A_101 : memref<1x128xi32, #tpu.memory_space<vmem>> -> memref<128xi32, #tpu.memory_space<vmem>>
      %dma_wait3A_103 = arith.constant 0 : i32
      %dma_wait3A_104 = arith.constant 0 : i32
      %dma_wait3A_105 = tpu.memref_slice %arg11[%dma_wait3A_103, %dma_wait3A_104] : memref<10240x128xf32, #tpu.memory_space<vmem_shared>> -> memref<10240x128xf32, #tpu.memory_space<vmem_shared>>
      tpu.wait_indirect_dma semaphore(%arg12 : memref<!tpu.dma_semaphore, #tpu.memory_space<semaphore_mem>>) src(%dma_wait3A_105 : memref<10240x128xf32, #tpu.memory_space<vmem_shared>>) dst(%arg9 : memref<128x128xf32, #tpu.memory_space<vmem>>)
      %mul3A_106 = arith.constant 128 : i32
      %mul3A_107 = arith.muli %add3A_87, %mul3A_106 : i32
      %add3A_108 = arith.addi %mul3A_2, %mul3A_107 : i32
      %dma_start3A_109 = arith.constant 0 : i32
      %dma_start3A_110 = tpu.memref_slice %arg4[%add3A_108, %dma_start3A_109] : memref<327680x128xf32, #tpu.memory_space<hbm>> -> memref<128x128xf32, #tpu.memory_space<hbm>>
      %dma_start3A_111 = arith.constant 0 : i32
      %dma_start3A_112 = tpu.memref_slice %arg4[%add3A_108, %dma_start3A_111] : memref<327680x128xf32, #tpu.memory_space<hbm>> -> memref<128x128xf32, #tpu.memory_space<hbm>>
      tpu.enqueue_dma source(%arg9 : memref<128x128xf32, #tpu.memory_space<vmem>>) target(%dma_start3A_112 : memref<128x128xf32, #tpu.memory_space<hbm>>) target_semaphore(%arg14 : memref<!tpu.dma_semaphore, #tpu.memory_space<semaphore_mem>>)
      %add3A_113 = arith.constant 1 : i32
      %add3A_114 = arith.addi %add3A_85, %add3A_113 : i32
      %ge3A_115 = arith.constant 1 : i32
      %ge3A_116 = arith.cmpi sge, %add3A_114, %ge3A_115 : i32
      %convert_element_type3A_117 = arith.extui %ge3A_116 : i1 to i32
      %cond3A_118 = arith.constant 0 : i32
      %cond3A_119 = arith.cmpi ne, %convert_element_type3A_117, %cond3A_118 : i32
      scf.if %cond3A_119 {
        %sub3A = arith.constant 1 : i32
        %sub3A_142 = arith.subi %add3A_114, %sub3A : i32
        %mul3A_143 = arith.constant 128 : i32
        %mul3A_144 = arith.muli %sub3A_142, %mul3A_143 : i32
        %add3A_145 = arith.addi %mul3A_2, %mul3A_144 : i32
        %dma_wait3A_146 = arith.constant 0 : i32
        %dma_wait3A_147 = tpu.memref_slice %arg4[%add3A_145, %dma_wait3A_146] : memref<327680x128xf32, #tpu.memory_space<hbm>> -> memref<128x128xf32, #tpu.memory_space<hbm>>
        %dma_wait3A_148 = arith.constant 0 : i32
        %dma_wait3A_149 = tpu.memref_slice %arg4[%add3A_145, %dma_wait3A_148] : memref<327680x128xf32, #tpu.memory_space<hbm>> -> memref<128x128xf32, #tpu.memory_space<hbm>>
        tpu.wait_dma2 semaphore(%arg14 : memref<!tpu.dma_semaphore, #tpu.memory_space<semaphore_mem>>) src(%arg9 : memref<128x128xf32, #tpu.memory_space<vmem>>) dst(%dma_wait3A_149 : memref<128x128xf32, #tpu.memory_space<hbm>>)
      } else {
      }
      %add3A_120 = arith.constant 1 : i32
      %add3A_121 = arith.addi %add3A_114, %add3A_120 : i32
      %lt3A_122 = arith.constant 80 : i32
      %lt3A_123 = arith.cmpi slt, %add3A_121, %lt3A_122 : i32
      %convert_element_type3A_124 = arith.extui %lt3A_123 : i1 to i32
      %cond3A_125 = arith.constant 0 : i32
      %cond3A_126 = arith.cmpi ne, %convert_element_type3A_124, %cond3A_125 : i32
      scf.if %cond3A_126 {
        %add3A_142 = arith.constant 1 : i32
        %add3A_143 = arith.addi %add3A_114, %add3A_142 : i32
        %rem3A_144 = arith.constant 4 : i32
        %rem3A_145 = arith.remsi %add3A_143, %rem3A_144 : i32
        %scan3A_146 = arith.constant 0 : i32
        %scan3A_147 = arith.constant 8 : i32
        %scan3A_148 = arith.addi %scan3A_146, %scan3A_147 : i32
        %scan3A_149 = arith.constant 1 : i32
        scf.for %scan3A_161 = %scan3A_146 to %scan3A_148 step %scan3A_149  : i32 {
          %mul3A_162 = arith.constant 16 : i32
          %mul3A_163 = arith.muli %scan3A_161, %mul3A_162 : i32
          %add3A_164 = arith.constant 0 : i32
          %add3A_165 = arith.addi %add3A_164, %mul3A_163 : i32
          %get3A = arith.index_cast %add3A_143 : i32 to index
          %get3A_166 = arith.index_cast %add3A_165 : i32 to index
          %get3A_167 = tpu.vector_load %arg6[%get3A, %get3A_166] {strides = array<i32>} : memref<80x128xi32, #tpu.memory_space<vmem>>, vector<1x16xi32>,
          %get3A_168 = vector.shape_cast %get3A_167 : vector<1x16xi32> to vector<16xi32>
          %and3A = arith.constant 65535 : i32
          %and3A_169 = vector.broadcast %and3A : i32 to vector<16xi32>
          %and3A_170 = arith.andi %get3A_168, %and3A_169 : vector<16xi32>
          %swap3A = arith.index_cast %rem3A_145 : i32 to index
          %swap3A_171 = arith.index_cast %add3A_165 : i32 to index
          %swap3A_172 = tpu.vector_load %arg7[%swap3A, %swap3A_171] {strides = array<i32>} : memref<4x128xi32, #tpu.memory_space<vmem>>, vector<1x16xi32>,
          %swap3A_173 = vector.shape_cast %swap3A_172 : vector<1x16xi32> to vector<16xi32>
          %swap3A_174 = vector.shape_cast %and3A_170 : vector<16xi32> to vector<1x16xi32>
          tpu.vector_store %arg7[%swap3A, %swap3A_171], %swap3A_174 {strides = array<i32>} : memref<4x128xi32, #tpu.memory_space<vmem>>, vector<1x16xi32>,
        }
        %scan3A_150 = arith.constant 8 : i32
        %add3A_151 = arith.constant 1 : i32
        %add3A_152 = arith.addi %add3A_114, %add3A_151 : i32
        %rem3A_153 = arith.constant 4 : i32
        %rem3A_154 = arith.remsi %add3A_152, %rem3A_153 : i32
        %dma_start3A_155 = arith.constant 0 : i32
        %dma_start3A_156 = tpu.memref_slice %arg7[%rem3A_154, %dma_start3A_155] : memref<4x128xi32, #tpu.memory_space<vmem>> -> memref<1x128xi32, #tpu.memory_space<vmem>>
        %dma_start3A_157 = tpu.memref_squeeze %dma_start3A_156 : memref<1x128xi32, #tpu.memory_space<vmem>> -> memref<128xi32, #tpu.memory_space<vmem>>
        %dma_start3A_158 = arith.constant 0 : i32
        %dma_start3A_159 = arith.constant 0 : i32
        %dma_start3A_160 = tpu.memref_slice %arg11[%dma_start3A_158, %dma_start3A_159] : memref<10240x128xf32, #tpu.memory_space<vmem_shared>> -> memref<10240x128xf32, #tpu.memory_space<vmem_shared>>
        tpu.enqueue_indirect_dma source(%dma_start3A_160 : memref<10240x128xf32, #tpu.memory_space<vmem_shared>>) target(%arg9 : memref<128x128xf32, #tpu.memory_space<vmem>>) offsets(%dma_start3A_157 : memref<128xi32, #tpu.memory_space<vmem>>) semaphore(%arg12 : memref<!tpu.dma_semaphore, #tpu.memory_space<semaphore_mem>>)
      } else {
      }
      %rem3A_127 = arith.constant 4 : i32
      %rem3A_128 = arith.remsi %add3A_114, %rem3A_127 : i32
      %dma_wait3A_129 = arith.constant 0 : i32
      %dma_wait3A_130 = tpu.memref_slice %arg7[%rem3A_128, %dma_wait3A_129] : memref<4x128xi32, #tpu.memory_space<vmem>> -> memref<1x128xi32, #tpu.memory_space<vmem>>
      %dma_wait3A_131 = tpu.memref_squeeze %dma_wait3A_130 : memref<1x128xi32, #tpu.memory_space<vmem>> -> memref<128xi32, #tpu.memory_space<vmem>>
      %dma_wait3A_132 = arith.constant 0 : i32
      %dma_wait3A_133 = arith.constant 0 : i32
      %dma_wait3A_134 = tpu.memref_slice %arg11[%dma_wait3A_132, %dma_wait3A_133] : memref<10240x128xf32, #tpu.memory_space<vmem_shared>> -> memref<10240x128xf32, #tpu.memory_space<vmem_shared>>
      tpu.wait_indirect_dma semaphore(%arg13 : memref<!tpu.dma_semaphore, #tpu.memory_space<semaphore_mem>>) src(%dma_wait3A_134 : memref<10240x128xf32, #tpu.memory_space<vmem_shared>>) dst(%arg10 : memref<128x128xf32, #tpu.memory_space<vmem>>)
      %mul3A_135 = arith.constant 128 : i32
      %mul3A_136 = arith.muli %add3A_114, %mul3A_135 : i32
      %add3A_137 = arith.addi %mul3A_2, %mul3A_136 : i32
      %dma_start3A_138 = arith.constant 0 : i32
      %dma_start3A_139 = tpu.memref_slice %arg4[%add3A_137, %dma_start3A_138] : memref<327680x128xf32, #tpu.memory_space<hbm>> -> memref<128x128xf32, #tpu.memory_space<hbm>>
      %dma_start3A_140 = arith.constant 0 : i32
      %dma_start3A_141 = tpu.memref_slice %arg4[%add3A_137, %dma_start3A_140] : memref<327680x128xf32, #tpu.memory_space<hbm>> -> memref<128x128xf32, #tpu.memory_space<hbm>>
      tpu.enqueue_dma source(%arg10 : memref<128x128xf32, #tpu.memory_space<vmem>>) target(%dma_start3A_141 : memref<128x128xf32, #tpu.memory_space<hbm>>) target_semaphore(%arg15 : memref<!tpu.dma_semaphore, #tpu.memory_space<semaphore_mem>>)
    }
    %scan3A_40 = arith.constant 40 : i32
    %add3A_41 = arith.constant 10112 : i32
    %add3A_42 = arith.addi %mul3A_2, %add3A_41 : i32
    %dma_wait3A_43 = arith.constant 0 : i32
    %dma_wait3A_44 = tpu.memref_slice %arg4[%add3A_42, %dma_wait3A_43] : memref<327680x128xf32, #tpu.memory_space<hbm>> -> memref<128x128xf32, #tpu.memory_space<hbm>>
    %dma_wait3A_45 = arith.constant 0 : i32
    %dma_wait3A_46 = tpu.memref_slice %arg4[%add3A_42, %dma_wait3A_45] : memref<327680x128xf32, #tpu.memory_space<hbm>> -> memref<128x128xf32, #tpu.memory_space<hbm>>
    tpu.wait_dma2 semaphore(%arg15 : memref<!tpu.dma_semaphore, #tpu.memory_space<semaphore_mem>>) src(%arg10 : memref<128x128xf32, #tpu.memory_space<vmem>>) dst(%dma_wait3A_46 : memref<128x128xf32, #tpu.memory_space<hbm>>)
    %barrier3A_47 = arith.constant 0 : index
    tpu.barrier barrier_id(%barrier3A_47)
    %scan3A_48 = arith.constant 0 : i32
    %scan3A_49 = arith.constant 128 : i32
    %scan3A_50 = arith.addi %scan3A_48, %scan3A_49 : i32
    %scan3A_51 = arith.constant 1 : i32
    scf.for %scan3A_81 = %scan3A_48 to %scan3A_50 step %scan3A_51  : i32 {
      %mul3A_82 = arith.constant 1 : i32
      %mul3A_83 = arith.muli %scan3A_81, %mul3A_82 : i32
      %add3A_84 = arith.constant 0 : i32
      %add3A_85 = arith.addi %add3A_84, %mul3A_83 : i32
      %scan3A_86 = arith.constant 0 : i32
      %scan3A_87 = arith.constant 8 : i32
      %scan3A_88 = arith.addi %scan3A_86, %scan3A_87 : i32
      %scan3A_89 = arith.constant 1 : i32
      scf.for %scan3A_91 = %scan3A_86 to %scan3A_88 step %scan3A_89  : i32 {
        %mul3A_92 = arith.constant 16 : i32
        %mul3A_93 = arith.muli %scan3A_91, %mul3A_92 : i32
        %add3A_94 = arith.constant 0 : i32
        %add3A_95 = arith.addi %add3A_94, %mul3A_93 : i32
        %broadcast_in_dim3A = arith.constant 0.000000e+00 : f32
        %broadcast_in_dim3A_96 = vector.broadcast %broadcast_in_dim3A : f32 to vector<16xf32>
        %swap3A = arith.index_cast %add3A_85 : i32 to index
        %swap3A_97 = arith.index_cast %add3A_95 : i32 to index
        %swap3A_98 = tpu.vector_load %arg9[%swap3A, %swap3A_97] {strides = array<i32>} : memref<128x128xf32, #tpu.memory_space<vmem>>, vector<1x16xf32>,
        %swap3A_99 = vector.shape_cast %swap3A_98 : vector<1x16xf32> to vector<16xf32>
        %swap3A_100 = vector.shape_cast %broadcast_in_dim3A_96 : vector<16xf32> to vector<1x16xf32>
        tpu.vector_store %arg9[%swap3A, %swap3A_97], %swap3A_100 {strides = array<i32>} : memref<128x128xf32, #tpu.memory_space<vmem>>, vector<1x16xf32>,
      }
      %scan3A_90 = arith.constant 8 : i32
    }
    %scan3A_52 = arith.constant 128 : i32
    %mul3A_53 = arith.constant 640 : i32
    %mul3A_54 = arith.muli %arg1, %mul3A_53 : i32
    %scan3A_55 = arith.constant 0 : i32
    %scan3A_56 = arith.constant 5 : i32
    %scan3A_57 = arith.addi %scan3A_55, %scan3A_56 : i32
    %scan3A_58 = arith.constant 1 : i32
    scf.for %scan3A_81 = %scan3A_55 to %scan3A_57 step %scan3A_58  : i32 {
      %mul3A_82 = arith.constant 1 : i32
      %mul3A_83 = arith.muli %scan3A_81, %mul3A_82 : i32
      %add3A_84 = arith.constant 0 : i32
      %add3A_85 = arith.addi %add3A_84, %mul3A_83 : i32
      %mul3A_86 = arith.constant 128 : i32
      %mul3A_87 = arith.muli %add3A_85, %mul3A_86 : i32
      %add3A_88 = arith.addi %mul3A_54, %mul3A_87 : i32
      "tpu.region"() ({
        %run_scoped3A = tpu.sem_alloc : memref<!tpu.dma_semaphore, #tpu.memory_space<semaphore_mem>>
        %dma_start3A_89 = arith.constant 0 : i32
        %dma_start3A_90 = tpu.memref_slice %arg11[%add3A_88, %dma_start3A_89] : memref<10240x128xf32, #tpu.memory_space<vmem_shared>> -> memref<128x128xf32, #tpu.memory_space<vmem_shared>>
        %dma_start3A_91 = arith.constant 0 : i32
        %dma_start3A_92 = tpu.memref_slice %arg11[%add3A_88, %dma_start3A_91] : memref<10240x128xf32, #tpu.memory_space<vmem_shared>> -> memref<128x128xf32, #tpu.memory_space<vmem_shared>>
        tpu.enqueue_dma source(%arg9 : memref<128x128xf32, #tpu.memory_space<vmem>>) target(%dma_start3A_92 : memref<128x128xf32, #tpu.memory_space<vmem_shared>>) target_semaphore(%run_scoped3A : memref<!tpu.dma_semaphore, #tpu.memory_space<semaphore_mem>>)
        %dma_wait3A_93 = arith.constant 0 : i32
        %dma_wait3A_94 = tpu.memref_slice %arg11[%add3A_88, %dma_wait3A_93] : memref<10240x128xf32, #tpu.memory_space<vmem_shared>> -> memref<128x128xf32, #tpu.memory_space<vmem_shared>>
        %dma_wait3A_95 = arith.constant 0 : i32
        %dma_wait3A_96 = tpu.memref_slice %arg11[%add3A_88, %dma_wait3A_95] : memref<10240x128xf32, #tpu.memory_space<vmem_shared>> -> memref<128x128xf32, #tpu.memory_space<vmem_shared>>
        tpu.wait_dma2 semaphore(%run_scoped3A : memref<!tpu.dma_semaphore, #tpu.memory_space<semaphore_mem>>) src(%arg9 : memref<128x128xf32, #tpu.memory_space<vmem>>) dst(%dma_wait3A_96 : memref<128x128xf32, #tpu.memory_space<vmem_shared>>)
        tpu.yield
      }) : () -> ()
    }
    %scan3A_59 = arith.constant 5 : i32
    %barrier3A_60 = arith.constant 0 : index
    tpu.barrier barrier_id(%barrier3A_60)
    %rem3A_61 = arith.constant 0 : i32
    %rem3A_62 = arith.constant 4 : i32
    %rem3A_63 = arith.remsi %rem3A_61, %rem3A_62 : i32
    %scan3A_64 = arith.constant 0 : i32
    %scan3A_65 = arith.constant 8 : i32
    %scan3A_66 = arith.addi %scan3A_64, %scan3A_65 : i32
    %scan3A_67 = arith.constant 1 : i32
    scf.for %scan3A_81 = %scan3A_64 to %scan3A_66 step %scan3A_67  : i32 {
      %mul3A_82 = arith.constant 16 : i32
      %mul3A_83 = arith.muli %scan3A_81, %mul3A_82 : i32
      %add3A_84 = arith.constant 0 : i32
      %add3A_85 = arith.addi %add3A_84, %mul3A_83 : i32
      %get3A = arith.constant 0 : i32
      %get3A_86 = arith.index_cast %get3A : i32 to index
      %get3A_87 = arith.index_cast %add3A_85 : i32 to index
      %get3A_88 = tpu.vector_load %arg6[%get3A_86, %get3A_87] {strides = array<i32>} : memref<80x128xi32, #tpu.memory_space<vmem>>, vector<1x16xi32>,
      %get3A_89 = vector.shape_cast %get3A_88 : vector<1x16xi32> to vector<16xi32>
      %shift_right_logical3A = arith.constant 16 : i32
      %shift_right_logical3A_90 = vector.broadcast %shift_right_logical3A : i32 to vector<16xi32>
      %shift_right_logical3A_91 = arith.shrui %get3A_89, %shift_right_logical3A_90 : vector<16xi32>
      %swap3A = arith.index_cast %rem3A_63 : i32 to index
      %swap3A_92 = arith.index_cast %add3A_85 : i32 to index
      %swap3A_93 = tpu.vector_load %arg8[%swap3A, %swap3A_92] {strides = array<i32>} : memref<4x128xi32, #tpu.memory_space<vmem>>, vector<1x16xi32>,
      %swap3A_94 = vector.shape_cast %swap3A_93 : vector<1x16xi32> to vector<16xi32>
      %swap3A_95 = vector.shape_cast %shift_right_logical3A_91 : vector<16xi32> to vector<1x16xi32>
      tpu.vector_store %arg8[%swap3A, %swap3A_92], %swap3A_95 {strides = array<i32>} : memref<4x128xi32, #tpu.memory_space<vmem>>, vector<1x16xi32>,
    }
    %scan3A_68 = arith.constant 8 : i32
    %add3A_69 = arith.constant 0 : i32
    %add3A_70 = arith.addi %mul3A_2, %add3A_69 : i32
    %dma_start3A_71 = arith.constant 0 : i32
    %dma_start3A_72 = tpu.memref_slice %arg4[%add3A_70, %dma_start3A_71] : memref<327680x128xf32, #tpu.memory_space<hbm>> -> memref<128x128xf32, #tpu.memory_space<hbm>>
    %dma_start3A_73 = arith.constant 0 : i32
    %dma_start3A_74 = tpu.memref_slice %arg4[%add3A_70, %dma_start3A_73] : memref<327680x128xf32, #tpu.memory_space<hbm>> -> memref<128x128xf32, #tpu.memory_space<hbm>>
    tpu.enqueue_dma source(%dma_start3A_74 : memref<128x128xf32, #tpu.memory_space<hbm>>) target(%arg9 : memref<128x128xf32, #tpu.memory_space<vmem>>) target_semaphore(%arg12 : memref<!tpu.dma_semaphore, #tpu.memory_space<semaphore_mem>>)
    %scan3A_75 = arith.constant 0 : i32
    %scan3A_76 = arith.constant 40 : i32
    %scan3A_77 = arith.addi %scan3A_75, %scan3A_76 : i32
    %scan3A_78 = arith.constant 1 : i32
    scf.for %scan3A_81 = %scan3A_75 to %scan3A_77 step %scan3A_78  : i32 {
      %mul3A_82 = arith.constant 2 : i32
      %mul3A_83 = arith.muli %scan3A_81, %mul3A_82 : i32
      %add3A_84 = arith.constant 0 : i32
      %add3A_85 = arith.addi %add3A_84, %mul3A_83 : i32
      %add3A_86 = arith.constant 0 : i32
      %add3A_87 = arith.addi %add3A_85, %add3A_86 : i32
      %add3A_88 = arith.constant 1 : i32
      %add3A_89 = arith.addi %add3A_87, %add3A_88 : i32
      %lt3A = arith.constant 80 : i32
      %lt3A_90 = arith.cmpi slt, %add3A_89, %lt3A : i32
      %convert_element_type3A_91 = arith.extui %lt3A_90 : i1 to i32
      %cond3A_92 = arith.constant 0 : i32
      %cond3A_93 = arith.cmpi ne, %convert_element_type3A_91, %cond3A_92 : i32
      scf.if %cond3A_93 {
        %add3A_121 = arith.constant 1 : i32
        %add3A_122 = arith.addi %add3A_87, %add3A_121 : i32
        %rem3A_123 = arith.constant 4 : i32
        %rem3A_124 = arith.remsi %add3A_122, %rem3A_123 : i32
        %scan3A_125 = arith.constant 0 : i32
        %scan3A_126 = arith.constant 8 : i32
        %scan3A_127 = arith.addi %scan3A_125, %scan3A_126 : i32
        %scan3A_128 = arith.constant 1 : i32
        scf.for %scan3A_139 = %scan3A_125 to %scan3A_127 step %scan3A_128  : i32 {
          %mul3A_140 = arith.constant 16 : i32
          %mul3A_141 = arith.muli %scan3A_139, %mul3A_140 : i32
          %add3A_142 = arith.constant 0 : i32
          %add3A_143 = arith.addi %add3A_142, %mul3A_141 : i32
          %get3A = arith.index_cast %add3A_122 : i32 to index
          %get3A_144 = arith.index_cast %add3A_143 : i32 to index
          %get3A_145 = tpu.vector_load %arg6[%get3A, %get3A_144] {strides = array<i32>} : memref<80x128xi32, #tpu.memory_space<vmem>>, vector<1x16xi32>,
          %get3A_146 = vector.shape_cast %get3A_145 : vector<1x16xi32> to vector<16xi32>
          %shift_right_logical3A = arith.constant 16 : i32
          %shift_right_logical3A_147 = vector.broadcast %shift_right_logical3A : i32 to vector<16xi32>
          %shift_right_logical3A_148 = arith.shrui %get3A_146, %shift_right_logical3A_147 : vector<16xi32>
          %swap3A = arith.index_cast %rem3A_124 : i32 to index
          %swap3A_149 = arith.index_cast %add3A_143 : i32 to index
          %swap3A_150 = tpu.vector_load %arg8[%swap3A, %swap3A_149] {strides = array<i32>} : memref<4x128xi32, #tpu.memory_space<vmem>>, vector<1x16xi32>,
          %swap3A_151 = vector.shape_cast %swap3A_150 : vector<1x16xi32> to vector<16xi32>
          %swap3A_152 = vector.shape_cast %shift_right_logical3A_148 : vector<16xi32> to vector<1x16xi32>
          tpu.vector_store %arg8[%swap3A, %swap3A_149], %swap3A_152 {strides = array<i32>} : memref<4x128xi32, #tpu.memory_space<vmem>>, vector<1x16xi32>,
        }
        %scan3A_129 = arith.constant 8 : i32
        %add3A_130 = arith.constant 1 : i32
        %add3A_131 = arith.addi %add3A_87, %add3A_130 : i32
        %mul3A_132 = arith.constant 128 : i32
        %mul3A_133 = arith.muli %add3A_131, %mul3A_132 : i32
        %add3A_134 = arith.addi %mul3A_2, %mul3A_133 : i32
        %dma_start3A_135 = arith.constant 0 : i32
        %dma_start3A_136 = tpu.memref_slice %arg4[%add3A_134, %dma_start3A_135] : memref<327680x128xf32, #tpu.memory_space<hbm>> -> memref<128x128xf32, #tpu.memory_space<hbm>>
        %dma_start3A_137 = arith.constant 0 : i32
        %dma_start3A_138 = tpu.memref_slice %arg4[%add3A_134, %dma_start3A_137] : memref<327680x128xf32, #tpu.memory_space<hbm>> -> memref<128x128xf32, #tpu.memory_space<hbm>>
        tpu.enqueue_dma source(%dma_start3A_138 : memref<128x128xf32, #tpu.memory_space<hbm>>) target(%arg10 : memref<128x128xf32, #tpu.memory_space<vmem>>) target_semaphore(%arg13 : memref<!tpu.dma_semaphore, #tpu.memory_space<semaphore_mem>>)
      } else {
      }
      %mul3A_94 = arith.constant 128 : i32
      %mul3A_95 = arith.muli %add3A_87, %mul3A_94 : i32
      %add3A_96 = arith.addi %mul3A_2, %mul3A_95 : i32
      %dma_wait3A_97 = arith.constant 0 : i32
      %dma_wait3A_98 = tpu.memref_slice %arg4[%add3A_96, %dma_wait3A_97] : memref<327680x128xf32, #tpu.memory_space<hbm>> -> memref<128x128xf32, #tpu.memory_space<hbm>>
      %dma_wait3A_99 = arith.constant 0 : i32
      %dma_wait3A_100 = tpu.memref_slice %arg4[%add3A_96, %dma_wait3A_99] : memref<327680x128xf32, #tpu.memory_space<hbm>> -> memref<128x128xf32, #tpu.memory_space<hbm>>
      tpu.wait_dma2 semaphore(%arg12 : memref<!tpu.dma_semaphore, #tpu.memory_space<semaphore_mem>>) src(%dma_wait3A_100 : memref<128x128xf32, #tpu.memory_space<hbm>>) dst(%arg9 : memref<128x128xf32, #tpu.memory_space<vmem>>)
      %rem3A_101 = arith.constant 4 : i32
      %rem3A_102 = arith.remsi %add3A_87, %rem3A_101 : i32
      "tpu.region"() ({
        %run_scoped3A = tpu.sem_alloc : memref<!tpu.dma_semaphore, #tpu.memory_space<semaphore_mem>>
        %dma_start3A_121 = arith.constant 0 : i32
        %dma_start3A_122 = tpu.memref_slice %arg8[%rem3A_102, %dma_start3A_121] : memref<4x128xi32, #tpu.memory_space<vmem>> -> memref<1x128xi32, #tpu.memory_space<vmem>>
        %dma_start3A_123 = tpu.memref_squeeze %dma_start3A_122 : memref<1x128xi32, #tpu.memory_space<vmem>> -> memref<128xi32, #tpu.memory_space<vmem>>
        %dma_start3A_124 = arith.constant 0 : i32
        %dma_start3A_125 = arith.constant 0 : i32
        %dma_start3A_126 = tpu.memref_slice %arg11[%dma_start3A_124, %dma_start3A_125] : memref<10240x128xf32, #tpu.memory_space<vmem_shared>> -> memref<10240x128xf32, #tpu.memory_space<vmem_shared>>
        tpu.enqueue_indirect_dma source(%arg9 : memref<128x128xf32, #tpu.memory_space<vmem>>) target(%dma_start3A_126 : memref<10240x128xf32, #tpu.memory_space<vmem_shared>>) offsets(%dma_start3A_123 : memref<128xi32, #tpu.memory_space<vmem>>) semaphore(%run_scoped3A : memref<!tpu.dma_semaphore, #tpu.memory_space<semaphore_mem>>) {add = true}
        %dma_wait3A_127 = arith.constant 0 : i32
        %dma_wait3A_128 = tpu.memref_slice %arg8[%rem3A_102, %dma_wait3A_127] : memref<4x128xi32, #tpu.memory_space<vmem>> -> memref<1x128xi32, #tpu.memory_space<vmem>>
        %dma_wait3A_129 = tpu.memref_squeeze %dma_wait3A_128 : memref<1x128xi32, #tpu.memory_space<vmem>> -> memref<128xi32, #tpu.memory_space<vmem>>
        %dma_wait3A_130 = arith.constant 0 : i32
        %dma_wait3A_131 = arith.constant 0 : i32
        %dma_wait3A_132 = tpu.memref_slice %arg11[%dma_wait3A_130, %dma_wait3A_131] : memref<10240x128xf32, #tpu.memory_space<vmem_shared>> -> memref<10240x128xf32, #tpu.memory_space<vmem_shared>>
        tpu.wait_indirect_dma semaphore(%run_scoped3A : memref<!tpu.dma_semaphore, #tpu.memory_space<semaphore_mem>>) src(%arg9 : memref<128x128xf32, #tpu.memory_space<vmem>>) dst(%dma_wait3A_132 : memref<10240x128xf32, #tpu.memory_space<vmem_shared>>)
        tpu.yield
      }) : () -> ()
      %add3A_103 = arith.constant 1 : i32
      %add3A_104 = arith.addi %add3A_85, %add3A_103 : i32
      %add3A_105 = arith.constant 1 : i32
      %add3A_106 = arith.addi %add3A_104, %add3A_105 : i32
      %lt3A_107 = arith.constant 80 : i32
      %lt3A_108 = arith.cmpi slt, %add3A_106, %lt3A_107 : i32
      %convert_element_type3A_109 = arith.extui %lt3A_108 : i1 to i32
      %cond3A_110 = arith.constant 0 : i32
      %cond3A_111 = arith.cmpi ne, %convert_element_type3A_109, %cond3A_110 : i32
      scf.if %cond3A_111 {
        %add3A_121 = arith.constant 1 : i32
        %add3A_122 = arith.addi %add3A_104, %add3A_121 : i32
        %rem3A_123 = arith.constant 4 : i32
        %rem3A_124 = arith.remsi %add3A_122, %rem3A_123 : i32
        %scan3A_125 = arith.constant 0 : i32
        %scan3A_126 = arith.constant 8 : i32
        %scan3A_127 = arith.addi %scan3A_125, %scan3A_126 : i32
        %scan3A_128 = arith.constant 1 : i32
        scf.for %scan3A_139 = %scan3A_125 to %scan3A_127 step %scan3A_128  : i32 {
          %mul3A_140 = arith.constant 16 : i32
          %mul3A_141 = arith.muli %scan3A_139, %mul3A_140 : i32
          %add3A_142 = arith.constant 0 : i32
          %add3A_143 = arith.addi %add3A_142, %mul3A_141 : i32
          %get3A = arith.index_cast %add3A_122 : i32 to index
          %get3A_144 = arith.index_cast %add3A_143 : i32 to index
          %get3A_145 = tpu.vector_load %arg6[%get3A, %get3A_144] {strides = array<i32>} : memref<80x128xi32, #tpu.memory_space<vmem>>, vector<1x16xi32>,
          %get3A_146 = vector.shape_cast %get3A_145 : vector<1x16xi32> to vector<16xi32>
          %shift_right_logical3A = arith.constant 16 : i32
          %shift_right_logical3A_147 = vector.broadcast %shift_right_logical3A : i32 to vector<16xi32>
          %shift_right_logical3A_148 = arith.shrui %get3A_146, %shift_right_logical3A_147 : vector<16xi32>
          %swap3A = arith.index_cast %rem3A_124 : i32 to index
          %swap3A_149 = arith.index_cast %add3A_143 : i32 to index
          %swap3A_150 = tpu.vector_load %arg8[%swap3A, %swap3A_149] {strides = array<i32>} : memref<4x128xi32, #tpu.memory_space<vmem>>, vector<1x16xi32>,
          %swap3A_151 = vector.shape_cast %swap3A_150 : vector<1x16xi32> to vector<16xi32>
          %swap3A_152 = vector.shape_cast %shift_right_logical3A_148 : vector<16xi32> to vector<1x16xi32>
          tpu.vector_store %arg8[%swap3A, %swap3A_149], %swap3A_152 {strides = array<i32>} : memref<4x128xi32, #tpu.memory_space<vmem>>, vector<1x16xi32>,
        }
        %scan3A_129 = arith.constant 8 : i32
        %add3A_130 = arith.constant 1 : i32
        %add3A_131 = arith.addi %add3A_104, %add3A_130 : i32
        %mul3A_132 = arith.constant 128 : i32
        %mul3A_133 = arith.muli %add3A_131, %mul3A_132 : i32
        %add3A_134 = arith.addi %mul3A_2, %mul3A_133 : i32
        %dma_start3A_135 = arith.constant 0 : i32
        %dma_start3A_136 = tpu.memref_slice %arg4[%add3A_134, %dma_start3A_135] : memref<327680x128xf32, #tpu.memory_space<hbm>> -> memref<128x128xf32, #tpu.memory_space<hbm>>
        %dma_start3A_137 = arith.constant 0 : i32
        %dma_start3A_138 = tpu.memref_slice %arg4[%add3A_134, %dma_start3A_137] : memref<327680x128xf32, #tpu.memory_space<hbm>> -> memref<128x128xf32, #tpu.memory_space<hbm>>
        tpu.enqueue_dma source(%dma_start3A_138 : memref<128x128xf32, #tpu.memory_space<hbm>>) target(%arg9 : memref<128x128xf32, #tpu.memory_space<vmem>>) target_semaphore(%arg12 : memref<!tpu.dma_semaphore, #tpu.memory_space<semaphore_mem>>)
      } else {
      }
      %mul3A_112 = arith.constant 128 : i32
      %mul3A_113 = arith.muli %add3A_104, %mul3A_112 : i32
      %add3A_114 = arith.addi %mul3A_2, %mul3A_113 : i32
      %dma_wait3A_115 = arith.constant 0 : i32
      %dma_wait3A_116 = tpu.memref_slice %arg4[%add3A_114, %dma_wait3A_115] : memref<327680x128xf32, #tpu.memory_space<hbm>> -> memref<128x128xf32, #tpu.memory_space<hbm>>
      %dma_wait3A_117 = arith.constant 0 : i32
      %dma_wait3A_118 = tpu.memref_slice %arg4[%add3A_114, %dma_wait3A_117] : memref<327680x128xf32, #tpu.memory_space<hbm>> -> memref<128x128xf32, #tpu.memory_space<hbm>>
      tpu.wait_dma2 semaphore(%arg13 : memref<!tpu.dma_semaphore, #tpu.memory_space<semaphore_mem>>) src(%dma_wait3A_118 : memref<128x128xf32, #tpu.memory_space<hbm>>) dst(%arg10 : memref<128x128xf32, #tpu.memory_space<vmem>>)
      %rem3A_119 = arith.constant 4 : i32
      %rem3A_120 = arith.remsi %add3A_104, %rem3A_119 : i32
      "tpu.region"() ({
        %run_scoped3A = tpu.sem_alloc : memref<!tpu.dma_semaphore, #tpu.memory_space<semaphore_mem>>
        %dma_start3A_121 = arith.constant 0 : i32
        %dma_start3A_122 = tpu.memref_slice %arg8[%rem3A_120, %dma_start3A_121] : memref<4x128xi32, #tpu.memory_space<vmem>> -> memref<1x128xi32, #tpu.memory_space<vmem>>
        %dma_start3A_123 = tpu.memref_squeeze %dma_start3A_122 : memref<1x128xi32, #tpu.memory_space<vmem>> -> memref<128xi32, #tpu.memory_space<vmem>>
        %dma_start3A_124 = arith.constant 0 : i32
        %dma_start3A_125 = arith.constant 0 : i32
        %dma_start3A_126 = tpu.memref_slice %arg11[%dma_start3A_124, %dma_start3A_125] : memref<10240x128xf32, #tpu.memory_space<vmem_shared>> -> memref<10240x128xf32, #tpu.memory_space<vmem_shared>>
        tpu.enqueue_indirect_dma source(%arg10 : memref<128x128xf32, #tpu.memory_space<vmem>>) target(%dma_start3A_126 : memref<10240x128xf32, #tpu.memory_space<vmem_shared>>) offsets(%dma_start3A_123 : memref<128xi32, #tpu.memory_space<vmem>>) semaphore(%run_scoped3A : memref<!tpu.dma_semaphore, #tpu.memory_space<semaphore_mem>>) {add = true}
        %dma_wait3A_127 = arith.constant 0 : i32
        %dma_wait3A_128 = tpu.memref_slice %arg8[%rem3A_120, %dma_wait3A_127] : memref<4x128xi32, #tpu.memory_space<vmem>> -> memref<1x128xi32, #tpu.memory_space<vmem>>
        %dma_wait3A_129 = tpu.memref_squeeze %dma_wait3A_128 : memref<1x128xi32, #tpu.memory_space<vmem>> -> memref<128xi32, #tpu.memory_space<vmem>>
        %dma_wait3A_130 = arith.constant 0 : i32
        %dma_wait3A_131 = arith.constant 0 : i32
        %dma_wait3A_132 = tpu.memref_slice %arg11[%dma_wait3A_130, %dma_wait3A_131] : memref<10240x128xf32, #tpu.memory_space<vmem_shared>> -> memref<10240x128xf32, #tpu.memory_space<vmem_shared>>
        tpu.wait_indirect_dma semaphore(%run_scoped3A : memref<!tpu.dma_semaphore, #tpu.memory_space<semaphore_mem>>) src(%arg10 : memref<128x128xf32, #tpu.memory_space<vmem>>) dst(%dma_wait3A_132 : memref<10240x128xf32, #tpu.memory_space<vmem_shared>>)
        tpu.yield
      }) : () -> ()
    }
    %scan3A_79 = arith.constant 40 : i32
    %barrier3A_80 = arith.constant 0 : index
    tpu.barrier barrier_id(%barrier3A_80)
    "tpu.region"() ({
      %run_scoped3A = tpu.sem_alloc : memref<!tpu.dma_semaphore, #tpu.memory_space<semaphore_mem>>
      %dma_start3A_81 = arith.constant 0 : i32
      %dma_start3A_82 = tpu.memref_slice %arg5[%arg0, %mul3A_54, %dma_start3A_81] : memref<2x10240x128xf32, #tpu.memory_space<hbm>> -> memref<1x640x128xf32, #tpu.memory_space<hbm>>
      %dma_start3A_83 = tpu.memref_squeeze %dma_start3A_82 : memref<1x640x128xf32, #tpu.memory_space<hbm>> -> memref<640x128xf32, #tpu.memory_space<hbm>>
      %dma_start3A_84 = arith.constant 0 : i32
      %dma_start3A_85 = tpu.memref_slice %arg11[%mul3A_54, %dma_start3A_84] : memref<10240x128xf32, #tpu.memory_space<vmem_shared>> -> memref<640x128xf32, #tpu.memory_space<vmem_shared>>
      tpu.enqueue_dma source(%dma_start3A_85 : memref<640x128xf32, #tpu.memory_space<vmem_shared>>) target(%dma_start3A_83 : memref<640x128xf32, #tpu.memory_space<hbm>>) target_semaphore(%run_scoped3A : memref<!tpu.dma_semaphore, #tpu.memory_space<semaphore_mem>>)
      %dma_wait3A_86 = arith.constant 0 : i32
      %dma_wait3A_87 = tpu.memref_slice %arg5[%arg0, %mul3A_54, %dma_wait3A_86] : memref<2x10240x128xf32, #tpu.memory_space<hbm>> -> memref<1x640x128xf32, #tpu.memory_space<hbm>>
      %dma_wait3A_88 = tpu.memref_squeeze %dma_wait3A_87 : memref<1x640x128xf32, #tpu.memory_space<hbm>> -> memref<640x128xf32, #tpu.memory_space<hbm>>
      %dma_wait3A_89 = arith.constant 0 : i32
      %dma_wait3A_90 = tpu.memref_slice %arg11[%mul3A_54, %dma_wait3A_89] : memref<10240x128xf32, #tpu.memory_space<vmem_shared>> -> memref<640x128xf32, #tpu.memory_space<vmem_shared>>
      tpu.wait_dma2 semaphore(%run_scoped3A : memref<!tpu.dma_semaphore, #tpu.memory_space<semaphore_mem>>) src(%dma_wait3A_90 : memref<640x128xf32, #tpu.memory_space<vmem_shared>>) dst(%dma_wait3A_88 : memref<640x128xf32, #tpu.memory_space<hbm>>)
      tpu.yield
    }) : () -> ()
    return
  }
}

module attributes {stable_mosaic.version = 14 : i64} {
  func.func @_tc0_body(%arg0: i32, %arg1: memref<2000x128xf32, #tpu.memory_space<vmem>>, %arg2: memref<128x128xf32, #tpu.memory_space<vmem>>, %arg3: memref<1x128xf32, #tpu.memory_space<vmem>>, %arg4: memref<2000x128xf32, #tpu.memory_space<vmem>>) attributes {dimension_semantics = [#tpu.dimension_semantics<arbitrary>], iteration_bounds = array<i64: 5>, scalar_prefetch = 0 : i64, scratch_operands = 0 : i64, tpu.core_type = #tpu.core_type<tc>, window_params = [{transform_indices = @transform_0, window_bounds = array<i64: 2000, 128>}, {pipeline_mode = #tpu.pipeline_mode<synchronous>, transform_indices = @transform_1, window_bounds = array<i64: 128, 128>}, {pipeline_mode = #tpu.pipeline_mode<synchronous>, transform_indices = @transform_2, window_bounds = array<i64: 1, 128>}, {transform_indices = @transform_3, window_bounds = array<i64: 2000, 128>}]} {
    %get3A = arith.constant 0 : index
    %get3A_0 = arith.constant 0 : index
    %get3A_1 = vector.load %arg1[%get3A, %get3A_0] : memref<2000x128xf32, #tpu.memory_space<vmem>>, vector<2000x128xf32>
    %get3A_2 = arith.constant 0 : index
    %get3A_3 = arith.constant 0 : index
    %get3A_4 = vector.load %arg2[%get3A_2, %get3A_3] : memref<128x128xf32, #tpu.memory_space<vmem>>, vector<128x128xf32>
    %dot_general3A = arith.constant dense<0.000000e+00> : vector<2000x128xf32>
    %dot_general3A_5 = tpu.matmul %get3A_1, %get3A_4, %dot_general3A {dimension_numbers = #tpu.dot_dimension_numbers<[1], [0], [0], [1], [0, 0, 1, 1], [], []>, transpose_lhs_hint = false} : vector<2000x128xf32>, vector<128x128xf32>, vector<2000x128xf32> -> vector<2000x128xf32>
    %get3A_6 = arith.constant 0 : index
    %get3A_7 = arith.constant 0 : index
    %get3A_8 = vector.load %arg3[%get3A_6, %get3A_7] : memref<1x128xf32, #tpu.memory_space<vmem>>, vector<1x128xf32>
    %add3A = vector.broadcast %get3A_8 : vector<1x128xf32> to vector<2000x128xf32>
    %add3A_9 = arith.addf %dot_general3A_5, %add3A : vector<2000x128xf32>
    %mul3A = arith.constant 5.000000e-01 : f32
    %mul3A_10 = vector.broadcast %mul3A : f32 to vector<2000x128xf32>
    %mul3A_11 = arith.mulf %mul3A_10, %add3A_9 : vector<2000x128xf32>
    %mul3A_12 = arith.constant 0.707106769 : f32
    %mul3A_13 = vector.broadcast %mul3A_12 : f32 to vector<2000x128xf32>
    %mul3A_14 = arith.mulf %add3A_9, %mul3A_13 : vector<2000x128xf32>
    %erf3A = math.erf %mul3A_14 : vector<2000x128xf32>
    %add3A_15 = arith.constant 1.000000e+00 : f32
    %add3A_16 = vector.broadcast %add3A_15 : f32 to vector<2000x128xf32>
    %add3A_17 = arith.addf %add3A_16, %erf3A : vector<2000x128xf32>
    %mul3A_18 = arith.mulf %mul3A_11, %add3A_17 : vector<2000x128xf32>
    %swap3A = arith.constant 0 : index
    %swap3A_19 = arith.constant 0 : index
    %swap3A_20 = vector.load %arg4[%swap3A, %swap3A_19] : memref<2000x128xf32, #tpu.memory_space<vmem>>, vector<2000x128xf32>
    tpu.vector_store %arg4[%swap3A, %swap3A_19], %mul3A_18 {strides = array<i32>} : memref<2000x128xf32, #tpu.memory_space<vmem>>, vector<2000x128xf32>,
    return
  }
  func.func @transform_0(%arg0: i32) -> (i32, i32) {
    %c0_i32 = arith.constant 0 : i32
    %c0_i32_0 = arith.constant 0 : i32
    return %arg0, %c0_i32 : i32, i32
  }
  func.func @transform_1(%arg0: i32) -> (i32, i32) {
    %c0_i32 = arith.constant 0 : i32
    %c0_i32_0 = arith.constant 0 : i32
    %c0_i32_1 = arith.constant 0 : i32
    return %c0_i32, %c0_i32_0 : i32, i32
  }
  func.func @transform_2(%arg0: i32) -> (i32, i32) {
    %c0_i32 = arith.constant 0 : i32
    %c0_i32_0 = arith.constant 0 : i32
    %c0_i32_1 = arith.constant 0 : i32
    return %c0_i32, %c0_i32_0 : i32, i32
  }
  func.func @transform_3(%arg0: i32) -> (i32, i32) {
    %c0_i32 = arith.constant 0 : i32
    %c0_i32_0 = arith.constant 0 : i32
    return %arg0, %c0_i32 : i32, i32
  }
}

module attributes {stable_mosaic.version = 14 : i64} {
  func.func @_tc1_body(%arg0: i32, %arg1: memref<2000x128xf32, #tpu.memory_space<vmem>>, %arg2: memref<128x128xf32, #tpu.memory_space<vmem>>, %arg3: memref<2x2000x16xf32, #tpu.memory_space<vmem>>, %arg4: memref<2000x128xf32, #tpu.memory_space<vmem>>) attributes {dimension_semantics = [#tpu.dimension_semantics<arbitrary>], iteration_bounds = array<i64: 5>, scalar_prefetch = 0 : i64, scratch_operands = 0 : i64, tpu.core_type = #tpu.core_type<tc>, window_params = [{transform_indices = @transform_0, window_bounds = array<i64: 2000, 128>}, {pipeline_mode = #tpu.pipeline_mode<synchronous>, transform_indices = @transform_1, window_bounds = array<i64: 128, 128>}, {transform_indices = @transform_2, window_bounds = array<i64: 2, 2000, 16>}, {transform_indices = @transform_3, window_bounds = array<i64: 2000, 128>}]} {
    %get3A = arith.constant 0 : index
    %get3A_0 = arith.constant 0 : index
    %get3A_1 = arith.constant 0 : index
    %get3A_2 = vector.load %arg3[%get3A, %get3A_0, %get3A_1] : memref<2x2000x16xf32, #tpu.memory_space<vmem>>, vector<1x2000x16xf32>
    %get3A_3 = vector.shape_cast %get3A_2 : vector<1x2000x16xf32> to vector<2000x16xf32>
    %get3A_4 = arith.constant 1 : index
    %get3A_5 = arith.constant 0 : index
    %get3A_6 = arith.constant 0 : index
    %get3A_7 = vector.load %arg3[%get3A_4, %get3A_5, %get3A_6] : memref<2x2000x16xf32, #tpu.memory_space<vmem>>, vector<1x2000x16xf32>
    %get3A_8 = vector.shape_cast %get3A_7 : vector<1x2000x16xf32> to vector<2000x16xf32>
    %add3A = arith.addf %get3A_3, %get3A_8 : vector<2000x16xf32>
    %add3A_9 = arith.constant 1.000000e+00 : f32
    %add3A_10 = vector.broadcast %add3A_9 : f32 to vector<2000x16xf32>
    %add3A_11 = arith.addf %add3A, %add3A_10 : vector<2000x16xf32>
    %slice3A = vector.extract_strided_slice %add3A_11 {offsets = [0, 0], sizes = [2000, 1], strides = [1, 1]} : vector<2000x16xf32> to vector<2000x1xf32>
    %rsqrt3A = math.rsqrt %slice3A : vector<2000x1xf32>
    %get3A_12 = arith.constant 0 : index
    %get3A_13 = arith.constant 0 : index
    %get3A_14 = vector.load %arg1[%get3A_12, %get3A_13] : memref<2000x128xf32, #tpu.memory_space<vmem>>, vector<2000x128xf32>
    %get3A_15 = arith.constant 0 : index
    %get3A_16 = arith.constant 0 : index
    %get3A_17 = vector.load %arg2[%get3A_15, %get3A_16] : memref<128x128xf32, #tpu.memory_space<vmem>>, vector<128x128xf32>
    %dot_general3A = arith.constant dense<0.000000e+00> : vector<2000x128xf32>
    %dot_general3A_18 = tpu.matmul %get3A_14, %get3A_17, %dot_general3A {dimension_numbers = #tpu.dot_dimension_numbers<[1], [0], [0], [1], [0, 0, 1, 1], [], []>, transpose_lhs_hint = false} : vector<2000x128xf32>, vector<128x128xf32>, vector<2000x128xf32> -> vector<2000x128xf32>
    %mul3A = vector.broadcast %rsqrt3A : vector<2000x1xf32> to vector<2000x128xf32>
    %mul3A_19 = arith.mulf %dot_general3A_18, %mul3A : vector<2000x128xf32>
    %swap3A = arith.constant 0 : index
    %swap3A_20 = arith.constant 0 : index
    %swap3A_21 = vector.load %arg4[%swap3A, %swap3A_20] : memref<2000x128xf32, #tpu.memory_space<vmem>>, vector<2000x128xf32>
    tpu.vector_store %arg4[%swap3A, %swap3A_20], %mul3A_19 {strides = array<i32>} : memref<2000x128xf32, #tpu.memory_space<vmem>>, vector<2000x128xf32>,
    return
  }
  func.func @transform_0(%arg0: i32) -> (i32, i32) {
    %c0_i32 = arith.constant 0 : i32
    %c0_i32_0 = arith.constant 0 : i32
    return %arg0, %c0_i32 : i32, i32
  }
  func.func @transform_1(%arg0: i32) -> (i32, i32) {
    %c0_i32 = arith.constant 0 : i32
    %c0_i32_0 = arith.constant 0 : i32
    %c0_i32_1 = arith.constant 0 : i32
    return %c0_i32, %c0_i32_0 : i32, i32
  }
  func.func @transform_2(%arg0: i32) -> (i32, i32, i32) {
    %c0_i32 = arith.constant 0 : i32
    %c0_i32_0 = arith.constant 0 : i32
    %c0_i32_1 = arith.constant 0 : i32
    return %c0_i32, %arg0, %c0_i32_0 : i32, i32, i32
  }
  func.func @transform_3(%arg0: i32) -> (i32, i32) {
    %c0_i32 = arith.constant 0 : i32
    %c0_i32_0 = arith.constant 0 : i32
    return %arg0, %c0_i32 : i32, i32
  }
}

module attributes {stable_mosaic.version = 14 : i64} {
  func.func @_tc2_body(%arg0: i32, %arg1: memref<2x2000x128xf32, #tpu.memory_space<vmem>>, %arg2: memref<2000x128xf32, #tpu.memory_space<vmem>>, %arg3: memref<2000x128xf32, #tpu.memory_space<vmem>>, %arg4: memref<2x2000x16xf32, #tpu.memory_space<vmem>>, %arg5: memref<1x128xf32, #tpu.memory_space<vmem>>, %arg6: memref<1x128xf32, #tpu.memory_space<vmem>>, %arg7: memref<1x128xf32, #tpu.memory_space<vmem>>, %arg8: memref<1x128xf32, #tpu.memory_space<vmem>>, %arg9: memref<1x128xf32, #tpu.memory_space<vmem>>, %arg10: memref<128x128xf32, #tpu.memory_space<vmem>>, %arg11: memref<2000x128xf32, #tpu.memory_space<vmem>>, %arg12: memref<2000x128xf32, #tpu.memory_space<vmem>>) attributes {dimension_semantics = [#tpu.dimension_semantics<arbitrary>], iteration_bounds = array<i64: 5>, scalar_prefetch = 0 : i64, scratch_operands = 0 : i64, tpu.core_type = #tpu.core_type<tc>, window_params = [{transform_indices = @transform_0, window_bounds = array<i64: 2, 2000, 128>}, {transform_indices = @transform_1, window_bounds = array<i64: 2000, 128>}, {transform_indices = @transform_2, window_bounds = array<i64: 2000, 128>}, {transform_indices = @transform_3, window_bounds = array<i64: 2, 2000, 16>}, {pipeline_mode = #tpu.pipeline_mode<synchronous>, transform_indices = @transform_4, window_bounds = array<i64: 1, 128>}, {pipeline_mode = #tpu.pipeline_mode<synchronous>, transform_indices = @transform_5, window_bounds = array<i64: 1, 128>}, {pipeline_mode = #tpu.pipeline_mode<synchronous>, transform_indices = @transform_6, window_bounds = array<i64: 1, 128>}, {pipeline_mode = #tpu.pipeline_mode<synchronous>, transform_indices = @transform_7, window_bounds = array<i64: 1, 128>}, {pipeline_mode = #tpu.pipeline_mode<synchronous>, transform_indices = @transform_8, window_bounds = array<i64: 1, 128>}, {pipeline_mode = #tpu.pipeline_mode<synchronous>, transform_indices = @transform_9, window_bounds = array<i64: 128, 128>}, {transform_indices = @transform_10, window_bounds = array<i64: 2000, 128>}, {transform_indices = @transform_11, window_bounds = array<i64: 2000, 128>}]} {
    %get3A = arith.constant 0 : index
    %get3A_0 = arith.constant 0 : index
    %get3A_1 = arith.constant 0 : index
    %get3A_2 = vector.load %arg4[%get3A, %get3A_0, %get3A_1] : memref<2x2000x16xf32, #tpu.memory_space<vmem>>, vector<1x2000x16xf32>
    %get3A_3 = vector.shape_cast %get3A_2 : vector<1x2000x16xf32> to vector<2000x16xf32>
    %get3A_4 = arith.constant 1 : index
    %get3A_5 = arith.constant 0 : index
    %get3A_6 = arith.constant 0 : index
    %get3A_7 = vector.load %arg4[%get3A_4, %get3A_5, %get3A_6] : memref<2x2000x16xf32, #tpu.memory_space<vmem>>, vector<1x2000x16xf32>
    %get3A_8 = vector.shape_cast %get3A_7 : vector<1x2000x16xf32> to vector<2000x16xf32>
    %add3A = arith.addf %get3A_3, %get3A_8 : vector<2000x16xf32>
    %add3A_9 = arith.constant 1.000000e+00 : f32
    %add3A_10 = vector.broadcast %add3A_9 : f32 to vector<2000x16xf32>
    %add3A_11 = arith.addf %add3A, %add3A_10 : vector<2000x16xf32>
    %slice3A = vector.extract_strided_slice %add3A_11 {offsets = [0, 0], sizes = [2000, 1], strides = [1, 1]} : vector<2000x16xf32> to vector<2000x1xf32>
    %rsqrt3A = math.rsqrt %slice3A : vector<2000x1xf32>
    %get3A_12 = arith.constant 0 : index
    %get3A_13 = arith.constant 0 : index
    %get3A_14 = arith.constant 0 : index
    %get3A_15 = vector.load %arg1[%get3A_12, %get3A_13, %get3A_14] : memref<2x2000x128xf32, #tpu.memory_space<vmem>>, vector<1x2000x128xf32>
    %get3A_16 = vector.shape_cast %get3A_15 : vector<1x2000x128xf32> to vector<2000x128xf32>
    %get3A_17 = arith.constant 1 : index
    %get3A_18 = arith.constant 0 : index
    %get3A_19 = arith.constant 0 : index
    %get3A_20 = vector.load %arg1[%get3A_17, %get3A_18, %get3A_19] : memref<2x2000x128xf32, #tpu.memory_space<vmem>>, vector<1x2000x128xf32>
    %get3A_21 = vector.shape_cast %get3A_20 : vector<1x2000x128xf32> to vector<2000x128xf32>
    %add3A_22 = arith.addf %get3A_16, %get3A_21 : vector<2000x128xf32>
    %get3A_23 = arith.constant 0 : index
    %get3A_24 = arith.constant 0 : index
    %get3A_25 = vector.load %arg2[%get3A_23, %get3A_24] : memref<2000x128xf32, #tpu.memory_space<vmem>>, vector<2000x128xf32>
    %add3A_26 = arith.addf %add3A_22, %get3A_25 : vector<2000x128xf32>
    %mul3A = vector.broadcast %rsqrt3A : vector<2000x1xf32> to vector<2000x128xf32>
    %mul3A_27 = arith.mulf %add3A_26, %mul3A : vector<2000x128xf32>
    %get3A_28 = arith.constant 0 : index
    %get3A_29 = arith.constant 0 : index
    %get3A_30 = vector.load %arg5[%get3A_28, %get3A_29] : memref<1x128xf32, #tpu.memory_space<vmem>>, vector<1x128xf32>
    %add3A_31 = vector.broadcast %get3A_30 : vector<1x128xf32> to vector<2000x128xf32>
    %add3A_32 = arith.addf %mul3A_27, %add3A_31 : vector<2000x128xf32>
    %get3A_33 = arith.constant 0 : index
    %get3A_34 = arith.constant 0 : index
    %get3A_35 = vector.load %arg8[%get3A_33, %get3A_34] : memref<1x128xf32, #tpu.memory_space<vmem>>, vector<1x128xf32>
    %sub3A = vector.broadcast %get3A_35 : vector<1x128xf32> to vector<2000x128xf32>
    %sub3A_36 = arith.subf %add3A_32, %sub3A : vector<2000x128xf32>
    %get3A_37 = arith.constant 0 : index
    %get3A_38 = arith.constant 0 : index
    %get3A_39 = vector.load %arg9[%get3A_37, %get3A_38] : memref<1x128xf32, #tpu.memory_space<vmem>>, vector<1x128xf32>
    %add3A_40 = arith.constant 9.99999974E-6 : f32
    %add3A_41 = vector.broadcast %add3A_40 : f32 to vector<1x128xf32>
    %add3A_42 = arith.addf %get3A_39, %add3A_41 : vector<1x128xf32>
    %rsqrt3A_43 = math.rsqrt %add3A_42 : vector<1x128xf32>
    %mul3A_44 = vector.broadcast %rsqrt3A_43 : vector<1x128xf32> to vector<2000x128xf32>
    %mul3A_45 = arith.mulf %sub3A_36, %mul3A_44 : vector<2000x128xf32>
    %get3A_46 = arith.constant 0 : index
    %get3A_47 = arith.constant 0 : index
    %get3A_48 = vector.load %arg6[%get3A_46, %get3A_47] : memref<1x128xf32, #tpu.memory_space<vmem>>, vector<1x128xf32>
    %mul3A_49 = vector.broadcast %get3A_48 : vector<1x128xf32> to vector<2000x128xf32>
    %mul3A_50 = arith.mulf %mul3A_45, %mul3A_49 : vector<2000x128xf32>
    %get3A_51 = arith.constant 0 : index
    %get3A_52 = arith.constant 0 : index
    %get3A_53 = vector.load %arg7[%get3A_51, %get3A_52] : memref<1x128xf32, #tpu.memory_space<vmem>>, vector<1x128xf32>
    %add3A_54 = vector.broadcast %get3A_53 : vector<1x128xf32> to vector<2000x128xf32>
    %add3A_55 = arith.addf %mul3A_50, %add3A_54 : vector<2000x128xf32>
    %mul3A_56 = arith.constant 5.000000e-01 : f32
    %mul3A_57 = vector.broadcast %mul3A_56 : f32 to vector<2000x128xf32>
    %mul3A_58 = arith.mulf %mul3A_57, %add3A_55 : vector<2000x128xf32>
    %mul3A_59 = arith.constant 0.707106769 : f32
    %mul3A_60 = vector.broadcast %mul3A_59 : f32 to vector<2000x128xf32>
    %mul3A_61 = arith.mulf %add3A_55, %mul3A_60 : vector<2000x128xf32>
    %erf3A = math.erf %mul3A_61 : vector<2000x128xf32>
    %add3A_62 = arith.constant 1.000000e+00 : f32
    %add3A_63 = vector.broadcast %add3A_62 : f32 to vector<2000x128xf32>
    %add3A_64 = arith.addf %add3A_63, %erf3A : vector<2000x128xf32>
    %mul3A_65 = arith.mulf %mul3A_58, %add3A_64 : vector<2000x128xf32>
    %get3A_66 = arith.constant 0 : index
    %get3A_67 = arith.constant 0 : index
    %get3A_68 = vector.load %arg3[%get3A_66, %get3A_67] : memref<2000x128xf32, #tpu.memory_space<vmem>>, vector<2000x128xf32>
    %add3A_69 = arith.addf %mul3A_65, %get3A_68 : vector<2000x128xf32>
    %swap3A = arith.constant 0 : index
    %swap3A_70 = arith.constant 0 : index
    %swap3A_71 = vector.load %arg11[%swap3A, %swap3A_70] : memref<2000x128xf32, #tpu.memory_space<vmem>>, vector<2000x128xf32>
    tpu.vector_store %arg11[%swap3A, %swap3A_70], %add3A_69 {strides = array<i32>} : memref<2000x128xf32, #tpu.memory_space<vmem>>, vector<2000x128xf32>,
    %get3A_72 = arith.constant 0 : index
    %get3A_73 = arith.constant 0 : index
    %get3A_74 = vector.load %arg10[%get3A_72, %get3A_73] : memref<128x128xf32, #tpu.memory_space<vmem>>, vector<128x128xf32>
    %dot_general3A = arith.constant dense<0.000000e+00> : vector<2000x128xf32>
    %dot_general3A_75 = tpu.matmul %add3A_69, %get3A_74, %dot_general3A {dimension_numbers = #tpu.dot_dimension_numbers<[1], [0], [0], [1], [0, 0, 1, 1], [], []>, transpose_lhs_hint = false} : vector<2000x128xf32>, vector<128x128xf32>, vector<2000x128xf32> -> vector<2000x128xf32>
    %mul3A_76 = vector.broadcast %rsqrt3A : vector<2000x1xf32> to vector<2000x128xf32>
    %mul3A_77 = arith.mulf %dot_general3A_75, %mul3A_76 : vector<2000x128xf32>
    %swap3A_78 = arith.constant 0 : index
    %swap3A_79 = arith.constant 0 : index
    %swap3A_80 = vector.load %arg12[%swap3A_78, %swap3A_79] : memref<2000x128xf32, #tpu.memory_space<vmem>>, vector<2000x128xf32>
    tpu.vector_store %arg12[%swap3A_78, %swap3A_79], %mul3A_77 {strides = array<i32>} : memref<2000x128xf32, #tpu.memory_space<vmem>>, vector<2000x128xf32>,
    return
  }
  func.func @transform_0(%arg0: i32) -> (i32, i32, i32) {
    %c0_i32 = arith.constant 0 : i32
    %c0_i32_0 = arith.constant 0 : i32
    %c0_i32_1 = arith.constant 0 : i32
    return %c0_i32, %arg0, %c0_i32_0 : i32, i32, i32
  }
  func.func @transform_1(%arg0: i32) -> (i32, i32) {
    %c0_i32 = arith.constant 0 : i32
    %c0_i32_0 = arith.constant 0 : i32
    return %arg0, %c0_i32 : i32, i32
  }
  func.func @transform_2(%arg0: i32) -> (i32, i32) {
    %c0_i32 = arith.constant 0 : i32
    %c0_i32_0 = arith.constant 0 : i32
    return %arg0, %c0_i32 : i32, i32
  }
  func.func @transform_3(%arg0: i32) -> (i32, i32, i32) {
    %c0_i32 = arith.constant 0 : i32
    %c0_i32_0 = arith.constant 0 : i32
    %c0_i32_1 = arith.constant 0 : i32
    return %c0_i32, %arg0, %c0_i32_0 : i32, i32, i32
  }
  func.func @transform_4(%arg0: i32) -> (i32, i32) {
    %c0_i32 = arith.constant 0 : i32
    %c0_i32_0 = arith.constant 0 : i32
    %c0_i32_1 = arith.constant 0 : i32
    return %c0_i32, %c0_i32_0 : i32, i32
  }
  func.func @transform_5(%arg0: i32) -> (i32, i32) {
    %c0_i32 = arith.constant 0 : i32
    %c0_i32_0 = arith.constant 0 : i32
    %c0_i32_1 = arith.constant 0 : i32
    return %c0_i32, %c0_i32_0 : i32, i32
  }
  func.func @transform_6(%arg0: i32) -> (i32, i32) {
    %c0_i32 = arith.constant 0 : i32
    %c0_i32_0 = arith.constant 0 : i32
    %c0_i32_1 = arith.constant 0 : i32
    return %c0_i32, %c0_i32_0 : i32, i32
  }
  func.func @transform_7(%arg0: i32) -> (i32, i32) {
    %c0_i32 = arith.constant 0 : i32
    %c0_i32_0 = arith.constant 0 : i32
    %c0_i32_1 = arith.constant 0 : i32
    return %c0_i32, %c0_i32_0 : i32, i32
  }
  func.func @transform_8(%arg0: i32) -> (i32, i32) {
    %c0_i32 = arith.constant 0 : i32
    %c0_i32_0 = arith.constant 0 : i32
    %c0_i32_1 = arith.constant 0 : i32
    return %c0_i32, %c0_i32_0 : i32, i32
  }
  func.func @transform_9(%arg0: i32) -> (i32, i32) {
    %c0_i32 = arith.constant 0 : i32
    %c0_i32_0 = arith.constant 0 : i32
    %c0_i32_1 = arith.constant 0 : i32
    return %c0_i32, %c0_i32_0 : i32, i32
  }
  func.func @transform_10(%arg0: i32) -> (i32, i32) {
    %c0_i32 = arith.constant 0 : i32
    %c0_i32_0 = arith.constant 0 : i32
    return %arg0, %c0_i32 : i32, i32
  }
  func.func @transform_11(%arg0: i32) -> (i32, i32) {
    %c0_i32 = arith.constant 0 : i32
    %c0_i32_0 = arith.constant 0 : i32
    return %arg0, %c0_i32 : i32, i32
  }
}

module attributes {stable_mosaic.version = 14 : i64} {
  func.func @_tc3_body(%arg0: i32, %arg1: memref<2x2000x128xf32, #tpu.memory_space<vmem>>, %arg2: memref<2000x128xf32, #tpu.memory_space<vmem>>, %arg3: memref<2000x128xf32, #tpu.memory_space<vmem>>, %arg4: memref<2x2000x16xf32, #tpu.memory_space<vmem>>, %arg5: memref<1x128xf32, #tpu.memory_space<vmem>>, %arg6: memref<1x128xf32, #tpu.memory_space<vmem>>, %arg7: memref<1x128xf32, #tpu.memory_space<vmem>>, %arg8: memref<1x128xf32, #tpu.memory_space<vmem>>, %arg9: memref<1x128xf32, #tpu.memory_space<vmem>>, %arg10: memref<128x40xf32, #tpu.memory_space<vmem>>, %arg11: memref<1x40xf32, #tpu.memory_space<vmem>>, %arg12: memref<2000x40xf32, #tpu.memory_space<vmem>>) attributes {dimension_semantics = [#tpu.dimension_semantics<arbitrary>], iteration_bounds = array<i64: 5>, scalar_prefetch = 0 : i64, scratch_operands = 0 : i64, tpu.core_type = #tpu.core_type<tc>, window_params = [{transform_indices = @transform_0, window_bounds = array<i64: 2, 2000, 128>}, {transform_indices = @transform_1, window_bounds = array<i64: 2000, 128>}, {transform_indices = @transform_2, window_bounds = array<i64: 2000, 128>}, {transform_indices = @transform_3, window_bounds = array<i64: 2, 2000, 16>}, {pipeline_mode = #tpu.pipeline_mode<synchronous>, transform_indices = @transform_4, window_bounds = array<i64: 1, 128>}, {pipeline_mode = #tpu.pipeline_mode<synchronous>, transform_indices = @transform_5, window_bounds = array<i64: 1, 128>}, {pipeline_mode = #tpu.pipeline_mode<synchronous>, transform_indices = @transform_6, window_bounds = array<i64: 1, 128>}, {pipeline_mode = #tpu.pipeline_mode<synchronous>, transform_indices = @transform_7, window_bounds = array<i64: 1, 128>}, {pipeline_mode = #tpu.pipeline_mode<synchronous>, transform_indices = @transform_8, window_bounds = array<i64: 1, 128>}, {pipeline_mode = #tpu.pipeline_mode<synchronous>, transform_indices = @transform_9, window_bounds = array<i64: 128, 40>}, {pipeline_mode = #tpu.pipeline_mode<synchronous>, transform_indices = @transform_10, window_bounds = array<i64: 1, 40>}, {transform_indices = @transform_11, window_bounds = array<i64: 2000, 40>}]} {
    %get3A = arith.constant 0 : index
    %get3A_0 = arith.constant 0 : index
    %get3A_1 = arith.constant 0 : index
    %get3A_2 = vector.load %arg4[%get3A, %get3A_0, %get3A_1] : memref<2x2000x16xf32, #tpu.memory_space<vmem>>, vector<1x2000x16xf32>
    %get3A_3 = vector.shape_cast %get3A_2 : vector<1x2000x16xf32> to vector<2000x16xf32>
    %get3A_4 = arith.constant 1 : index
    %get3A_5 = arith.constant 0 : index
    %get3A_6 = arith.constant 0 : index
    %get3A_7 = vector.load %arg4[%get3A_4, %get3A_5, %get3A_6] : memref<2x2000x16xf32, #tpu.memory_space<vmem>>, vector<1x2000x16xf32>
    %get3A_8 = vector.shape_cast %get3A_7 : vector<1x2000x16xf32> to vector<2000x16xf32>
    %add3A = arith.addf %get3A_3, %get3A_8 : vector<2000x16xf32>
    %add3A_9 = arith.constant 1.000000e+00 : f32
    %add3A_10 = vector.broadcast %add3A_9 : f32 to vector<2000x16xf32>
    %add3A_11 = arith.addf %add3A, %add3A_10 : vector<2000x16xf32>
    %slice3A = vector.extract_strided_slice %add3A_11 {offsets = [0, 0], sizes = [2000, 1], strides = [1, 1]} : vector<2000x16xf32> to vector<2000x1xf32>
    %rsqrt3A = math.rsqrt %slice3A : vector<2000x1xf32>
    %get3A_12 = arith.constant 0 : index
    %get3A_13 = arith.constant 0 : index
    %get3A_14 = arith.constant 0 : index
    %get3A_15 = vector.load %arg1[%get3A_12, %get3A_13, %get3A_14] : memref<2x2000x128xf32, #tpu.memory_space<vmem>>, vector<1x2000x128xf32>
    %get3A_16 = vector.shape_cast %get3A_15 : vector<1x2000x128xf32> to vector<2000x128xf32>
    %get3A_17 = arith.constant 1 : index
    %get3A_18 = arith.constant 0 : index
    %get3A_19 = arith.constant 0 : index
    %get3A_20 = vector.load %arg1[%get3A_17, %get3A_18, %get3A_19] : memref<2x2000x128xf32, #tpu.memory_space<vmem>>, vector<1x2000x128xf32>
    %get3A_21 = vector.shape_cast %get3A_20 : vector<1x2000x128xf32> to vector<2000x128xf32>
    %add3A_22 = arith.addf %get3A_16, %get3A_21 : vector<2000x128xf32>
    %get3A_23 = arith.constant 0 : index
    %get3A_24 = arith.constant 0 : index
    %get3A_25 = vector.load %arg2[%get3A_23, %get3A_24] : memref<2000x128xf32, #tpu.memory_space<vmem>>, vector<2000x128xf32>
    %add3A_26 = arith.addf %add3A_22, %get3A_25 : vector<2000x128xf32>
    %mul3A = vector.broadcast %rsqrt3A : vector<2000x1xf32> to vector<2000x128xf32>
    %mul3A_27 = arith.mulf %add3A_26, %mul3A : vector<2000x128xf32>
    %get3A_28 = arith.constant 0 : index
    %get3A_29 = arith.constant 0 : index
    %get3A_30 = vector.load %arg5[%get3A_28, %get3A_29] : memref<1x128xf32, #tpu.memory_space<vmem>>, vector<1x128xf32>
    %add3A_31 = vector.broadcast %get3A_30 : vector<1x128xf32> to vector<2000x128xf32>
    %add3A_32 = arith.addf %mul3A_27, %add3A_31 : vector<2000x128xf32>
    %get3A_33 = arith.constant 0 : index
    %get3A_34 = arith.constant 0 : index
    %get3A_35 = vector.load %arg8[%get3A_33, %get3A_34] : memref<1x128xf32, #tpu.memory_space<vmem>>, vector<1x128xf32>
    %sub3A = vector.broadcast %get3A_35 : vector<1x128xf32> to vector<2000x128xf32>
    %sub3A_36 = arith.subf %add3A_32, %sub3A : vector<2000x128xf32>
    %get3A_37 = arith.constant 0 : index
    %get3A_38 = arith.constant 0 : index
    %get3A_39 = vector.load %arg9[%get3A_37, %get3A_38] : memref<1x128xf32, #tpu.memory_space<vmem>>, vector<1x128xf32>
    %add3A_40 = arith.constant 9.99999974E-6 : f32
    %add3A_41 = vector.broadcast %add3A_40 : f32 to vector<1x128xf32>
    %add3A_42 = arith.addf %get3A_39, %add3A_41 : vector<1x128xf32>
    %rsqrt3A_43 = math.rsqrt %add3A_42 : vector<1x128xf32>
    %mul3A_44 = vector.broadcast %rsqrt3A_43 : vector<1x128xf32> to vector<2000x128xf32>
    %mul3A_45 = arith.mulf %sub3A_36, %mul3A_44 : vector<2000x128xf32>
    %get3A_46 = arith.constant 0 : index
    %get3A_47 = arith.constant 0 : index
    %get3A_48 = vector.load %arg6[%get3A_46, %get3A_47] : memref<1x128xf32, #tpu.memory_space<vmem>>, vector<1x128xf32>
    %mul3A_49 = vector.broadcast %get3A_48 : vector<1x128xf32> to vector<2000x128xf32>
    %mul3A_50 = arith.mulf %mul3A_45, %mul3A_49 : vector<2000x128xf32>
    %get3A_51 = arith.constant 0 : index
    %get3A_52 = arith.constant 0 : index
    %get3A_53 = vector.load %arg7[%get3A_51, %get3A_52] : memref<1x128xf32, #tpu.memory_space<vmem>>, vector<1x128xf32>
    %add3A_54 = vector.broadcast %get3A_53 : vector<1x128xf32> to vector<2000x128xf32>
    %add3A_55 = arith.addf %mul3A_50, %add3A_54 : vector<2000x128xf32>
    %mul3A_56 = arith.constant 5.000000e-01 : f32
    %mul3A_57 = vector.broadcast %mul3A_56 : f32 to vector<2000x128xf32>
    %mul3A_58 = arith.mulf %mul3A_57, %add3A_55 : vector<2000x128xf32>
    %mul3A_59 = arith.constant 0.707106769 : f32
    %mul3A_60 = vector.broadcast %mul3A_59 : f32 to vector<2000x128xf32>
    %mul3A_61 = arith.mulf %add3A_55, %mul3A_60 : vector<2000x128xf32>
    %erf3A = math.erf %mul3A_61 : vector<2000x128xf32>
    %add3A_62 = arith.constant 1.000000e+00 : f32
    %add3A_63 = vector.broadcast %add3A_62 : f32 to vector<2000x128xf32>
    %add3A_64 = arith.addf %add3A_63, %erf3A : vector<2000x128xf32>
    %mul3A_65 = arith.mulf %mul3A_58, %add3A_64 : vector<2000x128xf32>
    %get3A_66 = arith.constant 0 : index
    %get3A_67 = arith.constant 0 : index
    %get3A_68 = vector.load %arg3[%get3A_66, %get3A_67] : memref<2000x128xf32, #tpu.memory_space<vmem>>, vector<2000x128xf32>
    %add3A_69 = arith.addf %mul3A_65, %get3A_68 : vector<2000x128xf32>
    %get3A_70 = arith.constant 0 : index
    %get3A_71 = arith.constant 0 : index
    %get3A_72 = vector.load %arg10[%get3A_70, %get3A_71] : memref<128x40xf32, #tpu.memory_space<vmem>>, vector<128x40xf32>
    %dot_general3A = arith.constant dense<0.000000e+00> : vector<2000x40xf32>
    %dot_general3A_73 = tpu.matmul %add3A_69, %get3A_72, %dot_general3A {dimension_numbers = #tpu.dot_dimension_numbers<[1], [0], [0], [1], [0, 0, 1, 1], [], []>, transpose_lhs_hint = false} : vector<2000x128xf32>, vector<128x40xf32>, vector<2000x40xf32> -> vector<2000x40xf32>
    %get3A_74 = arith.constant 0 : index
    %get3A_75 = arith.constant 0 : index
    %get3A_76 = vector.load %arg11[%get3A_74, %get3A_75] : memref<1x40xf32, #tpu.memory_space<vmem>>, vector<1x40xf32>
    %add3A_77 = vector.broadcast %get3A_76 : vector<1x40xf32> to vector<2000x40xf32>
    %add3A_78 = arith.addf %dot_general3A_73, %add3A_77 : vector<2000x40xf32>
    %swap3A = arith.constant 0 : index
    %swap3A_79 = arith.constant 0 : index
    %swap3A_80 = vector.load %arg12[%swap3A, %swap3A_79] : memref<2000x40xf32, #tpu.memory_space<vmem>>, vector<2000x40xf32>
    tpu.vector_store %arg12[%swap3A, %swap3A_79], %add3A_78 {strides = array<i32>} : memref<2000x40xf32, #tpu.memory_space<vmem>>, vector<2000x40xf32>,
    return
  }
  func.func @transform_0(%arg0: i32) -> (i32, i32, i32) {
    %c0_i32 = arith.constant 0 : i32
    %c0_i32_0 = arith.constant 0 : i32
    %c0_i32_1 = arith.constant 0 : i32
    return %c0_i32, %arg0, %c0_i32_0 : i32, i32, i32
  }
  func.func @transform_1(%arg0: i32) -> (i32, i32) {
    %c0_i32 = arith.constant 0 : i32
    %c0_i32_0 = arith.constant 0 : i32
    return %arg0, %c0_i32 : i32, i32
  }
  func.func @transform_2(%arg0: i32) -> (i32, i32) {
    %c0_i32 = arith.constant 0 : i32
    %c0_i32_0 = arith.constant 0 : i32
    return %arg0, %c0_i32 : i32, i32
  }
  func.func @transform_3(%arg0: i32) -> (i32, i32, i32) {
    %c0_i32 = arith.constant 0 : i32
    %c0_i32_0 = arith.constant 0 : i32
    %c0_i32_1 = arith.constant 0 : i32
    return %c0_i32, %arg0, %c0_i32_0 : i32, i32, i32
  }
  func.func @transform_4(%arg0: i32) -> (i32, i32) {
    %c0_i32 = arith.constant 0 : i32
    %c0_i32_0 = arith.constant 0 : i32
    %c0_i32_1 = arith.constant 0 : i32
    return %c0_i32, %c0_i32_0 : i32, i32
  }
  func.func @transform_5(%arg0: i32) -> (i32, i32) {
    %c0_i32 = arith.constant 0 : i32
    %c0_i32_0 = arith.constant 0 : i32
    %c0_i32_1 = arith.constant 0 : i32
    return %c0_i32, %c0_i32_0 : i32, i32
  }
  func.func @transform_6(%arg0: i32) -> (i32, i32) {
    %c0_i32 = arith.constant 0 : i32
    %c0_i32_0 = arith.constant 0 : i32
    %c0_i32_1 = arith.constant 0 : i32
    return %c0_i32, %c0_i32_0 : i32, i32
  }
  func.func @transform_7(%arg0: i32) -> (i32, i32) {
    %c0_i32 = arith.constant 0 : i32
    %c0_i32_0 = arith.constant 0 : i32
    %c0_i32_1 = arith.constant 0 : i32
    return %c0_i32, %c0_i32_0 : i32, i32
  }
  func.func @transform_8(%arg0: i32) -> (i32, i32) {
    %c0_i32 = arith.constant 0 : i32
    %c0_i32_0 = arith.constant 0 : i32
    %c0_i32_1 = arith.constant 0 : i32
    return %c0_i32, %c0_i32_0 : i32, i32
  }
  func.func @transform_9(%arg0: i32) -> (i32, i32) {
    %c0_i32 = arith.constant 0 : i32
    %c0_i32_0 = arith.constant 0 : i32
    %c0_i32_1 = arith.constant 0 : i32
    return %c0_i32, %c0_i32_0 : i32, i32
  }
  func.func @transform_10(%arg0: i32) -> (i32, i32) {
    %c0_i32 = arith.constant 0 : i32
    %c0_i32_0 = arith.constant 0 : i32
    %c0_i32_1 = arith.constant 0 : i32
    return %c0_i32, %c0_i32_0 : i32, i32
  }
  func.func @transform_11(%arg0: i32) -> (i32, i32) {
    %c0_i32 = arith.constant 0 : i32
    %c0_i32_0 = arith.constant 0 : i32
    return %arg0, %c0_i32 : i32, i32
  }
}

</mosaic_0001>

<sc_bundles>
// kernel: kernel.12.cloned.1.call-start
scs
__scs_entry_jumppad:
0x0: {  	(pc) =	sbr.rel $0x88, $3  }
0x1: {  	(tag) =	ssettag $0x0;
	lr =	simm.s32 $0x1  }
0x2: {  	[smem:$0x3F8F] =	sst lr;
	_ =	strace $0xD0000000  }
0x3: {  	_ = 	snop  }
0x4: {  	_ = 	snop  }
0x5: {  	_ = 	snop  }
0x6: {  	_ = 	snop  }
0x7: {  	_ = 	snop  }
__scs_overlays_trampoline_lowered:
0x8: {  	[smem:$0x3F9E] =	sst s0  }
0x9: {  	[smem:$0x3F9F] =	sst s1  }
0xa: {  	[smem:$0x3FA0] =	sst s2  }
0xb: {  	[smem:$0x3FA1] =	sst s3  }
0xc: {  	[smem:$0x3FA2] =	sst s4  }
0xd: {  	[smem:$0x3FA3] =	sst s5  }
0xe: {  	[smem:$0x3FA4] =	sst s6  }
0xf: {  	[smem:$0x3FA5] =	sst s7  }
0x10: {  	[smem:$0x3FA6] =	sst s8  }
0x11: {  	[smem:$0x3FA7] =	sst s9;
	s0 =	simm.s32 @!p0 $0x0  }
0x12: {  	s1 =	sld [smem:$0x3F8D];
	s0 =	simm.s32 @p0 $0x1  }
0x13: {  	[smem:$0x3FA8] =	sst s0;
	s0 =	simm.s32 @!p1 $0x0  }
0x14: {  	s2 =	sld [smem:$0x3F8C];
	s0 =	simm.s32 @p1 $0x1  }
0x15: {  	[smem:$0x3FA9] =	sst s0;
	s0 =	simm.s32 @!p2 $0x0  }
0x16: {  	s3 =	sld [smem:$0x3FDB];
	s0 =	simm.s32 @p2 $0x1  }
0x17: {  	s4 =	simm.s32 $0x1BF5;
	[smem:$0x3FAB] =	sst s0  }
0x18: {  	s0 =	sld [smem:$0x3F8E];
	_ =	swait.ge [sflag:s4], $0x0  }
0x19: {  	s7 =	sld [smem:$0x3F8F]  }
0x1a: {  	s8 =	sadd.s32 $0xFFFFE003, lr  }
0x1b: {  	s9 =	sadd.s32 $0xFFFFFEF7, lr;
	s5 =	simm.s32 $0xFFFFFFFF;
	p2 =	slt.u32 s8, $0xFFFFF086  }
0x1c: {  	p1 =	slt.u32 s9, $0xF7A;
	s5 =	simm.s32 @!p2 $0x0  }
0x1d: {  	s5 =	simm.s32 @p1 $0x1;
	p0 =	seq.s32 s7, s2  }
0x1e: {  	s7 =	smul.u32 @!p0 $0xF7A, s2;
	p2 =	seq.s32 @!p0 s5, $0x0  }
0x1f: {  	s9 =	smul.u32 $0xF7A, s1;
	s8 =	simm.s32 @!p0 $0x1BF5;
	p2 =	por !p2, p0  }
0x20: {  	[sflag:s8] =	ssyncset.s32 @!p0 $0xFFFFF086;
	s6 =	sadd.s32 @!p0 s3, s7;
	s7 =	simm.s32 @!p0 $0x108  }
0x21: {  	s3 =	sadd.s32 s3, s9;
	s6 =	sadd.s32 @!p0 $0x88, s6;
	s7 =	simm.s32 @p2 $0x1082  }
0x22: {  	[simem:s7], [sflag:s8] =	dma.local @!p0 [hbm:s6], $0xF7A  }
0x23: {  	s9 =	sor.u32 $0xD0000000, s2;
	s6 =	simm.s32 $0x108;
	_ =	swait.ge @!p0 [sflag:s8], $0x0  }
0x24: {  	s3 =	sadd.s32 $0x88, s3;
	s6 =	simm.s32 @!p1 $0x1082;
	[sflag:s4] =	ssyncset.s32 $0xFFFFF086  }
0x25: {  	[simem:s6], [sflag:s4] =	dma.local [hbm:s3], $0xF7A  }
0x26: {  	[smem:$0x3F8F] =	sst s1;
	(tag) =	ssettag s2;
	_ =	strace s9  }
0x27: {  	s1 =	sld [smem:$0x3F9F]  }
0x28: {  	s2 =	sld [smem:$0x3FA0]  }
0x29: {  	s4 =	sld [smem:$0x3FA2]  }
0x2a: {  	p0 =	seq.s32 s5, $0x0;
	s5 =	sld [smem:$0x3FA3]  }
0x2b: {  	s6 =	sld [smem:$0x3FA4]  }
0x2c: {  	s7 =	sld [smem:$0x3FA5]  }
0x2d: {  	s3 =	simm.s32 $0x108;
	s8 =	sld [smem:$0x3FA6]  }
0x2e: {  	s3 =	simm.s32 @!p0 $0x1082;
	s9 =	sld [smem:$0x3FA7]  }
0x2f: {  	lr =	sadd.s32 s0, s3;
	s0 =	sld [smem:$0x3F9E]  }
0x30: {  	s3 =	sld [smem:$0x3FA1]  }
0x31: {  	[smem:$0x3FAA] =	sst s10  }
0x32: {  	s10 =	sld [smem:$0x3FA8];
	_ =	sdelay $0x3  }
0x33: {  	p0 =	seq.s32 s10, $0x1;
	s10 =	sld [smem:$0x3FAA];
	_ =	sdelay $0x3  }
0x34: {  	[smem:$0x3FAA] =	sst s10  }
0x35: {  	s10 =	sld [smem:$0x3FA9];
	_ =	sdelay $0x3  }
0x36: {  	p1 =	seq.s32 s10, $0x1;
	s10 =	sld [smem:$0x3FAA];
	_ =	sdelay $0x3  }
0x37: {  	[smem:$0x3FAA] =	sst s10  }
0x38: {  	s10 =	sld [smem:$0x3FAB]  }
0x39: {  	_ = 	snop;
	(pc) =	sbr.ind lr, $3  }
0x3a: {  	_ = 	snop  }
0x3b: {  	_ = 	snop  }
0x3c: {  	p2 =	seq.s32 s10, $0x1;
	s10 =	sld [smem:$0x3FAA]  }
0x3d: {  	_ =	shalt  }
0x3e: {  	_ =	shalt  }
0x3f: {  	_ =	shalt  }
0x40: {  	_ =	shalt  }
0x41: {  	_ =	shalt  }
0x42: {  	_ =	shalt  }
0x43: {  	_ =	shalt  }
0x44: {  	_ =	shalt  }
0x45: {  	_ =	shalt  }
0x46: {  	_ =	shalt  }
0x47: {  	_ =	shalt  }
0x48: {  	_ =	shalt  }
0x49: {  	_ =	shalt  }
0x4a: {  	_ =	shalt  }
0x4b: {  	_ =	shalt  }
0x4c: {  	_ =	shalt  }
0x4d: {  	_ =	shalt  }
0x4e: {  	_ =	shalt  }
0x4f: {  	_ =	shalt  }
0x50: {  	_ =	shalt  }
0x51: {  	_ =	shalt  }
0x52: {  	_ =	shalt  }
0x53: {  	_ =	shalt  }
0x54: {  	_ =	shalt  }
0x55: {  	_ =	shalt  }
0x56: {  	_ =	shalt  }
0x57: {  	_ =	shalt  }
0x58: {  	_ =	shalt  }
0x59: {  	_ =	shalt  }
0x5a: {  	_ =	shalt  }
0x5b: {  	_ =	shalt  }
0x5c: {  	_ =	shalt  }
0x5d: {  	_ =	shalt  }
0x5e: {  	_ =	shalt  }
0x5f: {  	_ =	shalt  }
0x60: {  	_ =	shalt  }
0x61: {  	_ =	shalt  }
0x62: {  	_ =	shalt  }
0x63: {  	_ =	shalt  }
0x64: {  	_ =	shalt  }
0x65: {  	_ =	shalt  }
0x66: {  	_ =	shalt  }
0x67: {  	_ =	shalt  }
0x68: {  	_ =	shalt  }
0x69: {  	_ =	shalt  }
0x6a: {  	_ =	shalt  }
0x6b: {  	_ =	shalt  }
0x6c: {  	_ =	shalt  }
0x6d: {  	_ =	shalt  }
0x6e: {  	_ =	shalt  }
0x6f: {  	_ =	shalt  }
0x70: {  	_ =	shalt  }
0x71: {  	_ =	shalt  }
0x72: {  	_ =	shalt  }
0x73: {  	_ =	shalt  }
0x74: {  	_ =	shalt  }
0x75: {  	_ =	shalt  }
0x76: {  	_ =	shalt  }
0x77: {  	_ =	shalt  }
0x78: {  	_ =	shalt  }
0x79: {  	_ =	shalt  }
0x7a: {  	_ =	shalt  }
0x7b: {  	_ =	shalt  }
0x7c: {  	_ =	shalt  }
0x7d: {  	_ =	shalt  }
0x7e: {  	_ =	shalt  }
0x7f: {  	_ =	shalt  }
0x80: {  	_ =	shalt  }
0x81: {  	_ =	shalt  }
0x82: {  	_ =	shalt  }
0x83: {  	_ =	shalt  }
0x84: {  	_ =	shalt  }
0x85: {  	_ =	shalt  }
0x86: {  	_ =	shalt  }
0x87: {  	_ =	shalt  }
.Lfunc_end0:
.L_simem_size_0:
called_computation.1_lowered:
.L_overlay_start_0:
0x88: {  	s2 =	sld [smem:$0x3FD9]  }
0x89: {  	s3 =	sld [smem:$0x3FFE];
	_ =	sdelay $0x1  }
0x8a: {  	s1 =	srdreg.scid  }
0x8b: {  	s0 =	sand.u32 $0x1, s1  }
0x8c: {  	s17 =	sshll.u32 s0, $0xA;
	s2 =	sadd.s32 s3, s2  }
0x8d: {  	s2 =	sadd.s32 s2, s17  }
0x8e: {  	[smem:$0x3FB6] =	sst s2  }
0x8f: {  	_ = 	snop  }
0x90: {  	s2 =	sld [smem:$0x3FD0];
	(tm) =	ssettm $0x1  }
0x91: {  	s18 =	sld [smem:$0x3FFB];
	_ =	sdelay $0x3  }
0x92: {  	_ =	strace s18  }
0x93: {  	s3 =	sld [smem:$0x3FFC];
	_ =	sdelay $0x3  }
0x94: {  	_ =	strace s3  }
0x95: {  	s3 =	sld [smem:$0x3FFD];
	_ =	sdelay $0x3  }
0x96: {  	_ =	strace s3  }
0x97: {  	_ =	strace $0x8FFFFFFF  }
0x98: {  	s19 =	sld [smem:$0x3FDB];
	_ =	sdelay $0x1  }
0x99: {  	s4 =	simm.s32 $_scs_section_size  }
0x9a: {  	s5 =	simm.s32 $_size__tile_overlayer_lowered;
	s6 =	simm.s32 $_tile_overlayer_lowered  }
0x9b: {  	s22 =	simm.s32 $0x1BFF;
	s21 =	sshll.u32 s6, $0x1;
	s3 =	sadd.s32 s4, s19  }
0x9c: {  	s7 =	simm.s32 $0x0;
	s20 =	sshll.u32 s5, $0x1;
	s5 =	sadd.s32 s21, s3  }
0x9d: {  	[timem:s7], [sflag:s22] =	dma.local [hbm:s5], s20  }
0x9e: {  	_ =	swait.ge [sflag:s22], s20  }
0x9f: {  	s4 =	ssub.s32 $0x0, s20;
	[sflag:s22] =	ssyncset.done $0x0  }
0xa0: {  	[sflag:s22] =	ssyncadd.s32 s4;
	_ =	sdelay $0x1  }
0xa1: {  	s23 =	simm.s32 $0x1B8B  }
0xa2: {  	_ =	swait.ge [sflag:s23], $0x1  }
0xa3: {  	[sflag:s23] =	ssyncset.done $0x0  }
0xa4: {  	s25 =	simm.s32 $0x1B8E;
	s24 =	sld [smem:$0x3FFE];
	[sflag:s23] =	ssyncadd.s32 $0xFFFFFFFF  }
0xa5: {  	s26 =	simm.s32 $execute0_lowered;
	[smem:$0x3FD2] =	sst s25  }
0xa6: {  	s5 =	sshll.u32 s26, $0x1;
	_ =	strace $0x80000049;
	[dreg:$0x1] =	wrdreg $0xFFFFFFFF  }
0xa7: {  	s28 =	simm.s32 $_size_execute0_lowered;
	s3 =	sadd.s32 s3, s5;
	[dreg:$0x0] =	wrdreg $0x0  }
0xa8: {  	s5 =	sshll.u32 s28, $0x1;
	[dreg:$0x2] =	wrdreg s3  }
0xa9: {  	[dreg:$0x3] =	wrdreg s5  }
0xaa: {  	[dreg:$0x4] =	wrdreg $0xC0  }
0xab: {  	_ =	task [dreg:s7], $0x5FFFF  }
0xac: {  	[dreg:$0x1] =	wrdreg $0xFFFFFFFF  }
0xad: {  	[dreg:$0x0] =	wrdreg $0x60  }
0xae: {  	[dreg:$0x2] =	wrdreg s24  }
0xaf: {  	[dreg:$0x3] =	wrdreg s2  }
0xb0: {  	[dreg:$0x4] =	wrdreg $0xAC000  }
0xb1: {  	[dreg:$0x5] =	wrdreg $0x9  }
0xb2: {  	_ =	task.clear_ibuf [dreg:s7], $0x6FFFF;
	_ =	strace $0x90000049  }
0xb3: {  	s29 =	simm.s32 $0x9;
	_ =	strace $0x8000004B  }
0xb4: {  	_ =	swait.ge [sflag:s29], $0x1  }
0xb5: {  	[sflag:s29] =	ssyncadd.s32 $0xFFFFFFFF  }
0xb6: {  	_ =	strace $0x9000004B  }
0xb7: {  	_ =	sfence  }
0xb8: {  	s30 =	sld [smem:$0x0];
	_ =	sdelay $0x2  }
0xb9: {  	s31 =	sshll.u32 s1, $0xD;
	s1 =	sshrl.u32 s1, $0x2  }
0xba: {  	s3 =	sand.u32 $0x4000, s31;
	s1 =	sadd.s32 s1, s30  }
0xbb: {  	s0 =	sor.u32 s3, s0;
	s1 =	sshll.u32 s1, $0x11  }
0xbc: {  	s0 =	sor.u32 s1, s0  }
0xbd: {  	s0 =	sadd.s32 $0x8F2B, s0  }
0xbe: {  	[sflag:s0] =	ssyncadd.remote.s32 $0x1  }
0xbf: {  	_ =	sfence.sel $0xFFFF  }
0xc0: {  	[dreg:$0x0] =	wrdreg $0xFFFFFFFF;
	(pc) =	sbr.abs _section_cstart, $3  }
0xc1: {  	[dreg:$0x1] =	wrdreg $0xFFFFFFFF  }
0xc2: {  	_ =	task.clear_ibuf [dreg:s7], $0x2FFFF;
	_ =	strace $0x9FFFFFFF  }
0xc3: {  	(tm) =	ssettm $0x7FFFFFFF  }
tec
execute0_lowered:
.L_overlay_start_1:
0x0: {  	(tag) =	ssettag $0x1  }
0x1: {  	s0 =	rddreg [dreg:$0x0]  }
0x2: {  	s3 =	rddreg [dreg:$0x1]  }
0x3: {  	s4 =	stileid.u32;
	s2 =	srdreg.scid  }
0x4: {  	s1 =	rddreg [dreg:$0x2];
	s28 =	simm.s32 $0x3;
	s5 =	smul.u32 $0x2700, s4  }
0x5: {  	s29 =	simm.s32 $0x2;
	s30 =	simm.s32 $0x4;
	s8 =	smul.u32 $0x14000, s4  }
0x6: {  	s31 =	simm.s32 $0x0;
	s6 =	sand.u32 $0x1, s2;
	s11 =	smul.u32 $0x4E000, s4  }
0x7: {  	s2 =	simm.s32 $0x0;
	s15 =	sadd.s32 $0x86000, s0;
	s19 =	smul.u32 $0x50000, s4  }
0x8: {  	s18 =	sshll.u32 s4, $0x6;
	s20 =	sadd.s32 $0x138000, s1;
	s22 =	smul.u32 $0x140000, s4  }
0x9: {  	p0 =	sne.s32 s4, $0x0;
	s7 =	smul.u32 $0x140000, s6;
	[smem:$0x7FF] =	sst s2  }
0xa: {  	s9 =	sshll.u32 s6, $0x4;
	s10 =	ssub.s32 $0x2, s6;
	s6 =	smul.u32 $0x1400000, s6  }
0xb: {  	s20 =	sshrl.u32 @!p0 s20, $0x3;
	_ =	strace $0x8000004A;
	s9 =	sor.u32 s4, s9  }
0xc: {  	s5 =	sadd.s32 s5, s0;
	s16 =	sshrl.u32 s10, $0x1;
	s17 =	sshrl.u32 s11, $0x2  }
0xd: {  	s21 =	sshrl.u32 s19, $0x2;
	s19 =	simm.s32 $0x6;
	s7 =	sadd.s32 s8, s7  }
0xe: {  	s14 =	smul.u32 $0x500, s9;
	s10 =	ssub.s32 s10, s16;
	s5 =	sadd.s32 $0x5EE00, s5  }
0xf: {  	s9 =	smul.u32 $0x28000, s9;
	s7 =	sshrl.u32 s7, $0x3;
	[dreg:$0x5] =	wrdreg s5  }
0x10: {  	s5 =	sor.u32 $0x1C06, s18;
	s25 =	smax.u32 s10, $0x1;
	s12 =	sadd.s32 s7, s0  }
0x11: {  	s3 =	sadd.s32 s3, s14;
	s0 =	sadd.s32 $0x85E00, s0;
	[dreg:$0x9] =	wrdreg s25  }
0x12: {  	s7 =	sadd.s32 s21, s1;
	s23 =	sadd.s32 s15, s9;
	[dreg:$0x4] =	wrdreg s3  }
0x13: {  	s21 =	simm.s32 $0x5;
	s25 =	simm.s32 $0x6C00;
	[dreg:$0x6] =	wrdreg s0  }
0x14: {  	s3 =	sadd.s32 s17, s1;
	[dreg:$0x7] =	wrdreg s23;
	s24 =	sadd.s32 $0x586000, s12  }
0x15: {  	s11 =	sadd.s32 $0x4000, s7;
	s12 =	sadd.s32 $0x8000, s7;
	s0 =	sadd.s32 s22, s6  }
0x16: {  	s13 =	sadd.s32 $0xC000, s7;
	s14 =	sadd.s32 $0x10000, s7;
	s22 =	simm.s32 $0x80  }
0x17: {  	[dreg:$0x8] =	wrdreg s24;
	s6 =	sor.u32 $0x4000, s0;
	s26 =	sshrl.u32 s0, $0x3  }
0x18: {  	s0 =	sor.u32 $0x8000, s0;
	s18 =	sshrl.u32 s3, $0x3;
	s24 =	simm.s32 $0x2C00  }
0x19: {  	s6 =	sshrl.u32 s6, $0x3;
	s16 =	sadd.s32 s26, s15;
	s0 =	sshrl.u32 s0, $0x3  }
0x1a: {  	v0 =	vimm.f32 $0.0e+00;
	s26 =	simm.s32 $0x1;
	s6 =	sadd.s32 s6, s15;
	s17 =	sadd.s32 s0, s15  }
.LBB2_1:
0x1b: {  	s0 =	rddreg [dreg:$0x4]  }
0x1c: {  	s9 =	rddreg [dreg:$0x5]  }
0x1d: {  	[tilespmem:s2], [sflag:$0x5] =	stream.linear.gather [hbm4b:s0+s2], $0x2800, $0x38;
	[tilespmem:$0x1EC00] =	vst v63  }
0x1e: {  	[spmem:s18], [sflag:s5] =	dma.local [hbm:s9], $0x2700  }
0x1f: {  	_ =	swait.ge [sflag:s19], $0x2700  }
0x20: {  	[sflag:s19] =	ssyncset.done $0x0  }
0x21: {  	s0 =	rddreg [dreg:$0x6];
	[sflag:s19] =	ssyncadd.s32 $0xFFFFD900  }
0x22: {  	[spmem:s20], [sflag:s5] =	dma.local @!p0 [hbm:s0], $0x100  }
0x23: {  	s0 =	simm.s32 @!p0 $0x6  }
0x24: {  	_ =	swait.ge @!p0 [sflag:s0], $0x100  }
0x25: {  	[sflag:s0] =	ssyncset.done @!p0 $0x0  }
0x26: {  	[sflag:s0] =	ssyncadd.s32 @!p0 $0xFFFFFF00  }
0x27: {  	_ =	swait.ge [sflag:s21], $0x2800  }
0x28: {  	[sflag:s21] =	ssyncset.done $0x0  }
0x29: {  	[sflag:s21] =	ssyncadd.s32 $0xFFFFD800  }
0x2a: {  	[bflag:$0x0] =	sbarrier.arrive $0xFFFF  }
0x2b: {  	v1 =	vld [tilespmem:$0x0]  }
0x2c: {  	v2 =	vld [tilespmem:$0x10]  }
0x2d: {  	v3 =	vld [tilespmem:$0x20]  }
0x2e: {  	v4 =	vld [tilespmem:$0x30]  }
0x2f: {  	v5 =	vld [tilespmem:$0x40]  }
0x30: {  	v6 =	vld [tilespmem:$0x50];
	v1 =	vand.u32 $0xFFFF, v1  }
0x31: {  	[tilespmem:$0x2800] =	vst v1;
	v1 =	vand.u32 $0xFFFF, v2;
	v2 =	vld [tilespmem:$0x60]  }
0x32: {  	[tilespmem:$0x2810] =	vst v1;
	v1 =	vand.u32 $0xFFFF, v3;
	v3 =	vld [tilespmem:$0x70]  }
0x33: {  	[tilespmem:$0x2820] =	vst v1;
	v1 =	vand.u32 $0xFFFF, v4  }
0x34: {  	[tilespmem:$0x2830] =	vst v1;
	v1 =	vand.u32 $0xFFFF, v5  }
0x35: {  	[tilespmem:$0x2840] =	vst v1;
	v1 =	vand.u32 $0xFFFF, v6  }
0x36: {  	[tilespmem:$0x2850] =	vst v1;
	v1 =	vand.u32 $0xFFFF, v2  }
0x37: {  	p1 =	por $0x1, $0x1;
	[tilespmem:$0x2860] =	vst v1;
	v1 =	vand.u32 $0xFFFF, v3  }
0x38: {  	s10 =	simm.s32 $0x2800;
	s0 =	simm.s32 @!p1 $0x4;
	[tilespmem:$0x2870] =	vst v1  }
0x39: {  	[tilespmem:s24], [sflag:$0x1] =	stream.indirect.gather [spmem:s1], $0x80, s10, s22, $0xb8;
	[tilespmem:$0x1EC00] =	vst v63  }
0x3a: {  	_ =	swait.ge @!p1 [sflag:s0], $0x4000  }
0x3b: {  	[sflag:s0] =	ssyncset.done @!p1 $0x0  }
0x3c: {  	s15 =	simm.s32 $0x0;
	[sflag:s0] =	ssyncadd.s32 @!p1 $0xFFFFC000  }
0x3d: {  	v1 =	vld [tilespmem:s15+$0x80];
	_ =	sdelay $0x2  }
0x3e: {  	s3 =	simm.s32 $0x200  }
0x3f: {  	s3 =	sand.u32 $0x600, s3  }
0x40: {  	s3 =	sshrl.u32 s3, $0x2;
	v1 =	vand.u32 $0xFFFF, v1  }
0x41: {  	[tilespmem:s3+$0x2800] =	vst v1  }
0x42: {  	v1 =	vld [tilespmem:s15+$0x90];
	_ =	sdelay $0x4  }
0x43: {  	v1 =	vand.u32 $0xFFFF, v1  }
0x44: {  	[tilespmem:s3+$0x2810] =	vst v1  }
0x45: {  	v1 =	vld [tilespmem:s15+$0xA0];
	_ =	sdelay $0x4  }
0x46: {  	v1 =	vand.u32 $0xFFFF, v1  }
0x47: {  	[tilespmem:s3+$0x2820] =	vst v1  }
0x48: {  	v1 =	vld [tilespmem:s15+$0xB0];
	_ =	sdelay $0x4  }
0x49: {  	v1 =	vand.u32 $0xFFFF, v1  }
0x4a: {  	[tilespmem:s3+$0x2830] =	vst v1  }
0x4b: {  	v1 =	vld [tilespmem:s15+$0xC0];
	_ =	sdelay $0x4  }
0x4c: {  	v1 =	vand.u32 $0xFFFF, v1  }
0x4d: {  	[tilespmem:s3+$0x2840] =	vst v1  }
0x4e: {  	v1 =	vld [tilespmem:s15+$0xD0];
	_ =	sdelay $0x4  }
0x4f: {  	v1 =	vand.u32 $0xFFFF, v1  }
0x50: {  	[tilespmem:s3+$0x2850] =	vst v1  }
0x51: {  	v1 =	vld [tilespmem:s15+$0xE0];
	_ =	sdelay $0x4  }
0x52: {  	v1 =	vand.u32 $0xFFFF, v1  }
0x53: {  	[tilespmem:s3+$0x2860] =	vst v1  }
0x54: {  	v1 =	vld [tilespmem:s15+$0xF0];
	_ =	sdelay $0x4  }
0x55: {  	v1 =	vand.u32 $0xFFFF, v1  }
0x56: {  	s23 =	sor.u32 $0x2800, s3;
	[tilespmem:s3+$0x2870] =	vst v1  }
0x57: {  	[tilespmem:s25], [sflag:$0x2] =	stream.indirect.gather [spmem:s1], $0x80, s23, s22, $0xb8;
	[tilespmem:$0x1EC00] =	vst v63  }
0x58: {  	_ =	swait.ge [sflag:s26], $0x4000  }
0x59: {  	[sflag:s26] =	ssyncset.done $0x0  }
0x5a: {  	[sflag:s26] =	ssyncadd.s32 $0xFFFFC000  }
0x5b: {  	[hbm4b:s16+s2] =	stream.linear.scatter [tilespmem:s24], [sflag:$0x3], $0x4000, $0x38;
	[tilespmem:$0x1EC00] =	vst v63  }
0x5c: {  	_ =	swait.ge [sflag:s28], $0x4000  }
0x5d: {  	p1 =	por $0x0, $0x0;
	[sflag:s28] =	ssyncset.done $0x0  }
0x5e: {  	s0 =	simm.s32 @!p1 $0x0;
	[sflag:s28] =	ssyncadd.s32 $0xFFFFC000  }
0x5f: {  	v1 =	vld @!p1 [tilespmem:s0+$0x100];
	_ =	sdelay $0x2  }
0x60: {  	s3 =	sxor.u32 @!p1 $0xFFFFFFFF, s2  }
0x61: {  	s3 =	sand.u32 @!p1 $0x400, s3  }
0x62: {  	s3 =	sshrl.u32 @!p1 s3, $0x2;
	v1 =	vand.u32 @!p1 $0xFFFF, v1  }
0x63: {  	[tilespmem:s3+$0x2800] =	vst @!p1 v1  }
0x64: {  	v1 =	vld @!p1 [tilespmem:s0+$0x110];
	_ =	sdelay $0x4  }
0x65: {  	v1 =	vand.u32 @!p1 $0xFFFF, v1  }
0x66: {  	[tilespmem:s3+$0x2810] =	vst @!p1 v1  }
0x67: {  	v1 =	vld @!p1 [tilespmem:s0+$0x120];
	_ =	sdelay $0x4  }
0x68: {  	v1 =	vand.u32 @!p1 $0xFFFF, v1  }
0x69: {  	[tilespmem:s3+$0x2820] =	vst @!p1 v1  }
0x6a: {  	v1 =	vld @!p1 [tilespmem:s0+$0x130];
	_ =	sdelay $0x4  }
0x6b: {  	v1 =	vand.u32 @!p1 $0xFFFF, v1  }
0x6c: {  	[tilespmem:s3+$0x2830] =	vst @!p1 v1  }
0x6d: {  	v1 =	vld @!p1 [tilespmem:s0+$0x140];
	_ =	sdelay $0x4  }
0x6e: {  	v1 =	vand.u32 @!p1 $0xFFFF, v1  }
0x6f: {  	[tilespmem:s3+$0x2840] =	vst @!p1 v1  }
0x70: {  	v1 =	vld @!p1 [tilespmem:s0+$0x150];
	_ =	sdelay $0x4  }
0x71: {  	v1 =	vand.u32 @!p1 $0xFFFF, v1  }
0x72: {  	[tilespmem:s3+$0x2850] =	vst @!p1 v1  }
0x73: {  	v1 =	vld @!p1 [tilespmem:s0+$0x160];
	_ =	sdelay $0x4  }
0x74: {  	v1 =	vand.u32 @!p1 $0xFFFF, v1  }
0x75: {  	[tilespmem:s3+$0x2860] =	vst @!p1 v1  }
0x76: {  	v1 =	vld @!p1 [tilespmem:s0+$0x170];
	_ =	sdelay $0x4  }
0x77: {  	p2 =	por $0x0, $0x0;
	s4 =	simm.s32 @!p1 $0x2C00;
	v1 =	vand.u32 @!p1 $0xFFFF, v1  }
0x78: {  	s15 =	smov.u32 s6;
	s0 =	sor.u32 @!p1 $0x2800, s3;
	[tilespmem:s3+$0x2870] =	vst @!p1 v1;
	s3 =	simm.s32 @!p1 $0x80  }
0x79: {  	[tilespmem:s4], [sflag:$0x1] =	stream.indirect.gather @!p1 [spmem:s1], $0x80, s0, s3, $0xb8;
	[tilespmem:$0x1EC00] =	vst v63  }
0x7a: {  	s23 =	simm.s32 $0x400;
	s4 =	simm.s32 $0x800;
	_ =	swait.ge [sflag:s29], $0x4000  }
0x7b: {  	s3 =	sadd.s32 $0x1000, s16;
	s0 =	sadd.s32 $0x1000, s6;
	[sflag:s29] =	ssyncset.done $0x0  }
.LBB2_2:
0x7c: {  	s9 =	simm.s32 @!p2 $0x4  }
0x7d: {  	[sflag:s29] =	ssyncadd.s32 $0xFFFFC000;
	s8 =	smov.u32 s4;
	s4 =	sadd.s32 $0x400, s4  }
0x7e: {  	[hbm4b:s15+s2] =	stream.linear.scatter [tilespmem:s25], [sflag:$0x4], $0x4000, $0x38;
	[tilespmem:$0x1EC00] =	vst v63  }
0x7f: {  	p1 =	sne.s32 s4, $0xA000;
	s15 =	smov.u32 s0;
	_ =	swait.ge @!p2 [sflag:s9], $0x4000  }
0x80: {  	[sflag:s9] =	ssyncset.done @!p2 $0x0  }
0x81: {  	[sflag:s9] =	ssyncadd.s32 @!p2 $0xFFFFC000;
	s9 =	sshra.s32 s23, $0x2  }
0x82: {  	v1 =	vld [tilespmem:s9+$0x80];
	_ =	sdelay $0x2  }
0x83: {  	s10 =	sadd.s32 $0x200, s23  }
0x84: {  	s10 =	sand.u32 $0x600, s10  }
0x85: {  	s10 =	sshrl.u32 s10, $0x2;
	v1 =	vand.u32 $0xFFFF, v1  }
0x86: {  	[tilespmem:s10+$0x2800] =	vst v1  }
0x87: {  	v1 =	vld [tilespmem:s9+$0x90];
	_ =	sdelay $0x4  }
0x88: {  	v1 =	vand.u32 $0xFFFF, v1  }
0x89: {  	[tilespmem:s10+$0x2810] =	vst v1  }
0x8a: {  	v1 =	vld [tilespmem:s9+$0xA0];
	_ =	sdelay $0x4  }
0x8b: {  	v1 =	vand.u32 $0xFFFF, v1  }
0x8c: {  	[tilespmem:s10+$0x2820] =	vst v1  }
0x8d: {  	v1 =	vld [tilespmem:s9+$0xB0];
	_ =	sdelay $0x4  }
0x8e: {  	v1 =	vand.u32 $0xFFFF, v1  }
0x8f: {  	[tilespmem:s10+$0x2830] =	vst v1  }
0x90: {  	v1 =	vld [tilespmem:s9+$0xC0];
	_ =	sdelay $0x4  }
0x91: {  	v1 =	vand.u32 $0xFFFF, v1  }
0x92: {  	[tilespmem:s10+$0x2840] =	vst v1  }
0x93: {  	v1 =	vld [tilespmem:s9+$0xD0];
	_ =	sdelay $0x4  }
0x94: {  	v1 =	vand.u32 $0xFFFF, v1  }
0x95: {  	[tilespmem:s10+$0x2850] =	vst v1  }
0x96: {  	v1 =	vld [tilespmem:s9+$0xE0];
	_ =	sdelay $0x4  }
0x97: {  	v1 =	vand.u32 $0xFFFF, v1  }
0x98: {  	[tilespmem:s10+$0x2860] =	vst v1  }
0x99: {  	v1 =	vld [tilespmem:s9+$0xF0];
	_ =	sdelay $0x4  }
0x9a: {  	v1 =	vand.u32 $0xFFFF, v1  }
0x9b: {  	s9 =	sor.u32 $0x2800, s10;
	[tilespmem:s10+$0x2870] =	vst v1  }
0x9c: {  	[tilespmem:s25], [sflag:$0x2] =	stream.indirect.gather [spmem:s1], $0x80, s9, s22, $0xb8;
	[tilespmem:$0x1EC00] =	vst v63  }
0x9d: {  	_ =	swait.ge [sflag:s26], $0x4000  }
0x9e: {  	[sflag:s26] =	ssyncset.done $0x0  }
0x9f: {  	[sflag:s26] =	ssyncadd.s32 $0xFFFFC000  }
0xa0: {  	[hbm4b:s3+s2] =	stream.linear.scatter [tilespmem:s24], [sflag:$0x3], $0x4000, $0x38;
	[tilespmem:$0x1EC00] =	vst v63  }
0xa1: {  	_ =	swait.ge [sflag:s28], $0x4000  }
0xa2: {  	p2 =	seq.s32 s23, $0x9C00;
	[sflag:s28] =	ssyncset.done $0x0  }
0xa3: {  	s10 =	sxor.u32 @!p2 $0xFFFFFFFF, s23;
	s9 =	sshra.s32 @!p2 s23, $0x2;
	[sflag:s28] =	ssyncadd.s32 $0xFFFFC000  }
0xa4: {  	s10 =	sand.u32 @!p2 $0x400, s10;
	s23 =	smov.u32 s8;
	v1 =	vld @!p2 [tilespmem:s9+$0x100];
	_ =	sdelay $0x4  }
0xa5: {  	s10 =	sshrl.u32 @!p2 s10, $0x2;
	v1 =	vand.u32 @!p2 $0xFFFF, v1  }
0xa6: {  	s8 =	sor.u32 @!p2 $0x2800, s10;
	[tilespmem:s10+$0x2800] =	vst @!p2 v1  }
0xa7: {  	v1 =	vld @!p2 [tilespmem:s9+$0x110];
	_ =	sdelay $0x4  }
0xa8: {  	v1 =	vand.u32 @!p2 $0xFFFF, v1  }
0xa9: {  	[tilespmem:s10+$0x2810] =	vst @!p2 v1  }
0xaa: {  	v1 =	vld @!p2 [tilespmem:s9+$0x120];
	_ =	sdelay $0x4  }
0xab: {  	v1 =	vand.u32 @!p2 $0xFFFF, v1  }
0xac: {  	[tilespmem:s10+$0x2820] =	vst @!p2 v1  }
0xad: {  	v1 =	vld @!p2 [tilespmem:s9+$0x130];
	_ =	sdelay $0x4  }
0xae: {  	v1 =	vand.u32 @!p2 $0xFFFF, v1  }
0xaf: {  	[tilespmem:s10+$0x2830] =	vst @!p2 v1  }
0xb0: {  	v1 =	vld @!p2 [tilespmem:s9+$0x140];
	_ =	sdelay $0x4  }
0xb1: {  	v1 =	vand.u32 @!p2 $0xFFFF, v1  }
0xb2: {  	[tilespmem:s10+$0x2840] =	vst @!p2 v1  }
0xb3: {  	v1 =	vld @!p2 [tilespmem:s9+$0x150];
	_ =	sdelay $0x4  }
0xb4: {  	v1 =	vand.u32 @!p2 $0xFFFF, v1  }
0xb5: {  	[tilespmem:s10+$0x2850] =	vst @!p2 v1  }
0xb6: {  	v1 =	vld @!p2 [tilespmem:s9+$0x160];
	_ =	sdelay $0x4  }
0xb7: {  	v1 =	vand.u32 @!p2 $0xFFFF, v1  }
0xb8: {  	[tilespmem:s10+$0x2860] =	vst @!p2 v1  }
0xb9: {  	v1 =	vld @!p2 [tilespmem:s9+$0x170];
	_ =	sdelay $0x4  }
.Ltmp0:
0xba: {  	v1 =	vand.u32 @!p2 $0xFFFF, v1;
	(pc) =	sbr.rel @p1 .LBB2_2-.Ltmp0, $4  }
0xbb: {  	s9 =	simm.s32 @!p2 $0x80;
	[tilespmem:s10+$0x2870] =	vst @!p2 v1;
	s10 =	simm.s32 @!p2 $0x2C00  }
0xbc: {  	[tilespmem:s10], [sflag:$0x1] =	stream.indirect.gather @!p2 [spmem:s1], $0x80, s8, s9, $0xb8;
	[tilespmem:$0x1EC00] =	vst v63  }
0xbd: {  	s3 =	sadd.s32 $0x1000, s3;
	_ =	swait.ge [sflag:s29], $0x4000  }
0xbe: {  	s0 =	sadd.s32 $0x1000, s0;
	p2 =	seq.s32 s23, $0x0;
	[sflag:s29] =	ssyncset.done $0x0  }
0xbf: {  	s4 =	simm.s32 @!p2 $0x4;
	[sflag:s29] =	ssyncadd.s32 $0xFFFFC000  }
0xc0: {  	[hbm4b:s15+s2] =	stream.linear.scatter [tilespmem:s25], [sflag:$0x4], $0x4000, $0x38;
	[tilespmem:$0x1EC00] =	vst v63  }
0xc1: {  	_ =	swait.ge @!p2 [sflag:s4], $0x4000  }
0xc2: {  	[sflag:s4] =	ssyncset.done @!p2 $0x0  }
0xc3: {  	s10 =	sshra.s32 s23, $0x2;
	[sflag:s4] =	ssyncadd.s32 @!p2 $0xFFFFC000  }
0xc4: {  	v1 =	vld [tilespmem:s10+$0x80];
	_ =	sdelay $0x2  }
0xc5: {  	s8 =	sadd.s32 $0x200, s23  }
0xc6: {  	s8 =	sand.u32 $0x600, s8  }
0xc7: {  	s8 =	sshrl.u32 s8, $0x2;
	v1 =	vand.u32 $0xFFFF, v1  }
0xc8: {  	[tilespmem:s8+$0x2800] =	vst v1  }
0xc9: {  	v1 =	vld [tilespmem:s10+$0x90];
	_ =	sdelay $0x4  }
0xca: {  	v1 =	vand.u32 $0xFFFF, v1  }
0xcb: {  	[tilespmem:s8+$0x2810] =	vst v1  }
0xcc: {  	v1 =	vld [tilespmem:s10+$0xA0];
	_ =	sdelay $0x4  }
0xcd: {  	v1 =	vand.u32 $0xFFFF, v1  }
0xce: {  	[tilespmem:s8+$0x2820] =	vst v1  }
0xcf: {  	v1 =	vld [tilespmem:s10+$0xB0];
	_ =	sdelay $0x4  }
0xd0: {  	v1 =	vand.u32 $0xFFFF, v1  }
0xd1: {  	[tilespmem:s8+$0x2830] =	vst v1  }
0xd2: {  	v1 =	vld [tilespmem:s10+$0xC0];
	_ =	sdelay $0x4  }
0xd3: {  	v1 =	vand.u32 $0xFFFF, v1  }
0xd4: {  	[tilespmem:s8+$0x2840] =	vst v1  }
0xd5: {  	v1 =	vld [tilespmem:s10+$0xD0];
	_ =	sdelay $0x4  }
0xd6: {  	v1 =	vand.u32 $0xFFFF, v1  }
0xd7: {  	[tilespmem:s8+$0x2850] =	vst v1  }
0xd8: {  	v1 =	vld [tilespmem:s10+$0xE0];
	_ =	sdelay $0x4  }
0xd9: {  	v1 =	vand.u32 $0xFFFF, v1  }
0xda: {  	[tilespmem:s8+$0x2860] =	vst v1  }
0xdb: {  	v1 =	vld [tilespmem:s10+$0xF0];
	_ =	sdelay $0x4  }
0xdc: {  	v1 =	vand.u32 $0xFFFF, v1  }
0xdd: {  	s15 =	sor.u32 $0x2800, s8;
	[tilespmem:s8+$0x2870] =	vst v1  }
0xde: {  	[tilespmem:s25], [sflag:$0x2] =	stream.indirect.gather [spmem:s1], $0x80, s15, s22, $0xb8;
	[tilespmem:$0x1EC00] =	vst v63  }
0xdf: {  	_ =	swait.ge [sflag:s26], $0x4000  }
0xe0: {  	[sflag:s26] =	ssyncset.done $0x0  }
0xe1: {  	[sflag:s26] =	ssyncadd.s32 $0xFFFFC000  }
0xe2: {  	[hbm4b:s3+s2] =	stream.linear.scatter [tilespmem:s24], [sflag:$0x3], $0x4000, $0x38;
	[tilespmem:$0x1EC00] =	vst v63  }
0xe3: {  	_ =	swait.ge [sflag:s28], $0x4000  }
0xe4: {  	p1 =	seq.s32 s23, $0x9C00;
	[sflag:s28] =	ssyncset.done $0x0  }
0xe5: {  	s3 =	sshra.s32 @!p1 s23, $0x2;
	[sflag:s28] =	ssyncadd.s32 $0xFFFFC000  }
0xe6: {  	v1 =	vld @!p1 [tilespmem:s3+$0x100];
	_ =	sdelay $0x2  }
0xe7: {  	s4 =	sxor.u32 @!p1 $0xFFFFFFFF, s23  }
0xe8: {  	s4 =	sand.u32 @!p1 $0x400, s4  }
0xe9: {  	s4 =	sshrl.u32 @!p1 s4, $0x2;
	v1 =	vand.u32 @!p1 $0xFFFF, v1  }
0xea: {  	[tilespmem:s4+$0x2800] =	vst @!p1 v1  }
0xeb: {  	v1 =	vld @!p1 [tilespmem:s3+$0x110];
	_ =	sdelay $0x4  }
0xec: {  	v1 =	vand.u32 @!p1 $0xFFFF, v1  }
0xed: {  	[tilespmem:s4+$0x2810] =	vst @!p1 v1  }
0xee: {  	v1 =	vld @!p1 [tilespmem:s3+$0x120];
	_ =	sdelay $0x4  }
0xef: {  	v1 =	vand.u32 @!p1 $0xFFFF, v1  }
0xf0: {  	[tilespmem:s4+$0x2820] =	vst @!p1 v1  }
0xf1: {  	v1 =	vld @!p1 [tilespmem:s3+$0x130];
	_ =	sdelay $0x4  }
0xf2: {  	v1 =	vand.u32 @!p1 $0xFFFF, v1  }
0xf3: {  	[tilespmem:s4+$0x2830] =	vst @!p1 v1  }
0xf4: {  	v1 =	vld @!p1 [tilespmem:s3+$0x140];
	_ =	sdelay $0x4  }
0xf5: {  	v1 =	vand.u32 @!p1 $0xFFFF, v1  }
0xf6: {  	[tilespmem:s4+$0x2840] =	vst @!p1 v1  }
0xf7: {  	v1 =	vld @!p1 [tilespmem:s3+$0x150];
	_ =	sdelay $0x4  }
0xf8: {  	v1 =	vand.u32 @!p1 $0xFFFF, v1  }
0xf9: {  	[tilespmem:s4+$0x2850] =	vst @!p1 v1  }
0xfa: {  	v1 =	vld @!p1 [tilespmem:s3+$0x160];
	_ =	sdelay $0x4  }
0xfb: {  	v1 =	vand.u32 @!p1 $0xFFFF, v1  }
0xfc: {  	[tilespmem:s4+$0x2860] =	vst @!p1 v1  }
0xfd: {  	v1 =	vld @!p1 [tilespmem:s3+$0x170];
	_ =	sdelay $0x4  }
0xfe: {  	v1 =	vand.u32 @!p1 $0xFFFF, v1  }
0xff: {  	s8 =	simm.s32 @!p1 $0x2C00;
	s3 =	sor.u32 @!p1 $0x2800, s4;
	[tilespmem:s4+$0x2870] =	vst @!p1 v1;
	s4 =	simm.s32 @!p1 $0x80  }
0x100: {  	[tilespmem:s8], [sflag:$0x1] =	stream.indirect.gather @!p1 [spmem:s1], $0x80, s3, s4, $0xb8;
	[tilespmem:$0x1EC00] =	vst v63  }
0x101: {  	_ =	swait.ge [sflag:s29], $0x4000  }
0x102: {  	[sflag:s29] =	ssyncset.done $0x0  }
0x103: {  	[sflag:s29] =	ssyncadd.s32 $0xFFFFC000  }
0x104: {  	[hbm4b:s0+s2] =	stream.linear.scatter [tilespmem:s25], [sflag:$0x4], $0x4000, $0x38;
	[tilespmem:$0x1EC00] =	vst v63  }
0x105: {  	_ =	swait.ge [sflag:s30], $0x4000  }
0x106: {  	[sflag:s30] =	ssyncset.done $0x0  }
0x107: {  	[sflag:s30] =	ssyncadd.s32 $0xFFFFC000  }
0x108: {  	s3 =	simm.s32 $0x200;
	s0 =	simm.s32 $0x0;
	[bflag:$0x0] =	sbarrier.arrive $0xFFFF  }
.LBB2_4:
0x109: {  	p1 =	sne.s32 s3, $0xFE00;
	[tilespmem:s0+$0x2C70] =	vst v0  }
0x10a: {  	[tilespmem:s0+$0x2C00] =	vst v0  }
0x10b: {  	[tilespmem:s0+$0x2C10] =	vst v0  }
.Ltmp1:
0x10c: {  	[tilespmem:s0+$0x2C20] =	vst v0;
	(pc) =	sbr.rel @p1 .LBB2_4-.Ltmp1, $4  }
0x10d: {  	[tilespmem:s0+$0x2C30] =	vst v0  }
0x10e: {  	[tilespmem:s0+$0x2C40] =	vst v0  }
0x10f: {  	[tilespmem:s0+$0x2C50] =	vst v0  }
0x110: {  	[tilespmem:s0+$0x2C60] =	vst v0;
	s0 =	sshra.s32 s3, $0x2;
	s3 =	sadd.s32 $0x200, s3  }
0x111: {  	[tilespmem:s0+$0x2C70] =	vst v0  }
0x112: {  	[tilespmem:s0+$0x2C00] =	vst v0  }
0x113: {  	[tilespmem:s0+$0x2C10] =	vst v0  }
0x114: {  	[tilespmem:s0+$0x2C20] =	vst v0  }
0x115: {  	[tilespmem:s0+$0x2C30] =	vst v0  }
0x116: {  	[tilespmem:s0+$0x2C40] =	vst v0  }
0x117: {  	[tilespmem:s0+$0x2C50] =	vst v0  }
0x118: {  	[tilespmem:s0+$0x2C60] =	vst v0  }
0x119: {  	[spmem:s7] =	stream.linear.scatter [tilespmem:s24], [sflag:$0x6], $0x4000, $0x38;
	[tilespmem:$0x1EC00] =	vst v63  }
0x11a: {  	_ =	swait.ge [sflag:s19], $0x4000  }
0x11b: {  	[sflag:s19] =	ssyncset.done $0x0  }
0x11c: {  	[sflag:s19] =	ssyncadd.s32 $0xFFFFC000  }
0x11d: {  	[spmem:s11] =	stream.linear.scatter [tilespmem:s24], [sflag:$0x6], $0x4000, $0x38;
	[tilespmem:$0x1EC00] =	vst v63  }
0x11e: {  	_ =	swait.ge [sflag:s19], $0x4000  }
0x11f: {  	[sflag:s19] =	ssyncset.done $0x0  }
0x120: {  	[sflag:s19] =	ssyncadd.s32 $0xFFFFC000  }
0x121: {  	[spmem:s12] =	stream.linear.scatter [tilespmem:s24], [sflag:$0x6], $0x4000, $0x38;
	[tilespmem:$0x1EC00] =	vst v63  }
0x122: {  	_ =	swait.ge [sflag:s19], $0x4000  }
0x123: {  	[sflag:s19] =	ssyncset.done $0x0  }
0x124: {  	[sflag:s19] =	ssyncadd.s32 $0xFFFFC000  }
0x125: {  	[spmem:s13] =	stream.linear.scatter [tilespmem:s24], [sflag:$0x6], $0x4000, $0x38;
	[tilespmem:$0x1EC00] =	vst v63  }
0x126: {  	_ =	swait.ge [sflag:s19], $0x4000  }
0x127: {  	[sflag:s19] =	ssyncset.done $0x0  }
0x128: {  	[sflag:s19] =	ssyncadd.s32 $0xFFFFC000  }
0x129: {  	[spmem:s14] =	stream.linear.scatter [tilespmem:s24], [sflag:$0x6], $0x4000, $0x38;
	[tilespmem:$0x1EC00] =	vst v63  }
0x12a: {  	_ =	swait.ge [sflag:s19], $0x4000  }
0x12b: {  	[sflag:s19] =	ssyncset.done $0x0  }
0x12c: {  	[sflag:s19] =	ssyncadd.s32 $0xFFFFC000  }
0x12d: {  	[bflag:$0x0] =	sbarrier.arrive $0xFFFF  }
0x12e: {  	v1 =	vld [tilespmem:$0x0]  }
0x12f: {  	v2 =	vld [tilespmem:$0x10]  }
0x130: {  	v3 =	vld [tilespmem:$0x20]  }
0x131: {  	v4 =	vld [tilespmem:$0x30]  }
0x132: {  	v5 =	vld [tilespmem:$0x40]  }
0x133: {  	v6 =	vld [tilespmem:$0x50];
	v1 =	vshrl.u32 v1, $0x10  }
0x134: {  	[tilespmem:$0x2A00] =	vst v1;
	v1 =	vshrl.u32 v2, $0x10;
	v2 =	vld [tilespmem:$0x60]  }
0x135: {  	[tilespmem:$0x2A10] =	vst v1;
	v1 =	vshrl.u32 v3, $0x10;
	v3 =	vld [tilespmem:$0x70]  }
0x136: {  	[tilespmem:$0x2A20] =	vst v1;
	v1 =	vshrl.u32 v4, $0x10  }
0x137: {  	[tilespmem:$0x2A30] =	vst v1;
	v1 =	vshrl.u32 v5, $0x10  }
0x138: {  	[tilespmem:$0x2A40] =	vst v1;
	v1 =	vshrl.u32 v6, $0x10  }
0x139: {  	[tilespmem:$0x2A50] =	vst v1;
	v1 =	vshrl.u32 v2, $0x10  }
0x13a: {  	[tilespmem:$0x2A60] =	vst v1;
	v1 =	vshrl.u32 v3, $0x10  }
0x13b: {  	s3 =	simm.s32 $0x0;
	s4 =	simm.s32 $0x0;
	s10 =	rddreg [dreg:$0x7];
	[tilespmem:$0x2A70] =	vst v1  }
0x13c: {  	[tilespmem:s24], [sflag:$0x1] =	stream.linear.gather [hbm4b:s10+s3], $0x4000, $0x38;
	[tilespmem:$0x1EC00] =	vst v63  }
0x13d: {  	v1 =	vld [tilespmem:s4+$0x80];
	_ =	sdelay $0x2  }
0x13e: {  	s15 =	simm.s32 $0x200  }
0x13f: {  	s0 =	sand.u32 $0x600, s15  }
0x140: {  	s0 =	sshrl.u32 s0, $0x2;
	v1 =	vshrl.u32 v1, $0x10  }
0x141: {  	[tilespmem:s0+$0x2A00] =	vst v1  }
0x142: {  	v1 =	vld [tilespmem:s4+$0x90];
	_ =	sdelay $0x4  }
0x143: {  	v1 =	vshrl.u32 v1, $0x10  }
0x144: {  	[tilespmem:s0+$0x2A10] =	vst v1  }
0x145: {  	v1 =	vld [tilespmem:s4+$0xA0];
	_ =	sdelay $0x4  }
0x146: {  	v1 =	vshrl.u32 v1, $0x10  }
0x147: {  	[tilespmem:s0+$0x2A20] =	vst v1  }
0x148: {  	v1 =	vld [tilespmem:s4+$0xB0];
	_ =	sdelay $0x4  }
0x149: {  	v1 =	vshrl.u32 v1, $0x10  }
0x14a: {  	[tilespmem:s0+$0x2A30] =	vst v1  }
0x14b: {  	v1 =	vld [tilespmem:s4+$0xC0];
	_ =	sdelay $0x4  }
0x14c: {  	v1 =	vshrl.u32 v1, $0x10  }
0x14d: {  	[tilespmem:s0+$0x2A40] =	vst v1  }
0x14e: {  	v1 =	vld [tilespmem:s4+$0xD0];
	_ =	sdelay $0x4  }
0x14f: {  	v1 =	vshrl.u32 v1, $0x10  }
0x150: {  	[tilespmem:s0+$0x2A50] =	vst v1  }
0x151: {  	v1 =	vld [tilespmem:s4+$0xE0];
	_ =	sdelay $0x4  }
0x152: {  	v1 =	vshrl.u32 v1, $0x10  }
0x153: {  	[tilespmem:s0+$0x2A60] =	vst v1  }
0x154: {  	v1 =	vld [tilespmem:s4+$0xF0];
	_ =	sdelay $0x4  }
0x155: {  	v1 =	vshrl.u32 v1, $0x10  }
0x156: {  	[tilespmem:s0+$0x2A70] =	vst v1  }
0x157: {  	[tilespmem:s25], [sflag:$0x2] =	stream.linear.gather [hbm4b:s6+s2], $0x4000, $0x38;
	[tilespmem:$0x1EC00] =	vst v63  }
0x158: {  	s23 =	sand.u32 $0x400, s3;
	_ =	swait.ge [sflag:s26], $0x4000  }
0x159: {  	s4 =	sshrl.u32 s23, $0x2;
	[sflag:s26] =	ssyncset.done $0x0  }
0x15a: {  	s4 =	sor.u32 $0x2A00, s4;
	[sflag:s26] =	ssyncadd.s32 $0xFFFFC000  }
0x15b: {  	[spmem:s1] =	stream.indirect.scatter.add.f32 [tilespmem:s24], [sflag:$0x6], $0x80, s4, s22, $0xb8;
	[tilespmem:$0x1EC00] =	vst v63  }
0x15c: {  	_ =	swait.ge [sflag:s19], $0x4000  }
0x15d: {  	p1 =	por $0x0, $0x0;
	[sflag:s19] =	ssyncset.done $0x0  }
0x15e: {  	s4 =	simm.s32 @!p1 $0x0;
	[sflag:s19] =	ssyncadd.s32 $0xFFFFC000  }
0x15f: {  	v1 =	vld @!p1 [tilespmem:s4+$0x100];
	_ =	sdelay $0x2  }
0x160: {  	s3 =	sxor.u32 @!p1 $0xFFFFFFFF, s3  }
0x161: {  	s3 =	sand.u32 @!p1 $0x400, s3  }
0x162: {  	s3 =	sshrl.u32 @!p1 s3, $0x2;
	v1 =	vshrl.u32 @!p1 v1, $0x10  }
0x163: {  	[tilespmem:s3+$0x2A00] =	vst @!p1 v1  }
0x164: {  	v1 =	vld @!p1 [tilespmem:s4+$0x110];
	_ =	sdelay $0x4  }
0x165: {  	v1 =	vshrl.u32 @!p1 v1, $0x10  }
0x166: {  	[tilespmem:s3+$0x2A10] =	vst @!p1 v1  }
0x167: {  	v1 =	vld @!p1 [tilespmem:s4+$0x120];
	_ =	sdelay $0x4  }
0x168: {  	v1 =	vshrl.u32 @!p1 v1, $0x10  }
0x169: {  	[tilespmem:s3+$0x2A20] =	vst @!p1 v1  }
0x16a: {  	v1 =	vld @!p1 [tilespmem:s4+$0x130];
	_ =	sdelay $0x4  }
0x16b: {  	v1 =	vshrl.u32 @!p1 v1, $0x10  }
0x16c: {  	[tilespmem:s3+$0x2A30] =	vst @!p1 v1  }
0x16d: {  	v1 =	vld @!p1 [tilespmem:s4+$0x140];
	_ =	sdelay $0x4  }
0x16e: {  	v1 =	vshrl.u32 @!p1 v1, $0x10  }
0x16f: {  	[tilespmem:s3+$0x2A40] =	vst @!p1 v1  }
0x170: {  	v1 =	vld @!p1 [tilespmem:s4+$0x150];
	_ =	sdelay $0x4  }
0x171: {  	v1 =	vshrl.u32 @!p1 v1, $0x10  }
0x172: {  	[tilespmem:s3+$0x2A50] =	vst @!p1 v1  }
0x173: {  	v1 =	vld @!p1 [tilespmem:s4+$0x160];
	_ =	sdelay $0x4  }
0x174: {  	v1 =	vshrl.u32 @!p1 v1, $0x10  }
0x175: {  	[tilespmem:s3+$0x2A60] =	vst @!p1 v1  }
0x176: {  	v1 =	vld @!p1 [tilespmem:s4+$0x170];
	_ =	sdelay $0x4  }
0x177: {  	v1 =	vshrl.u32 @!p1 v1, $0x10  }
0x178: {  	s4 =	simm.s32 @!p1 $0x2C00;
	[tilespmem:s3+$0x2A70] =	vst @!p1 v1;
	s3 =	simm.s32 @!p1 $0x0  }
0x179: {  	[tilespmem:s4], [sflag:$0x1] =	stream.linear.gather @!p1 [hbm4b:s17+s3], $0x4000, $0x38;
	[tilespmem:$0x1EC00] =	vst v63  }
0x17a: {  	_ =	swait.ge [sflag:s29], $0x4000  }
0x17b: {  	[sflag:s29] =	ssyncset.done $0x0  }
0x17c: {  	s0 =	sor.u32 $0x2A00, s0;
	[sflag:s29] =	ssyncadd.s32 $0xFFFFC000  }
0x17d: {  	[spmem:s1] =	stream.indirect.scatter.add.f32 [tilespmem:s25], [sflag:$0x6], $0x80, s0, s22, $0xb8;
	[tilespmem:$0x1EC00] =	vst v63  }
0x17e: {  	s23 =	simm.s32 $0x400;
	s4 =	simm.s32 $0x800;
	_ =	swait.ge [sflag:s19], $0x4000  }
0x17f: {  	s3 =	sadd.s32 $0x1000, s6;
	s0 =	sadd.s32 $0x1000, s17;
	[sflag:s19] =	ssyncset.done $0x0  }
.LBB2_6:
0x180: {  	s9 =	sshra.s32 s23, $0x2  }
0x181: {  	[sflag:s19] =	ssyncadd.s32 $0xFFFFC000;
	s8 =	smov.u32 s4;
	s4 =	sadd.s32 $0x400, s4  }
0x182: {  	p1 =	sne.s32 s4, $0xA000;
	v1 =	vld [tilespmem:s9+$0x80];
	_ =	sdelay $0x2  }
0x183: {  	s10 =	sadd.s32 $0x200, s23  }
0x184: {  	s10 =	sand.u32 $0x600, s10  }
0x185: {  	s15 =	sshrl.u32 s10, $0x2;
	v1 =	vshrl.u32 v1, $0x10  }
0x186: {  	[tilespmem:s15+$0x2A00] =	vst v1  }
0x187: {  	v1 =	vld [tilespmem:s9+$0x90];
	_ =	sdelay $0x4  }
0x188: {  	v1 =	vshrl.u32 v1, $0x10  }
0x189: {  	[tilespmem:s15+$0x2A10] =	vst v1  }
0x18a: {  	v1 =	vld [tilespmem:s9+$0xA0];
	_ =	sdelay $0x4  }
0x18b: {  	v1 =	vshrl.u32 v1, $0x10  }
0x18c: {  	[tilespmem:s15+$0x2A20] =	vst v1  }
0x18d: {  	v1 =	vld [tilespmem:s9+$0xB0];
	_ =	sdelay $0x4  }
0x18e: {  	v1 =	vshrl.u32 v1, $0x10  }
0x18f: {  	[tilespmem:s15+$0x2A30] =	vst v1  }
0x190: {  	v1 =	vld [tilespmem:s9+$0xC0];
	_ =	sdelay $0x4  }
0x191: {  	v1 =	vshrl.u32 v1, $0x10  }
0x192: {  	[tilespmem:s15+$0x2A40] =	vst v1  }
0x193: {  	v1 =	vld [tilespmem:s9+$0xD0];
	_ =	sdelay $0x4  }
0x194: {  	v1 =	vshrl.u32 v1, $0x10  }
0x195: {  	[tilespmem:s15+$0x2A50] =	vst v1  }
0x196: {  	v1 =	vld [tilespmem:s9+$0xE0];
	_ =	sdelay $0x4  }
0x197: {  	v1 =	vshrl.u32 v1, $0x10  }
0x198: {  	[tilespmem:s15+$0x2A60] =	vst v1  }
0x199: {  	v1 =	vld [tilespmem:s9+$0xF0];
	_ =	sdelay $0x4  }
0x19a: {  	v1 =	vshrl.u32 v1, $0x10  }
0x19b: {  	[tilespmem:s15+$0x2A70] =	vst v1  }
0x19c: {  	[tilespmem:s25], [sflag:$0x2] =	stream.linear.gather [hbm4b:s3+s2], $0x4000, $0x38;
	[tilespmem:$0x1EC00] =	vst v63  }
0x19d: {  	s9 =	sand.u32 $0x400, s23;
	_ =	swait.ge [sflag:s26], $0x4000  }
0x19e: {  	s9 =	sshrl.u32 s9, $0x2;
	[sflag:s26] =	ssyncset.done $0x0  }
0x19f: {  	s9 =	sor.u32 $0x2A00, s9;
	[sflag:s26] =	ssyncadd.s32 $0xFFFFC000  }
0x1a0: {  	[spmem:s1] =	stream.indirect.scatter.add.f32 [tilespmem:s24], [sflag:$0x6], $0x80, s9, s22, $0xb8;
	[tilespmem:$0x1EC00] =	vst v63  }
0x1a1: {  	_ =	swait.ge [sflag:s19], $0x4000  }
0x1a2: {  	p2 =	seq.s32 s23, $0x9C00;
	[sflag:s19] =	ssyncset.done $0x0  }
0x1a3: {  	s10 =	sxor.u32 @!p2 $0xFFFFFFFF, s23;
	s9 =	sshra.s32 @!p2 s23, $0x2;
	[sflag:s19] =	ssyncadd.s32 $0xFFFFC000  }
0x1a4: {  	s10 =	sand.u32 @!p2 $0x400, s10;
	s23 =	smov.u32 s8;
	v1 =	vld @!p2 [tilespmem:s9+$0x100];
	_ =	sdelay $0x4  }
0x1a5: {  	s8 =	sshrl.u32 @!p2 s10, $0x2;
	v1 =	vshrl.u32 @!p2 v1, $0x10  }
0x1a6: {  	[tilespmem:s8+$0x2A00] =	vst @!p2 v1  }
0x1a7: {  	v1 =	vld @!p2 [tilespmem:s9+$0x110];
	_ =	sdelay $0x4  }
0x1a8: {  	v1 =	vshrl.u32 @!p2 v1, $0x10  }
0x1a9: {  	[tilespmem:s8+$0x2A10] =	vst @!p2 v1  }
0x1aa: {  	v1 =	vld @!p2 [tilespmem:s9+$0x120];
	_ =	sdelay $0x4  }
0x1ab: {  	v1 =	vshrl.u32 @!p2 v1, $0x10  }
0x1ac: {  	[tilespmem:s8+$0x2A20] =	vst @!p2 v1  }
0x1ad: {  	v1 =	vld @!p2 [tilespmem:s9+$0x130];
	_ =	sdelay $0x4  }
0x1ae: {  	v1 =	vshrl.u32 @!p2 v1, $0x10  }
0x1af: {  	[tilespmem:s8+$0x2A30] =	vst @!p2 v1  }
0x1b0: {  	v1 =	vld @!p2 [tilespmem:s9+$0x140];
	_ =	sdelay $0x4  }
0x1b1: {  	v1 =	vshrl.u32 @!p2 v1, $0x10  }
0x1b2: {  	[tilespmem:s8+$0x2A40] =	vst @!p2 v1  }
0x1b3: {  	v1 =	vld @!p2 [tilespmem:s9+$0x150];
	_ =	sdelay $0x4  }
0x1b4: {  	v1 =	vshrl.u32 @!p2 v1, $0x10  }
0x1b5: {  	[tilespmem:s8+$0x2A50] =	vst @!p2 v1  }
0x1b6: {  	v1 =	vld @!p2 [tilespmem:s9+$0x160];
	_ =	sdelay $0x4  }
0x1b7: {  	v1 =	vshrl.u32 @!p2 v1, $0x10  }
0x1b8: {  	[tilespmem:s8+$0x2A60] =	vst @!p2 v1  }
0x1b9: {  	v1 =	vld @!p2 [tilespmem:s9+$0x170];
	_ =	sdelay $0x4  }
0x1ba: {  	v1 =	vshrl.u32 @!p2 v1, $0x10  }
0x1bb: {  	s9 =	simm.s32 @!p2 $0x2C00;
	[tilespmem:s8+$0x2A70] =	vst @!p2 v1;
	s8 =	simm.s32 @!p2 $0x0  }
0x1bc: {  	[tilespmem:s9], [sflag:$0x1] =	stream.linear.gather @!p2 [hbm4b:s0+s8], $0x4000, $0x38;
	[tilespmem:$0x1EC00] =	vst v63  }
0x1bd: {  	_ =	swait.ge [sflag:s29], $0x4000  }
.Ltmp2:
0x1be: {  	[sflag:s29] =	ssyncset.done $0x0;
	(pc) =	sbr.rel @p1 .LBB2_6-.Ltmp2, $4  }
0x1bf: {  	s8 =	sor.u32 $0x2A00, s15;
	[sflag:s29] =	ssyncadd.s32 $0xFFFFC000  }
0x1c0: {  	[spmem:s1] =	stream.indirect.scatter.add.f32 [tilespmem:s25], [sflag:$0x6], $0x80, s8, s22, $0xb8;
	[tilespmem:$0x1EC00] =	vst v63  }
0x1c1: {  	_ =	swait.ge [sflag:s19], $0x4000  }
0x1c2: {  	s3 =	sadd.s32 $0x1000, s3;
	s0 =	sadd.s32 $0x1000, s0;
	[sflag:s19] =	ssyncset.done $0x0  }
0x1c3: {  	s8 =	sshra.s32 s23, $0x2;
	[sflag:s19] =	ssyncadd.s32 $0xFFFFC000  }
0x1c4: {  	v1 =	vld [tilespmem:s8+$0x80];
	_ =	sdelay $0x2  }
0x1c5: {  	s4 =	sadd.s32 $0x200, s23  }
0x1c6: {  	s4 =	sand.u32 $0x600, s4  }
0x1c7: {  	s4 =	sshrl.u32 s4, $0x2;
	v1 =	vshrl.u32 v1, $0x10  }
0x1c8: {  	[tilespmem:s4+$0x2A00] =	vst v1  }
0x1c9: {  	v1 =	vld [tilespmem:s8+$0x90];
	_ =	sdelay $0x4  }
0x1ca: {  	v1 =	vshrl.u32 v1, $0x10  }
0x1cb: {  	[tilespmem:s4+$0x2A10] =	vst v1  }
0x1cc: {  	v1 =	vld [tilespmem:s8+$0xA0];
	_ =	sdelay $0x4  }
0x1cd: {  	v1 =	vshrl.u32 v1, $0x10  }
0x1ce: {  	[tilespmem:s4+$0x2A20] =	vst v1  }
0x1cf: {  	v1 =	vld [tilespmem:s8+$0xB0];
	_ =	sdelay $0x4  }
0x1d0: {  	v1 =	vshrl.u32 v1, $0x10  }
0x1d1: {  	[tilespmem:s4+$0x2A30] =	vst v1  }
0x1d2: {  	v1 =	vld [tilespmem:s8+$0xC0];
	_ =	sdelay $0x4  }
0x1d3: {  	v1 =	vshrl.u32 v1, $0x10  }
0x1d4: {  	[tilespmem:s4+$0x2A40] =	vst v1  }
0x1d5: {  	v1 =	vld [tilespmem:s8+$0xD0];
	_ =	sdelay $0x4  }
0x1d6: {  	v1 =	vshrl.u32 v1, $0x10  }
0x1d7: {  	[tilespmem:s4+$0x2A50] =	vst v1  }
0x1d8: {  	v1 =	vld [tilespmem:s8+$0xE0];
	_ =	sdelay $0x4  }
0x1d9: {  	v1 =	vshrl.u32 v1, $0x10  }
0x1da: {  	[tilespmem:s4+$0x2A60] =	vst v1  }
0x1db: {  	v1 =	vld [tilespmem:s8+$0xF0];
	_ =	sdelay $0x4  }
0x1dc: {  	v1 =	vshrl.u32 v1, $0x10  }
0x1dd: {  	[tilespmem:s4+$0x2A70] =	vst v1  }
0x1de: {  	[tilespmem:s25], [sflag:$0x2] =	stream.linear.gather [hbm4b:s3+s2], $0x4000, $0x38;
	[tilespmem:$0x1EC00] =	vst v63  }
0x1df: {  	s8 =	sand.u32 $0x400, s23;
	_ =	swait.ge [sflag:s26], $0x4000  }
0x1e0: {  	s3 =	sshrl.u32 s8, $0x2;
	[sflag:s26] =	ssyncset.done $0x0  }
0x1e1: {  	s3 =	sor.u32 $0x2A00, s3;
	[sflag:s26] =	ssyncadd.s32 $0xFFFFC000  }
0x1e2: {  	[spmem:s1] =	stream.indirect.scatter.add.f32 [tilespmem:s24], [sflag:$0x6], $0x80, s3, s22, $0xb8;
	[tilespmem:$0x1EC00] =	vst v63  }
0x1e3: {  	_ =	swait.ge [sflag:s19], $0x4000  }
0x1e4: {  	p1 =	seq.s32 s23, $0x9C00;
	[sflag:s19] =	ssyncset.done $0x0  }
0x1e5: {  	s3 =	sshra.s32 @!p1 s23, $0x2;
	[sflag:s19] =	ssyncadd.s32 $0xFFFFC000  }
0x1e6: {  	v1 =	vld @!p1 [tilespmem:s3+$0x100];
	_ =	sdelay $0x2  }
0x1e7: {  	s8 =	sxor.u32 @!p1 $0xFFFFFFFF, s23  }
0x1e8: {  	s8 =	sand.u32 @!p1 $0x400, s8  }
0x1e9: {  	s8 =	sshrl.u32 @!p1 s8, $0x2;
	v1 =	vshrl.u32 @!p1 v1, $0x10  }
0x1ea: {  	[tilespmem:s8+$0x2A00] =	vst @!p1 v1  }
0x1eb: {  	v1 =	vld @!p1 [tilespmem:s3+$0x110];
	_ =	sdelay $0x4  }
0x1ec: {  	v1 =	vshrl.u32 @!p1 v1, $0x10  }
0x1ed: {  	[tilespmem:s8+$0x2A10] =	vst @!p1 v1  }
0x1ee: {  	v1 =	vld @!p1 [tilespmem:s3+$0x120];
	_ =	sdelay $0x4  }
0x1ef: {  	v1 =	vshrl.u32 @!p1 v1, $0x10  }
0x1f0: {  	[tilespmem:s8+$0x2A20] =	vst @!p1 v1  }
0x1f1: {  	v1 =	vld @!p1 [tilespmem:s3+$0x130];
	_ =	sdelay $0x4  }
0x1f2: {  	v1 =	vshrl.u32 @!p1 v1, $0x10  }
0x1f3: {  	[tilespmem:s8+$0x2A30] =	vst @!p1 v1  }
0x1f4: {  	v1 =	vld @!p1 [tilespmem:s3+$0x140];
	_ =	sdelay $0x4  }
0x1f5: {  	v1 =	vshrl.u32 @!p1 v1, $0x10  }
0x1f6: {  	[tilespmem:s8+$0x2A40] =	vst @!p1 v1  }
0x1f7: {  	v1 =	vld @!p1 [tilespmem:s3+$0x150];
	_ =	sdelay $0x4  }
0x1f8: {  	v1 =	vshrl.u32 @!p1 v1, $0x10  }
0x1f9: {  	[tilespmem:s8+$0x2A50] =	vst @!p1 v1  }
0x1fa: {  	v1 =	vld @!p1 [tilespmem:s3+$0x160];
	_ =	sdelay $0x4  }
0x1fb: {  	v1 =	vshrl.u32 @!p1 v1, $0x10  }
0x1fc: {  	[tilespmem:s8+$0x2A60] =	vst @!p1 v1  }
0x1fd: {  	v1 =	vld @!p1 [tilespmem:s3+$0x170];
	_ =	sdelay $0x4  }
0x1fe: {  	v1 =	vshrl.u32 @!p1 v1, $0x10  }
0x1ff: {  	s3 =	simm.s32 @!p1 $0x0;
	[tilespmem:s8+$0x2A70] =	vst @!p1 v1;
	s8 =	simm.s32 @!p1 $0x2C00  }
0x200: {  	[tilespmem:s8], [sflag:$0x1] =	stream.linear.gather @!p1 [hbm4b:s0+s3], $0x4000, $0x38;
	[tilespmem:$0x1EC00] =	vst v63  }
0x201: {  	_ =	swait.ge [sflag:s29], $0x4000  }
0x202: {  	[sflag:s29] =	ssyncset.done $0x0  }
0x203: {  	s9 =	sor.u32 $0x2A00, s4;
	[sflag:s29] =	ssyncadd.s32 $0xFFFFC000  }
0x204: {  	[spmem:s1] =	stream.indirect.scatter.add.f32 [tilespmem:s25], [sflag:$0x6], $0x80, s9, s22, $0xb8;
	[tilespmem:$0x1EC00] =	vst v63  }
0x205: {  	_ =	swait.ge [sflag:s19], $0x4000  }
0x206: {  	[sflag:s19] =	ssyncset.done $0x0  }
0x207: {  	[sflag:s19] =	ssyncadd.s32 $0xFFFFC000  }
0x208: {  	[bflag:$0x0] =	sbarrier.arrive $0xFFFF  }
0x209: {  	s10 =	sshrl.u32 s7, $0x3;
	s15 =	rddreg [dreg:$0x8]  }
0x20a: {  	[hbm:s15], [sflag:s5] =	dma.local [spmem:s10], $0x2800  }
0x20b: {  	_ =	swait.ge [sflag:s19], $0x2800  }
0x20c: {  	s31 =	sadd.s32 $0x1, s31;
	s23 =	rddreg [dreg:$0x9]  }
0x20d: {  	p1 =	sne.s32 s31, s23  }
.Ltmp3:
0x20e: {  	_ = 	snop;
	(pc) =	sbr.rel @p1 .LBB2_1-.Ltmp3, $3  }
0x20f: {  	_ =	sdelay $0x1  }
0x210: {  	[sflag:s19] =	ssyncset.done $0x0  }
0x211: {  	[sflag:s19] =	ssyncadd.s32 $0xFFFFD800  }
0x212: {  	_ =	sfence.sel $0x180000  }
0x213: {  	[bflag:$0x0] =	sbarrier.arrive $0xFFFF  }
0x214: {  	_ =	strace $0x9000004A  }
0x215: {  	[bflag:$0x2] =	sbarrier.arrive $0xFFFF  }
0x216: {  	s0 =	rddreg [dreg:$0x3]  }
0x217: {  	s0 =	sadd.s32 @!p0 $0x100000, s0  }
0x218: {  	[sflag:s0] =	ssyncadd.tile.s32 @!p0 $0x1;
	_ =	shalt  }
.Lfunc_end2:
_tile_overlayer_lowered:
.L_overlay_start_2:
0x219: {  	(tag) =	ssettag $0x2  }
0x21a: {  	s0 =	rddreg [dreg:$0x0];
	s2 =	stileid.u32  }
0x21b: {  	s1 =	rddreg [dreg:$0x1];
	p0 =	sne.s32 s2, $0x0  }
0x21c: {  	s3 =	rddreg [dreg:$0x2];
	[bflag:$0x3] =	sbarrier.arrive $0xFFFF;
	s2 =	simm.s32 @!p0 $0x1C06  }
0x21d: {  	[timem:s3], [sflag:s2] =	dma.local @!p0 [hbm:s0], s1  }
0x21e: {  	s0 =	simm.s32 @!p0 $0x6  }
0x21f: {  	_ =	swait.ge @!p0 [sflag:s0], s1  }
0x220: {  	s1 =	ssub.s32 @!p0 $0x0, s1;
	[sflag:s0] =	ssyncset.done @!p0 $0x0  }
0x221: {  	[sflag:s0] =	ssyncadd.s32 @!p0 s1  }
0x222: {  	[bflag:$0x3] =	sbarrier.arrive $0xFFFF  }
0x223: {  	_ =	shalt  }

// kernel: kernel.15.cloned.1.call-start
scs
__scs_entry_jumppad:
0x0: {  	(pc) =	sbr.rel $0x88, $3  }
0x1: {  	(tag) =	ssettag $0x0;
	lr =	simm.s32 $0x1  }
0x2: {  	[smem:$0x3F8F] =	sst lr;
	_ =	strace $0xD0000000  }
0x3: {  	_ = 	snop  }
0x4: {  	_ = 	snop  }
0x5: {  	_ = 	snop  }
0x6: {  	_ = 	snop  }
0x7: {  	_ = 	snop  }
__scs_overlays_trampoline_lowered:
0x8: {  	[smem:$0x3F9E] =	sst s0  }
0x9: {  	[smem:$0x3F9F] =	sst s1  }
0xa: {  	[smem:$0x3FA0] =	sst s2  }
0xb: {  	[smem:$0x3FA1] =	sst s3  }
0xc: {  	[smem:$0x3FA2] =	sst s4  }
0xd: {  	[smem:$0x3FA3] =	sst s5  }
0xe: {  	[smem:$0x3FA4] =	sst s6  }
0xf: {  	[smem:$0x3FA5] =	sst s7  }
0x10: {  	[smem:$0x3FA6] =	sst s8  }
0x11: {  	[smem:$0x3FA7] =	sst s9;
	s0 =	simm.s32 @!p0 $0x0  }
0x12: {  	s1 =	sld [smem:$0x3F8D];
	s0 =	simm.s32 @p0 $0x1  }
0x13: {  	[smem:$0x3FA8] =	sst s0;
	s0 =	simm.s32 @!p1 $0x0  }
0x14: {  	s2 =	sld [smem:$0x3F8C];
	s0 =	simm.s32 @p1 $0x1  }
0x15: {  	[smem:$0x3FA9] =	sst s0;
	s0 =	simm.s32 @!p2 $0x0  }
0x16: {  	s3 =	sld [smem:$0x3FDB];
	s0 =	simm.s32 @p2 $0x1  }
0x17: {  	s4 =	simm.s32 $0x1BF5;
	[smem:$0x3FAB] =	sst s0  }
0x18: {  	s0 =	sld [smem:$0x3F8E];
	_ =	swait.ge [sflag:s4], $0x0  }
0x19: {  	s7 =	sld [smem:$0x3F8F]  }
0x1a: {  	s8 =	sadd.s32 $0xFFFFE003, lr  }
0x1b: {  	s9 =	sadd.s32 $0xFFFFFEF7, lr;
	s5 =	simm.s32 $0xFFFFFFFF;
	p2 =	slt.u32 s8, $0xFFFFF086  }
0x1c: {  	p1 =	slt.u32 s9, $0xF7A;
	s5 =	simm.s32 @!p2 $0x0  }
0x1d: {  	s5 =	simm.s32 @p1 $0x1;
	p0 =	seq.s32 s7, s2  }
0x1e: {  	s7 =	smul.u32 @!p0 $0xF7A, s2;
	p2 =	seq.s32 @!p0 s5, $0x0  }
0x1f: {  	s9 =	smul.u32 $0xF7A, s1;
	s8 =	simm.s32 @!p0 $0x1BF5;
	p2 =	por !p2, p0  }
0x20: {  	[sflag:s8] =	ssyncset.s32 @!p0 $0xFFFFF086;
	s6 =	sadd.s32 @!p0 s3, s7;
	s7 =	simm.s32 @!p0 $0x108  }
0x21: {  	s3 =	sadd.s32 s3, s9;
	s6 =	sadd.s32 @!p0 $0x88, s6;
	s7 =	simm.s32 @p2 $0x1082  }
0x22: {  	[simem:s7], [sflag:s8] =	dma.local @!p0 [hbm:s6], $0xF7A  }
0x23: {  	s9 =	sor.u32 $0xD0000000, s2;
	s6 =	simm.s32 $0x108;
	_ =	swait.ge @!p0 [sflag:s8], $0x0  }
0x24: {  	s3 =	sadd.s32 $0x88, s3;
	s6 =	simm.s32 @!p1 $0x1082;
	[sflag:s4] =	ssyncset.s32 $0xFFFFF086  }
0x25: {  	[simem:s6], [sflag:s4] =	dma.local [hbm:s3], $0xF7A  }
0x26: {  	[smem:$0x3F8F] =	sst s1;
	(tag) =	ssettag s2;
	_ =	strace s9  }
0x27: {  	s1 =	sld [smem:$0x3F9F]  }
0x28: {  	s2 =	sld [smem:$0x3FA0]  }
0x29: {  	s4 =	sld [smem:$0x3FA2]  }
0x2a: {  	p0 =	seq.s32 s5, $0x0;
	s5 =	sld [smem:$0x3FA3]  }
0x2b: {  	s6 =	sld [smem:$0x3FA4]  }
0x2c: {  	s7 =	sld [smem:$0x3FA5]  }
0x2d: {  	s3 =	simm.s32 $0x108;
	s8 =	sld [smem:$0x3FA6]  }
0x2e: {  	s3 =	simm.s32 @!p0 $0x1082;
	s9 =	sld [smem:$0x3FA7]  }
0x2f: {  	lr =	sadd.s32 s0, s3;
	s0 =	sld [smem:$0x3F9E]  }
0x30: {  	s3 =	sld [smem:$0x3FA1]  }
0x31: {  	[smem:$0x3FAA] =	sst s10  }
0x32: {  	s10 =	sld [smem:$0x3FA8];
	_ =	sdelay $0x3  }
0x33: {  	p0 =	seq.s32 s10, $0x1;
	s10 =	sld [smem:$0x3FAA];
	_ =	sdelay $0x3  }
0x34: {  	[smem:$0x3FAA] =	sst s10  }
0x35: {  	s10 =	sld [smem:$0x3FA9];
	_ =	sdelay $0x3  }
0x36: {  	p1 =	seq.s32 s10, $0x1;
	s10 =	sld [smem:$0x3FAA];
	_ =	sdelay $0x3  }
0x37: {  	[smem:$0x3FAA] =	sst s10  }
0x38: {  	s10 =	sld [smem:$0x3FAB]  }
0x39: {  	_ = 	snop;
	(pc) =	sbr.ind lr, $3  }
0x3a: {  	_ = 	snop  }
0x3b: {  	_ = 	snop  }
0x3c: {  	p2 =	seq.s32 s10, $0x1;
	s10 =	sld [smem:$0x3FAA]  }
0x3d: {  	_ =	shalt  }
0x3e: {  	_ =	shalt  }
0x3f: {  	_ =	shalt  }
0x40: {  	_ =	shalt  }
0x41: {  	_ =	shalt  }
0x42: {  	_ =	shalt  }
0x43: {  	_ =	shalt  }
0x44: {  	_ =	shalt  }
0x45: {  	_ =	shalt  }
0x46: {  	_ =	shalt  }
0x47: {  	_ =	shalt  }
0x48: {  	_ =	shalt  }
0x49: {  	_ =	shalt  }
0x4a: {  	_ =	shalt  }
0x4b: {  	_ =	shalt  }
0x4c: {  	_ =	shalt  }
0x4d: {  	_ =	shalt  }
0x4e: {  	_ =	shalt  }
0x4f: {  	_ =	shalt  }
0x50: {  	_ =	shalt  }
0x51: {  	_ =	shalt  }
0x52: {  	_ =	shalt  }
0x53: {  	_ =	shalt  }
0x54: {  	_ =	shalt  }
0x55: {  	_ =	shalt  }
0x56: {  	_ =	shalt  }
0x57: {  	_ =	shalt  }
0x58: {  	_ =	shalt  }
0x59: {  	_ =	shalt  }
0x5a: {  	_ =	shalt  }
0x5b: {  	_ =	shalt  }
0x5c: {  	_ =	shalt  }
0x5d: {  	_ =	shalt  }
0x5e: {  	_ =	shalt  }
0x5f: {  	_ =	shalt  }
0x60: {  	_ =	shalt  }
0x61: {  	_ =	shalt  }
0x62: {  	_ =	shalt  }
0x63: {  	_ =	shalt  }
0x64: {  	_ =	shalt  }
0x65: {  	_ =	shalt  }
0x66: {  	_ =	shalt  }
0x67: {  	_ =	shalt  }
0x68: {  	_ =	shalt  }
0x69: {  	_ =	shalt  }
0x6a: {  	_ =	shalt  }
0x6b: {  	_ =	shalt  }
0x6c: {  	_ =	shalt  }
0x6d: {  	_ =	shalt  }
0x6e: {  	_ =	shalt  }
0x6f: {  	_ =	shalt  }
0x70: {  	_ =	shalt  }
0x71: {  	_ =	shalt  }
0x72: {  	_ =	shalt  }
0x73: {  	_ =	shalt  }
0x74: {  	_ =	shalt  }
0x75: {  	_ =	shalt  }
0x76: {  	_ =	shalt  }
0x77: {  	_ =	shalt  }
0x78: {  	_ =	shalt  }
0x79: {  	_ =	shalt  }
0x7a: {  	_ =	shalt  }
0x7b: {  	_ =	shalt  }
0x7c: {  	_ =	shalt  }
0x7d: {  	_ =	shalt  }
0x7e: {  	_ =	shalt  }
0x7f: {  	_ =	shalt  }
0x80: {  	_ =	shalt  }
0x81: {  	_ =	shalt  }
0x82: {  	_ =	shalt  }
0x83: {  	_ =	shalt  }
0x84: {  	_ =	shalt  }
0x85: {  	_ =	shalt  }
0x86: {  	_ =	shalt  }
0x87: {  	_ =	shalt  }
.Lfunc_end0:
.L_simem_size_0:
called_computation.2_lowered:
.L_overlay_start_0:
0x88: {  	s2 =	sld [smem:$0x3FD9]  }
0x89: {  	s3 =	sld [smem:$0x3FFE];
	_ =	sdelay $0x1  }
0x8a: {  	s1 =	srdreg.scid  }
0x8b: {  	s0 =	sand.u32 $0x1, s1  }
0x8c: {  	s17 =	sshll.u32 s0, $0xA;
	s2 =	sadd.s32 s3, s2  }
0x8d: {  	s2 =	sadd.s32 s2, s17  }
0x8e: {  	[smem:$0x3FB6] =	sst s2  }
0x8f: {  	_ = 	snop  }
0x90: {  	s2 =	sld [smem:$0x3FD0];
	(tm) =	ssettm $0x1  }
0x91: {  	s18 =	sld [smem:$0x3FFB];
	_ =	sdelay $0x3  }
0x92: {  	_ =	strace s18  }
0x93: {  	s3 =	sld [smem:$0x3FFC];
	_ =	sdelay $0x3  }
0x94: {  	_ =	strace s3  }
0x95: {  	s3 =	sld [smem:$0x3FFD];
	_ =	sdelay $0x3  }
0x96: {  	_ =	strace s3  }
0x97: {  	_ =	strace $0x8FFFFFFF  }
0x98: {  	s19 =	sld [smem:$0x3FDB];
	_ =	sdelay $0x1  }
0x99: {  	s4 =	simm.s32 $_scs_section_size  }
0x9a: {  	s5 =	simm.s32 $_size__tile_overlayer_lowered;
	s6 =	simm.s32 $_tile_overlayer_lowered  }
0x9b: {  	s22 =	simm.s32 $0x1BFF;
	s21 =	sshll.u32 s6, $0x1;
	s3 =	sadd.s32 s4, s19  }
0x9c: {  	s7 =	simm.s32 $0x0;
	s20 =	sshll.u32 s5, $0x1;
	s5 =	sadd.s32 s21, s3  }
0x9d: {  	[timem:s7], [sflag:s22] =	dma.local [hbm:s5], s20  }
0x9e: {  	_ =	swait.ge [sflag:s22], s20  }
0x9f: {  	s4 =	ssub.s32 $0x0, s20;
	[sflag:s22] =	ssyncset.done $0x0  }
0xa0: {  	[sflag:s22] =	ssyncadd.s32 s4;
	_ =	sdelay $0x1  }
0xa1: {  	s23 =	simm.s32 $0x1B8B  }
0xa2: {  	_ =	swait.ge [sflag:s23], $0x1  }
0xa3: {  	[sflag:s23] =	ssyncset.done $0x0  }
0xa4: {  	s25 =	simm.s32 $0x1B8E;
	s24 =	sld [smem:$0x3FFE];
	[sflag:s23] =	ssyncadd.s32 $0xFFFFFFFF  }
0xa5: {  	s26 =	simm.s32 $execute0_lowered;
	[smem:$0x3FD2] =	sst s25  }
0xa6: {  	s5 =	sshll.u32 s26, $0x1;
	_ =	strace $0x8000004C;
	[dreg:$0x1] =	wrdreg $0xFFFFFFFF  }
0xa7: {  	s28 =	simm.s32 $_size_execute0_lowered;
	s3 =	sadd.s32 s3, s5;
	[dreg:$0x0] =	wrdreg $0x0  }
0xa8: {  	s5 =	sshll.u32 s28, $0x1;
	[dreg:$0x2] =	wrdreg s3  }
0xa9: {  	[dreg:$0x3] =	wrdreg s5  }
0xaa: {  	[dreg:$0x4] =	wrdreg $0xC0  }
0xab: {  	_ =	task [dreg:s7], $0x5FFFF  }
0xac: {  	[dreg:$0x1] =	wrdreg $0xFFFFFFFF  }
0xad: {  	[dreg:$0x0] =	wrdreg $0x60  }
0xae: {  	[dreg:$0x2] =	wrdreg s24  }
0xaf: {  	[dreg:$0x3] =	wrdreg s2  }
0xb0: {  	[dreg:$0x4] =	wrdreg $0xAC000  }
0xb1: {  	[dreg:$0x5] =	wrdreg $0x9  }
0xb2: {  	_ =	task.clear_ibuf [dreg:s7], $0x6FFFF;
	_ =	strace $0x9000004C  }
0xb3: {  	s29 =	simm.s32 $0x9;
	_ =	strace $0x8000004E  }
0xb4: {  	_ =	swait.ge [sflag:s29], $0x1  }
0xb5: {  	[sflag:s29] =	ssyncadd.s32 $0xFFFFFFFF  }
0xb6: {  	_ =	strace $0x9000004E  }
0xb7: {  	_ =	sfence  }
0xb8: {  	s30 =	sld [smem:$0x0];
	_ =	sdelay $0x2  }
0xb9: {  	s31 =	sshll.u32 s1, $0xD;
	s1 =	sshrl.u32 s1, $0x2  }
0xba: {  	s3 =	sand.u32 $0x4000, s31;
	s1 =	sadd.s32 s1, s30  }
0xbb: {  	s0 =	sor.u32 s3, s0;
	s1 =	sshll.u32 s1, $0x11  }
0xbc: {  	s0 =	sor.u32 s1, s0  }
0xbd: {  	s0 =	sadd.s32 $0x8F2B, s0  }
0xbe: {  	[sflag:s0] =	ssyncadd.remote.s32 $0x1  }
0xbf: {  	_ =	sfence.sel $0xFFFF  }
0xc0: {  	[dreg:$0x0] =	wrdreg $0xFFFFFFFF;
	(pc) =	sbr.abs _section_cstart, $3  }
0xc1: {  	[dreg:$0x1] =	wrdreg $0xFFFFFFFF  }
0xc2: {  	_ =	task.clear_ibuf [dreg:s7], $0x2FFFF;
	_ =	strace $0x9FFFFFFF  }
0xc3: {  	(tm) =	ssettm $0x7FFFFFFF  }
tec
execute0_lowered:
.L_overlay_start_1:
0x0: {  	(tag) =	ssettag $0x1  }
0x1: {  	s0 =	rddreg [dreg:$0x0]  }
0x2: {  	s3 =	rddreg [dreg:$0x1]  }
0x3: {  	s4 =	stileid.u32;
	s2 =	srdreg.scid  }
0x4: {  	s1 =	rddreg [dreg:$0x2];
	s28 =	simm.s32 $0x3;
	s5 =	smul.u32 $0x2700, s4  }
0x5: {  	s29 =	simm.s32 $0x2;
	s30 =	simm.s32 $0x4;
	s8 =	smul.u32 $0x14000, s4  }
0x6: {  	s31 =	simm.s32 $0x0;
	s6 =	sand.u32 $0x1, s2;
	s11 =	smul.u32 $0x4E000, s4  }
0x7: {  	s2 =	simm.s32 $0x0;
	s15 =	sadd.s32 $0x86000, s0;
	s19 =	smul.u32 $0x50000, s4  }
0x8: {  	s18 =	sshll.u32 s4, $0x6;
	s20 =	sadd.s32 $0x138000, s1;
	s22 =	smul.u32 $0x140000, s4  }
0x9: {  	p0 =	sne.s32 s4, $0x0;
	s7 =	smul.u32 $0x140000, s6;
	[smem:$0x7FF] =	sst s2  }
0xa: {  	s9 =	sshll.u32 s6, $0x4;
	s10 =	ssub.s32 $0x2, s6;
	s6 =	smul.u32 $0x1400000, s6  }
0xb: {  	s20 =	sshrl.u32 @!p0 s20, $0x3;
	_ =	strace $0x8000004D;
	s9 =	sor.u32 s4, s9  }
0xc: {  	s5 =	sadd.s32 s5, s0;
	s16 =	sshrl.u32 s10, $0x1;
	s17 =	sshrl.u32 s11, $0x2  }
0xd: {  	s21 =	sshrl.u32 s19, $0x2;
	s19 =	simm.s32 $0x6;
	s7 =	sadd.s32 s8, s7  }
0xe: {  	s14 =	smul.u32 $0x500, s9;
	s10 =	ssub.s32 s10, s16;
	s5 =	sadd.s32 $0x5EE00, s5  }
0xf: {  	s9 =	smul.u32 $0x28000, s9;
	s7 =	sshrl.u32 s7, $0x3;
	[dreg:$0x5] =	wrdreg s5  }
0x10: {  	s5 =	sor.u32 $0x1C06, s18;
	s25 =	smax.u32 s10, $0x1;
	s12 =	sadd.s32 s7, s0  }
0x11: {  	s3 =	sadd.s32 s3, s14;
	s0 =	sadd.s32 $0x85E00, s0;
	[dreg:$0x9] =	wrdreg s25  }
0x12: {  	s7 =	sadd.s32 s21, s1;
	s23 =	sadd.s32 s15, s9;
	[dreg:$0x4] =	wrdreg s3  }
0x13: {  	s21 =	simm.s32 $0x5;
	s25 =	simm.s32 $0x6C00;
	[dreg:$0x6] =	wrdreg s0  }
0x14: {  	s3 =	sadd.s32 s17, s1;
	[dreg:$0x7] =	wrdreg s23;
	s24 =	sadd.s32 $0x586000, s12  }
0x15: {  	s11 =	sadd.s32 $0x4000, s7;
	s12 =	sadd.s32 $0x8000, s7;
	s0 =	sadd.s32 s22, s6  }
0x16: {  	s13 =	sadd.s32 $0xC000, s7;
	s14 =	sadd.s32 $0x10000, s7;
	s22 =	simm.s32 $0x80  }
0x17: {  	[dreg:$0x8] =	wrdreg s24;
	s6 =	sor.u32 $0x4000, s0;
	s26 =	sshrl.u32 s0, $0x3  }
0x18: {  	s0 =	sor.u32 $0x8000, s0;
	s18 =	sshrl.u32 s3, $0x3;
	s24 =	simm.s32 $0x2C00  }
0x19: {  	s6 =	sshrl.u32 s6, $0x3;
	s16 =	sadd.s32 s26, s15;
	s0 =	sshrl.u32 s0, $0x3  }
0x1a: {  	v0 =	vimm.f32 $0.0e+00;
	s26 =	simm.s32 $0x1;
	s6 =	sadd.s32 s6, s15;
	s17 =	sadd.s32 s0, s15  }
.LBB2_1:
0x1b: {  	s0 =	rddreg [dreg:$0x4]  }
0x1c: {  	s9 =	rddreg [dreg:$0x5]  }
0x1d: {  	[tilespmem:s2], [sflag:$0x5] =	stream.linear.gather [hbm4b:s0+s2], $0x2800, $0x38;
	[tilespmem:$0x1EC00] =	vst v63  }
0x1e: {  	[spmem:s18], [sflag:s5] =	dma.local [hbm:s9], $0x2700  }
0x1f: {  	_ =	swait.ge [sflag:s19], $0x2700  }
0x20: {  	[sflag:s19] =	ssyncset.done $0x0  }
0x21: {  	s0 =	rddreg [dreg:$0x6];
	[sflag:s19] =	ssyncadd.s32 $0xFFFFD900  }
0x22: {  	[spmem:s20], [sflag:s5] =	dma.local @!p0 [hbm:s0], $0x100  }
0x23: {  	s0 =	simm.s32 @!p0 $0x6  }
0x24: {  	_ =	swait.ge @!p0 [sflag:s0], $0x100  }
0x25: {  	[sflag:s0] =	ssyncset.done @!p0 $0x0  }
0x26: {  	[sflag:s0] =	ssyncadd.s32 @!p0 $0xFFFFFF00  }
0x27: {  	_ =	swait.ge [sflag:s21], $0x2800  }
0x28: {  	[sflag:s21] =	ssyncset.done $0x0  }
0x29: {  	[sflag:s21] =	ssyncadd.s32 $0xFFFFD800  }
0x2a: {  	[bflag:$0x0] =	sbarrier.arrive $0xFFFF  }
0x2b: {  	v1 =	vld [tilespmem:$0x0]  }
0x2c: {  	v2 =	vld [tilespmem:$0x10]  }
0x2d: {  	v3 =	vld [tilespmem:$0x20]  }
0x2e: {  	v4 =	vld [tilespmem:$0x30]  }
0x2f: {  	v5 =	vld [tilespmem:$0x40]  }
0x30: {  	v6 =	vld [tilespmem:$0x50];
	v1 =	vand.u32 $0xFFFF, v1  }
0x31: {  	[tilespmem:$0x2800] =	vst v1;
	v1 =	vand.u32 $0xFFFF, v2;
	v2 =	vld [tilespmem:$0x60]  }
0x32: {  	[tilespmem:$0x2810] =	vst v1;
	v1 =	vand.u32 $0xFFFF, v3;
	v3 =	vld [tilespmem:$0x70]  }
0x33: {  	[tilespmem:$0x2820] =	vst v1;
	v1 =	vand.u32 $0xFFFF, v4  }
0x34: {  	[tilespmem:$0x2830] =	vst v1;
	v1 =	vand.u32 $0xFFFF, v5  }
0x35: {  	[tilespmem:$0x2840] =	vst v1;
	v1 =	vand.u32 $0xFFFF, v6  }
0x36: {  	[tilespmem:$0x2850] =	vst v1;
	v1 =	vand.u32 $0xFFFF, v2  }
0x37: {  	p1 =	por $0x1, $0x1;
	[tilespmem:$0x2860] =	vst v1;
	v1 =	vand.u32 $0xFFFF, v3  }
0x38: {  	s10 =	simm.s32 $0x2800;
	s0 =	simm.s32 @!p1 $0x4;
	[tilespmem:$0x2870] =	vst v1  }
0x39: {  	[tilespmem:s24], [sflag:$0x1] =	stream.indirect.gather [spmem:s1], $0x80, s10, s22, $0xb8;
	[tilespmem:$0x1EC00] =	vst v63  }
0x3a: {  	_ =	swait.ge @!p1 [sflag:s0], $0x4000  }
0x3b: {  	[sflag:s0] =	ssyncset.done @!p1 $0x0  }
0x3c: {  	s15 =	simm.s32 $0x0;
	[sflag:s0] =	ssyncadd.s32 @!p1 $0xFFFFC000  }
0x3d: {  	v1 =	vld [tilespmem:s15+$0x80];
	_ =	sdelay $0x2  }
0x3e: {  	s3 =	simm.s32 $0x200  }
0x3f: {  	s3 =	sand.u32 $0x600, s3  }
0x40: {  	s3 =	sshrl.u32 s3, $0x2;
	v1 =	vand.u32 $0xFFFF, v1  }
0x41: {  	[tilespmem:s3+$0x2800] =	vst v1  }
0x42: {  	v1 =	vld [tilespmem:s15+$0x90];
	_ =	sdelay $0x4  }
0x43: {  	v1 =	vand.u32 $0xFFFF, v1  }
0x44: {  	[tilespmem:s3+$0x2810] =	vst v1  }
0x45: {  	v1 =	vld [tilespmem:s15+$0xA0];
	_ =	sdelay $0x4  }
0x46: {  	v1 =	vand.u32 $0xFFFF, v1  }
0x47: {  	[tilespmem:s3+$0x2820] =	vst v1  }
0x48: {  	v1 =	vld [tilespmem:s15+$0xB0];
	_ =	sdelay $0x4  }
0x49: {  	v1 =	vand.u32 $0xFFFF, v1  }
0x4a: {  	[tilespmem:s3+$0x2830] =	vst v1  }
0x4b: {  	v1 =	vld [tilespmem:s15+$0xC0];
	_ =	sdelay $0x4  }
0x4c: {  	v1 =	vand.u32 $0xFFFF, v1  }
0x4d: {  	[tilespmem:s3+$0x2840] =	vst v1  }
0x4e: {  	v1 =	vld [tilespmem:s15+$0xD0];
	_ =	sdelay $0x4  }
0x4f: {  	v1 =	vand.u32 $0xFFFF, v1  }
0x50: {  	[tilespmem:s3+$0x2850] =	vst v1  }
0x51: {  	v1 =	vld [tilespmem:s15+$0xE0];
	_ =	sdelay $0x4  }
0x52: {  	v1 =	vand.u32 $0xFFFF, v1  }
0x53: {  	[tilespmem:s3+$0x2860] =	vst v1  }
0x54: {  	v1 =	vld [tilespmem:s15+$0xF0];
	_ =	sdelay $0x4  }
0x55: {  	v1 =	vand.u32 $0xFFFF, v1  }
0x56: {  	s23 =	sor.u32 $0x2800, s3;
	[tilespmem:s3+$0x2870] =	vst v1  }
0x57: {  	[tilespmem:s25], [sflag:$0x2] =	stream.indirect.gather [spmem:s1], $0x80, s23, s22, $0xb8;
	[tilespmem:$0x1EC00] =	vst v63  }
0x58: {  	_ =	swait.ge [sflag:s26], $0x4000  }
0x59: {  	[sflag:s26] =	ssyncset.done $0x0  }
0x5a: {  	[sflag:s26] =	ssyncadd.s32 $0xFFFFC000  }
0x5b: {  	[hbm4b:s16+s2] =	stream.linear.scatter [tilespmem:s24], [sflag:$0x3], $0x4000, $0x38;
	[tilespmem:$0x1EC00] =	vst v63  }
0x5c: {  	_ =	swait.ge [sflag:s28], $0x4000  }
0x5d: {  	p1 =	por $0x0, $0x0;
	[sflag:s28] =	ssyncset.done $0x0  }
0x5e: {  	s0 =	simm.s32 @!p1 $0x0;
	[sflag:s28] =	ssyncadd.s32 $0xFFFFC000  }
0x5f: {  	v1 =	vld @!p1 [tilespmem:s0+$0x100];
	_ =	sdelay $0x2  }
0x60: {  	s3 =	sxor.u32 @!p1 $0xFFFFFFFF, s2  }
0x61: {  	s3 =	sand.u32 @!p1 $0x400, s3  }
0x62: {  	s3 =	sshrl.u32 @!p1 s3, $0x2;
	v1 =	vand.u32 @!p1 $0xFFFF, v1  }
0x63: {  	[tilespmem:s3+$0x2800] =	vst @!p1 v1  }
0x64: {  	v1 =	vld @!p1 [tilespmem:s0+$0x110];
	_ =	sdelay $0x4  }
0x65: {  	v1 =	vand.u32 @!p1 $0xFFFF, v1  }
0x66: {  	[tilespmem:s3+$0x2810] =	vst @!p1 v1  }
0x67: {  	v1 =	vld @!p1 [tilespmem:s0+$0x120];
	_ =	sdelay $0x4  }
0x68: {  	v1 =	vand.u32 @!p1 $0xFFFF, v1  }
0x69: {  	[tilespmem:s3+$0x2820] =	vst @!p1 v1  }
0x6a: {  	v1 =	vld @!p1 [tilespmem:s0+$0x130];
	_ =	sdelay $0x4  }
0x6b: {  	v1 =	vand.u32 @!p1 $0xFFFF, v1  }
0x6c: {  	[tilespmem:s3+$0x2830] =	vst @!p1 v1  }
0x6d: {  	v1 =	vld @!p1 [tilespmem:s0+$0x140];
	_ =	sdelay $0x4  }
0x6e: {  	v1 =	vand.u32 @!p1 $0xFFFF, v1  }
0x6f: {  	[tilespmem:s3+$0x2840] =	vst @!p1 v1  }
0x70: {  	v1 =	vld @!p1 [tilespmem:s0+$0x150];
	_ =	sdelay $0x4  }
0x71: {  	v1 =	vand.u32 @!p1 $0xFFFF, v1  }
0x72: {  	[tilespmem:s3+$0x2850] =	vst @!p1 v1  }
0x73: {  	v1 =	vld @!p1 [tilespmem:s0+$0x160];
	_ =	sdelay $0x4  }
0x74: {  	v1 =	vand.u32 @!p1 $0xFFFF, v1  }
0x75: {  	[tilespmem:s3+$0x2860] =	vst @!p1 v1  }
0x76: {  	v1 =	vld @!p1 [tilespmem:s0+$0x170];
	_ =	sdelay $0x4  }
0x77: {  	p2 =	por $0x0, $0x0;
	s4 =	simm.s32 @!p1 $0x2C00;
	v1 =	vand.u32 @!p1 $0xFFFF, v1  }
0x78: {  	s15 =	smov.u32 s6;
	s0 =	sor.u32 @!p1 $0x2800, s3;
	[tilespmem:s3+$0x2870] =	vst @!p1 v1;
	s3 =	simm.s32 @!p1 $0x80  }
0x79: {  	[tilespmem:s4], [sflag:$0x1] =	stream.indirect.gather @!p1 [spmem:s1], $0x80, s0, s3, $0xb8;
	[tilespmem:$0x1EC00] =	vst v63  }
0x7a: {  	s23 =	simm.s32 $0x400;
	s4 =	simm.s32 $0x800;
	_ =	swait.ge [sflag:s29], $0x4000  }
0x7b: {  	s3 =	sadd.s32 $0x1000, s16;
	s0 =	sadd.s32 $0x1000, s6;
	[sflag:s29] =	ssyncset.done $0x0  }
.LBB2_2:
0x7c: {  	s9 =	simm.s32 @!p2 $0x4  }
0x7d: {  	[sflag:s29] =	ssyncadd.s32 $0xFFFFC000;
	s8 =	smov.u32 s4;
	s4 =	sadd.s32 $0x400, s4  }
0x7e: {  	[hbm4b:s15+s2] =	stream.linear.scatter [tilespmem:s25], [sflag:$0x4], $0x4000, $0x38;
	[tilespmem:$0x1EC00] =	vst v63  }
0x7f: {  	p1 =	sne.s32 s4, $0xA000;
	s15 =	smov.u32 s0;
	_ =	swait.ge @!p2 [sflag:s9], $0x4000  }
0x80: {  	[sflag:s9] =	ssyncset.done @!p2 $0x0  }
0x81: {  	[sflag:s9] =	ssyncadd.s32 @!p2 $0xFFFFC000;
	s9 =	sshra.s32 s23, $0x2  }
0x82: {  	v1 =	vld [tilespmem:s9+$0x80];
	_ =	sdelay $0x2  }
0x83: {  	s10 =	sadd.s32 $0x200, s23  }
0x84: {  	s10 =	sand.u32 $0x600, s10  }
0x85: {  	s10 =	sshrl.u32 s10, $0x2;
	v1 =	vand.u32 $0xFFFF, v1  }
0x86: {  	[tilespmem:s10+$0x2800] =	vst v1  }
0x87: {  	v1 =	vld [tilespmem:s9+$0x90];
	_ =	sdelay $0x4  }
0x88: {  	v1 =	vand.u32 $0xFFFF, v1  }
0x89: {  	[tilespmem:s10+$0x2810] =	vst v1  }
0x8a: {  	v1 =	vld [tilespmem:s9+$0xA0];
	_ =	sdelay $0x4  }
0x8b: {  	v1 =	vand.u32 $0xFFFF, v1  }
0x8c: {  	[tilespmem:s10+$0x2820] =	vst v1  }
0x8d: {  	v1 =	vld [tilespmem:s9+$0xB0];
	_ =	sdelay $0x4  }
0x8e: {  	v1 =	vand.u32 $0xFFFF, v1  }
0x8f: {  	[tilespmem:s10+$0x2830] =	vst v1  }
0x90: {  	v1 =	vld [tilespmem:s9+$0xC0];
	_ =	sdelay $0x4  }
0x91: {  	v1 =	vand.u32 $0xFFFF, v1  }
0x92: {  	[tilespmem:s10+$0x2840] =	vst v1  }
0x93: {  	v1 =	vld [tilespmem:s9+$0xD0];
	_ =	sdelay $0x4  }
0x94: {  	v1 =	vand.u32 $0xFFFF, v1  }
0x95: {  	[tilespmem:s10+$0x2850] =	vst v1  }
0x96: {  	v1 =	vld [tilespmem:s9+$0xE0];
	_ =	sdelay $0x4  }
0x97: {  	v1 =	vand.u32 $0xFFFF, v1  }
0x98: {  	[tilespmem:s10+$0x2860] =	vst v1  }
0x99: {  	v1 =	vld [tilespmem:s9+$0xF0];
	_ =	sdelay $0x4  }
0x9a: {  	v1 =	vand.u32 $0xFFFF, v1  }
0x9b: {  	s9 =	sor.u32 $0x2800, s10;
	[tilespmem:s10+$0x2870] =	vst v1  }
0x9c: {  	[tilespmem:s25], [sflag:$0x2] =	stream.indirect.gather [spmem:s1], $0x80, s9, s22, $0xb8;
	[tilespmem:$0x1EC00] =	vst v63  }
0x9d: {  	_ =	swait.ge [sflag:s26], $0x4000  }
0x9e: {  	[sflag:s26] =	ssyncset.done $0x0  }
0x9f: {  	[sflag:s26] =	ssyncadd.s32 $0xFFFFC000  }
0xa0: {  	[hbm4b:s3+s2] =	stream.linear.scatter [tilespmem:s24], [sflag:$0x3], $0x4000, $0x38;
	[tilespmem:$0x1EC00] =	vst v63  }
0xa1: {  	_ =	swait.ge [sflag:s28], $0x4000  }
0xa2: {  	p2 =	seq.s32 s23, $0x9C00;
	[sflag:s28] =	ssyncset.done $0x0  }
0xa3: {  	s10 =	sxor.u32 @!p2 $0xFFFFFFFF, s23;
	s9 =	sshra.s32 @!p2 s23, $0x2;
	[sflag:s28] =	ssyncadd.s32 $0xFFFFC000  }
0xa4: {  	s10 =	sand.u32 @!p2 $0x400, s10;
	s23 =	smov.u32 s8;
	v1 =	vld @!p2 [tilespmem:s9+$0x100];
	_ =	sdelay $0x4  }
0xa5: {  	s10 =	sshrl.u32 @!p2 s10, $0x2;
	v1 =	vand.u32 @!p2 $0xFFFF, v1  }
0xa6: {  	s8 =	sor.u32 @!p2 $0x2800, s10;
	[tilespmem:s10+$0x2800] =	vst @!p2 v1  }
0xa7: {  	v1 =	vld @!p2 [tilespmem:s9+$0x110];
	_ =	sdelay $0x4  }
0xa8: {  	v1 =	vand.u32 @!p2 $0xFFFF, v1  }
0xa9: {  	[tilespmem:s10+$0x2810] =	vst @!p2 v1  }
0xaa: {  	v1 =	vld @!p2 [tilespmem:s9+$0x120];
	_ =	sdelay $0x4  }
0xab: {  	v1 =	vand.u32 @!p2 $0xFFFF, v1  }
0xac: {  	[tilespmem:s10+$0x2820] =	vst @!p2 v1  }
0xad: {  	v1 =	vld @!p2 [tilespmem:s9+$0x130];
	_ =	sdelay $0x4  }
0xae: {  	v1 =	vand.u32 @!p2 $0xFFFF, v1  }
0xaf: {  	[tilespmem:s10+$0x2830] =	vst @!p2 v1  }
0xb0: {  	v1 =	vld @!p2 [tilespmem:s9+$0x140];
	_ =	sdelay $0x4  }
0xb1: {  	v1 =	vand.u32 @!p2 $0xFFFF, v1  }
0xb2: {  	[tilespmem:s10+$0x2840] =	vst @!p2 v1  }
0xb3: {  	v1 =	vld @!p2 [tilespmem:s9+$0x150];
	_ =	sdelay $0x4  }
0xb4: {  	v1 =	vand.u32 @!p2 $0xFFFF, v1  }
0xb5: {  	[tilespmem:s10+$0x2850] =	vst @!p2 v1  }
0xb6: {  	v1 =	vld @!p2 [tilespmem:s9+$0x160];
	_ =	sdelay $0x4  }
0xb7: {  	v1 =	vand.u32 @!p2 $0xFFFF, v1  }
0xb8: {  	[tilespmem:s10+$0x2860] =	vst @!p2 v1  }
0xb9: {  	v1 =	vld @!p2 [tilespmem:s9+$0x170];
	_ =	sdelay $0x4  }
.Ltmp0:
0xba: {  	v1 =	vand.u32 @!p2 $0xFFFF, v1;
	(pc) =	sbr.rel @p1 .LBB2_2-.Ltmp0, $4  }
0xbb: {  	s9 =	simm.s32 @!p2 $0x80;
	[tilespmem:s10+$0x2870] =	vst @!p2 v1;
	s10 =	simm.s32 @!p2 $0x2C00  }
0xbc: {  	[tilespmem:s10], [sflag:$0x1] =	stream.indirect.gather @!p2 [spmem:s1], $0x80, s8, s9, $0xb8;
	[tilespmem:$0x1EC00] =	vst v63  }
0xbd: {  	s3 =	sadd.s32 $0x1000, s3;
	_ =	swait.ge [sflag:s29], $0x4000  }
0xbe: {  	s0 =	sadd.s32 $0x1000, s0;
	p2 =	seq.s32 s23, $0x0;
	[sflag:s29] =	ssyncset.done $0x0  }
0xbf: {  	s4 =	simm.s32 @!p2 $0x4;
	[sflag:s29] =	ssyncadd.s32 $0xFFFFC000  }
0xc0: {  	[hbm4b:s15+s2] =	stream.linear.scatter [tilespmem:s25], [sflag:$0x4], $0x4000, $0x38;
	[tilespmem:$0x1EC00] =	vst v63  }
0xc1: {  	_ =	swait.ge @!p2 [sflag:s4], $0x4000  }
0xc2: {  	[sflag:s4] =	ssyncset.done @!p2 $0x0  }
0xc3: {  	s10 =	sshra.s32 s23, $0x2;
	[sflag:s4] =	ssyncadd.s32 @!p2 $0xFFFFC000  }
0xc4: {  	v1 =	vld [tilespmem:s10+$0x80];
	_ =	sdelay $0x2  }
0xc5: {  	s8 =	sadd.s32 $0x200, s23  }
0xc6: {  	s8 =	sand.u32 $0x600, s8  }
0xc7: {  	s8 =	sshrl.u32 s8, $0x2;
	v1 =	vand.u32 $0xFFFF, v1  }
0xc8: {  	[tilespmem:s8+$0x2800] =	vst v1  }
0xc9: {  	v1 =	vld [tilespmem:s10+$0x90];
	_ =	sdelay $0x4  }
0xca: {  	v1 =	vand.u32 $0xFFFF, v1  }
0xcb: {  	[tilespmem:s8+$0x2810] =	vst v1  }
0xcc: {  	v1 =	vld [tilespmem:s10+$0xA0];
	_ =	sdelay $0x4  }
0xcd: {  	v1 =	vand.u32 $0xFFFF, v1  }
0xce: {  	[tilespmem:s8+$0x2820] =	vst v1  }
0xcf: {  	v1 =	vld [tilespmem:s10+$0xB0];
	_ =	sdelay $0x4  }
0xd0: {  	v1 =	vand.u32 $0xFFFF, v1  }
0xd1: {  	[tilespmem:s8+$0x2830] =	vst v1  }
0xd2: {  	v1 =	vld [tilespmem:s10+$0xC0];
	_ =	sdelay $0x4  }
0xd3: {  	v1 =	vand.u32 $0xFFFF, v1  }
0xd4: {  	[tilespmem:s8+$0x2840] =	vst v1  }
0xd5: {  	v1 =	vld [tilespmem:s10+$0xD0];
	_ =	sdelay $0x4  }
0xd6: {  	v1 =	vand.u32 $0xFFFF, v1  }
0xd7: {  	[tilespmem:s8+$0x2850] =	vst v1  }
0xd8: {  	v1 =	vld [tilespmem:s10+$0xE0];
	_ =	sdelay $0x4  }
0xd9: {  	v1 =	vand.u32 $0xFFFF, v1  }
0xda: {  	[tilespmem:s8+$0x2860] =	vst v1  }
0xdb: {  	v1 =	vld [tilespmem:s10+$0xF0];
	_ =	sdelay $0x4  }
0xdc: {  	v1 =	vand.u32 $0xFFFF, v1  }
0xdd: {  	s15 =	sor.u32 $0x2800, s8;
	[tilespmem:s8+$0x2870] =	vst v1  }
0xde: {  	[tilespmem:s25], [sflag:$0x2] =	stream.indirect.gather [spmem:s1], $0x80, s15, s22, $0xb8;
	[tilespmem:$0x1EC00] =	vst v63  }
0xdf: {  	_ =	swait.ge [sflag:s26], $0x4000  }
0xe0: {  	[sflag:s26] =	ssyncset.done $0x0  }
0xe1: {  	[sflag:s26] =	ssyncadd.s32 $0xFFFFC000  }
0xe2: {  	[hbm4b:s3+s2] =	stream.linear.scatter [tilespmem:s24], [sflag:$0x3], $0x4000, $0x38;
	[tilespmem:$0x1EC00] =	vst v63  }
0xe3: {  	_ =	swait.ge [sflag:s28], $0x4000  }
0xe4: {  	p1 =	seq.s32 s23, $0x9C00;
	[sflag:s28] =	ssyncset.done $0x0  }
0xe5: {  	s3 =	sshra.s32 @!p1 s23, $0x2;
	[sflag:s28] =	ssyncadd.s32 $0xFFFFC000  }
0xe6: {  	v1 =	vld @!p1 [tilespmem:s3+$0x100];
	_ =	sdelay $0x2  }
0xe7: {  	s4 =	sxor.u32 @!p1 $0xFFFFFFFF, s23  }
0xe8: {  	s4 =	sand.u32 @!p1 $0x400, s4  }
0xe9: {  	s4 =	sshrl.u32 @!p1 s4, $0x2;
	v1 =	vand.u32 @!p1 $0xFFFF, v1  }
0xea: {  	[tilespmem:s4+$0x2800] =	vst @!p1 v1  }
0xeb: {  	v1 =	vld @!p1 [tilespmem:s3+$0x110];
	_ =	sdelay $0x4  }
0xec: {  	v1 =	vand.u32 @!p1 $0xFFFF, v1  }
0xed: {  	[tilespmem:s4+$0x2810] =	vst @!p1 v1  }
0xee: {  	v1 =	vld @!p1 [tilespmem:s3+$0x120];
	_ =	sdelay $0x4  }
0xef: {  	v1 =	vand.u32 @!p1 $0xFFFF, v1  }
0xf0: {  	[tilespmem:s4+$0x2820] =	vst @!p1 v1  }
0xf1: {  	v1 =	vld @!p1 [tilespmem:s3+$0x130];
	_ =	sdelay $0x4  }
0xf2: {  	v1 =	vand.u32 @!p1 $0xFFFF, v1  }
0xf3: {  	[tilespmem:s4+$0x2830] =	vst @!p1 v1  }
0xf4: {  	v1 =	vld @!p1 [tilespmem:s3+$0x140];
	_ =	sdelay $0x4  }
0xf5: {  	v1 =	vand.u32 @!p1 $0xFFFF, v1  }
0xf6: {  	[tilespmem:s4+$0x2840] =	vst @!p1 v1  }
0xf7: {  	v1 =	vld @!p1 [tilespmem:s3+$0x150];
	_ =	sdelay $0x4  }
0xf8: {  	v1 =	vand.u32 @!p1 $0xFFFF, v1  }
0xf9: {  	[tilespmem:s4+$0x2850] =	vst @!p1 v1  }
0xfa: {  	v1 =	vld @!p1 [tilespmem:s3+$0x160];
	_ =	sdelay $0x4  }
0xfb: {  	v1 =	vand.u32 @!p1 $0xFFFF, v1  }
0xfc: {  	[tilespmem:s4+$0x2860] =	vst @!p1 v1  }
0xfd: {  	v1 =	vld @!p1 [tilespmem:s3+$0x170];
	_ =	sdelay $0x4  }
0xfe: {  	v1 =	vand.u32 @!p1 $0xFFFF, v1  }
0xff: {  	s8 =	simm.s32 @!p1 $0x2C00;
	s3 =	sor.u32 @!p1 $0x2800, s4;
	[tilespmem:s4+$0x2870] =	vst @!p1 v1;
	s4 =	simm.s32 @!p1 $0x80  }
0x100: {  	[tilespmem:s8], [sflag:$0x1] =	stream.indirect.gather @!p1 [spmem:s1], $0x80, s3, s4, $0xb8;
	[tilespmem:$0x1EC00] =	vst v63  }
0x101: {  	_ =	swait.ge [sflag:s29], $0x4000  }
0x102: {  	[sflag:s29] =	ssyncset.done $0x0  }
0x103: {  	[sflag:s29] =	ssyncadd.s32 $0xFFFFC000  }
0x104: {  	[hbm4b:s0+s2] =	stream.linear.scatter [tilespmem:s25], [sflag:$0x4], $0x4000, $0x38;
	[tilespmem:$0x1EC00] =	vst v63  }
0x105: {  	_ =	swait.ge [sflag:s30], $0x4000  }
0x106: {  	[sflag:s30] =	ssyncset.done $0x0  }
0x107: {  	[sflag:s30] =	ssyncadd.s32 $0xFFFFC000  }
0x108: {  	s3 =	simm.s32 $0x200;
	s0 =	simm.s32 $0x0;
	[bflag:$0x0] =	sbarrier.arrive $0xFFFF  }
.LBB2_4:
0x109: {  	p1 =	sne.s32 s3, $0xFE00;
	[tilespmem:s0+$0x2C70] =	vst v0  }
0x10a: {  	[tilespmem:s0+$0x2C00] =	vst v0  }
0x10b: {  	[tilespmem:s0+$0x2C10] =	vst v0  }
.Ltmp1:
0x10c: {  	[tilespmem:s0+$0x2C20] =	vst v0;
	(pc) =	sbr.rel @p1 .LBB2_4-.Ltmp1, $4  }
0x10d: {  	[tilespmem:s0+$0x2C30] =	vst v0  }
0x10e: {  	[tilespmem:s0+$0x2C40] =	vst v0  }
0x10f: {  	[tilespmem:s0+$0x2C50] =	vst v0  }
0x110: {  	[tilespmem:s0+$0x2C60] =	vst v0;
	s0 =	sshra.s32 s3, $0x2;
	s3 =	sadd.s32 $0x200, s3  }
0x111: {  	[tilespmem:s0+$0x2C70] =	vst v0  }
0x112: {  	[tilespmem:s0+$0x2C00] =	vst v0  }
0x113: {  	[tilespmem:s0+$0x2C10] =	vst v0  }
0x114: {  	[tilespmem:s0+$0x2C20] =	vst v0  }
0x115: {  	[tilespmem:s0+$0x2C30] =	vst v0  }
0x116: {  	[tilespmem:s0+$0x2C40] =	vst v0  }
0x117: {  	[tilespmem:s0+$0x2C50] =	vst v0  }
0x118: {  	[tilespmem:s0+$0x2C60] =	vst v0  }
0x119: {  	[spmem:s7] =	stream.linear.scatter [tilespmem:s24], [sflag:$0x6], $0x4000, $0x38;
	[tilespmem:$0x1EC00] =	vst v63  }
0x11a: {  	_ =	swait.ge [sflag:s19], $0x4000  }
0x11b: {  	[sflag:s19] =	ssyncset.done $0x0  }
0x11c: {  	[sflag:s19] =	ssyncadd.s32 $0xFFFFC000  }
0x11d: {  	[spmem:s11] =	stream.linear.scatter [tilespmem:s24], [sflag:$0x6], $0x4000, $0x38;
	[tilespmem:$0x1EC00] =	vst v63  }
0x11e: {  	_ =	swait.ge [sflag:s19], $0x4000  }
0x11f: {  	[sflag:s19] =	ssyncset.done $0x0  }
0x120: {  	[sflag:s19] =	ssyncadd.s32 $0xFFFFC000  }
0x121: {  	[spmem:s12] =	stream.linear.scatter [tilespmem:s24], [sflag:$0x6], $0x4000, $0x38;
	[tilespmem:$0x1EC00] =	vst v63  }
0x122: {  	_ =	swait.ge [sflag:s19], $0x4000  }
0x123: {  	[sflag:s19] =	ssyncset.done $0x0  }
0x124: {  	[sflag:s19] =	ssyncadd.s32 $0xFFFFC000  }
0x125: {  	[spmem:s13] =	stream.linear.scatter [tilespmem:s24], [sflag:$0x6], $0x4000, $0x38;
	[tilespmem:$0x1EC00] =	vst v63  }
0x126: {  	_ =	swait.ge [sflag:s19], $0x4000  }
0x127: {  	[sflag:s19] =	ssyncset.done $0x0  }
0x128: {  	[sflag:s19] =	ssyncadd.s32 $0xFFFFC000  }
0x129: {  	[spmem:s14] =	stream.linear.scatter [tilespmem:s24], [sflag:$0x6], $0x4000, $0x38;
	[tilespmem:$0x1EC00] =	vst v63  }
0x12a: {  	_ =	swait.ge [sflag:s19], $0x4000  }
0x12b: {  	[sflag:s19] =	ssyncset.done $0x0  }
0x12c: {  	[sflag:s19] =	ssyncadd.s32 $0xFFFFC000  }
0x12d: {  	[bflag:$0x0] =	sbarrier.arrive $0xFFFF  }
0x12e: {  	v1 =	vld [tilespmem:$0x0]  }
0x12f: {  	v2 =	vld [tilespmem:$0x10]  }
0x130: {  	v3 =	vld [tilespmem:$0x20]  }
0x131: {  	v4 =	vld [tilespmem:$0x30]  }
0x132: {  	v5 =	vld [tilespmem:$0x40]  }
0x133: {  	v6 =	vld [tilespmem:$0x50];
	v1 =	vshrl.u32 v1, $0x10  }
0x134: {  	[tilespmem:$0x2A00] =	vst v1;
	v1 =	vshrl.u32 v2, $0x10;
	v2 =	vld [tilespmem:$0x60]  }
0x135: {  	[tilespmem:$0x2A10] =	vst v1;
	v1 =	vshrl.u32 v3, $0x10;
	v3 =	vld [tilespmem:$0x70]  }
0x136: {  	[tilespmem:$0x2A20] =	vst v1;
	v1 =	vshrl.u32 v4, $0x10  }
0x137: {  	[tilespmem:$0x2A30] =	vst v1;
	v1 =	vshrl.u32 v5, $0x10  }
0x138: {  	[tilespmem:$0x2A40] =	vst v1;
	v1 =	vshrl.u32 v6, $0x10  }
0x139: {  	[tilespmem:$0x2A50] =	vst v1;
	v1 =	vshrl.u32 v2, $0x10  }
0x13a: {  	[tilespmem:$0x2A60] =	vst v1;
	v1 =	vshrl.u32 v3, $0x10  }
0x13b: {  	s3 =	simm.s32 $0x0;
	s4 =	simm.s32 $0x0;
	s10 =	rddreg [dreg:$0x7];
	[tilespmem:$0x2A70] =	vst v1  }
0x13c: {  	[tilespmem:s24], [sflag:$0x1] =	stream.linear.gather [hbm4b:s10+s3], $0x4000, $0x38;
	[tilespmem:$0x1EC00] =	vst v63  }
0x13d: {  	v1 =	vld [tilespmem:s4+$0x80];
	_ =	sdelay $0x2  }
0x13e: {  	s15 =	simm.s32 $0x200  }
0x13f: {  	s0 =	sand.u32 $0x600, s15  }
0x140: {  	s0 =	sshrl.u32 s0, $0x2;
	v1 =	vshrl.u32 v1, $0x10  }
0x141: {  	[tilespmem:s0+$0x2A00] =	vst v1  }
0x142: {  	v1 =	vld [tilespmem:s4+$0x90];
	_ =	sdelay $0x4  }
0x143: {  	v1 =	vshrl.u32 v1, $0x10  }
0x144: {  	[tilespmem:s0+$0x2A10] =	vst v1  }
0x145: {  	v1 =	vld [tilespmem:s4+$0xA0];
	_ =	sdelay $0x4  }
0x146: {  	v1 =	vshrl.u32 v1, $0x10  }
0x147: {  	[tilespmem:s0+$0x2A20] =	vst v1  }
0x148: {  	v1 =	vld [tilespmem:s4+$0xB0];
	_ =	sdelay $0x4  }
0x149: {  	v1 =	vshrl.u32 v1, $0x10  }
0x14a: {  	[tilespmem:s0+$0x2A30] =	vst v1  }
0x14b: {  	v1 =	vld [tilespmem:s4+$0xC0];
	_ =	sdelay $0x4  }
0x14c: {  	v1 =	vshrl.u32 v1, $0x10  }
0x14d: {  	[tilespmem:s0+$0x2A40] =	vst v1  }
0x14e: {  	v1 =	vld [tilespmem:s4+$0xD0];
	_ =	sdelay $0x4  }
0x14f: {  	v1 =	vshrl.u32 v1, $0x10  }
0x150: {  	[tilespmem:s0+$0x2A50] =	vst v1  }
0x151: {  	v1 =	vld [tilespmem:s4+$0xE0];
	_ =	sdelay $0x4  }
0x152: {  	v1 =	vshrl.u32 v1, $0x10  }
0x153: {  	[tilespmem:s0+$0x2A60] =	vst v1  }
0x154: {  	v1 =	vld [tilespmem:s4+$0xF0];
	_ =	sdelay $0x4  }
0x155: {  	v1 =	vshrl.u32 v1, $0x10  }
0x156: {  	[tilespmem:s0+$0x2A70] =	vst v1  }
0x157: {  	[tilespmem:s25], [sflag:$0x2] =	stream.linear.gather [hbm4b:s6+s2], $0x4000, $0x38;
	[tilespmem:$0x1EC00] =	vst v63  }
0x158: {  	s23 =	sand.u32 $0x400, s3;
	_ =	swait.ge [sflag:s26], $0x4000  }
0x159: {  	s4 =	sshrl.u32 s23, $0x2;
	[sflag:s26] =	ssyncset.done $0x0  }
0x15a: {  	s4 =	sor.u32 $0x2A00, s4;
	[sflag:s26] =	ssyncadd.s32 $0xFFFFC000  }
0x15b: {  	[spmem:s1] =	stream.indirect.scatter.add.f32 [tilespmem:s24], [sflag:$0x6], $0x80, s4, s22, $0xb8;
	[tilespmem:$0x1EC00] =	vst v63  }
0x15c: {  	_ =	swait.ge [sflag:s19], $0x4000  }
0x15d: {  	p1 =	por $0x0, $0x0;
	[sflag:s19] =	ssyncset.done $0x0  }
0x15e: {  	s4 =	simm.s32 @!p1 $0x0;
	[sflag:s19] =	ssyncadd.s32 $0xFFFFC000  }
0x15f: {  	v1 =	vld @!p1 [tilespmem:s4+$0x100];
	_ =	sdelay $0x2  }
0x160: {  	s3 =	sxor.u32 @!p1 $0xFFFFFFFF, s3  }
0x161: {  	s3 =	sand.u32 @!p1 $0x400, s3  }
0x162: {  	s3 =	sshrl.u32 @!p1 s3, $0x2;
	v1 =	vshrl.u32 @!p1 v1, $0x10  }
0x163: {  	[tilespmem:s3+$0x2A00] =	vst @!p1 v1  }
0x164: {  	v1 =	vld @!p1 [tilespmem:s4+$0x110];
	_ =	sdelay $0x4  }
0x165: {  	v1 =	vshrl.u32 @!p1 v1, $0x10  }
0x166: {  	[tilespmem:s3+$0x2A10] =	vst @!p1 v1  }
0x167: {  	v1 =	vld @!p1 [tilespmem:s4+$0x120];
	_ =	sdelay $0x4  }
0x168: {  	v1 =	vshrl.u32 @!p1 v1, $0x10  }
0x169: {  	[tilespmem:s3+$0x2A20] =	vst @!p1 v1  }
0x16a: {  	v1 =	vld @!p1 [tilespmem:s4+$0x130];
	_ =	sdelay $0x4  }
0x16b: {  	v1 =	vshrl.u32 @!p1 v1, $0x10  }
0x16c: {  	[tilespmem:s3+$0x2A30] =	vst @!p1 v1  }
0x16d: {  	v1 =	vld @!p1 [tilespmem:s4+$0x140];
	_ =	sdelay $0x4  }
0x16e: {  	v1 =	vshrl.u32 @!p1 v1, $0x10  }
0x16f: {  	[tilespmem:s3+$0x2A40] =	vst @!p1 v1  }
0x170: {  	v1 =	vld @!p1 [tilespmem:s4+$0x150];
	_ =	sdelay $0x4  }
0x171: {  	v1 =	vshrl.u32 @!p1 v1, $0x10  }
0x172: {  	[tilespmem:s3+$0x2A50] =	vst @!p1 v1  }
0x173: {  	v1 =	vld @!p1 [tilespmem:s4+$0x160];
	_ =	sdelay $0x4  }
0x174: {  	v1 =	vshrl.u32 @!p1 v1, $0x10  }
0x175: {  	[tilespmem:s3+$0x2A60] =	vst @!p1 v1  }
0x176: {  	v1 =	vld @!p1 [tilespmem:s4+$0x170];
	_ =	sdelay $0x4  }
0x177: {  	v1 =	vshrl.u32 @!p1 v1, $0x10  }
0x178: {  	s4 =	simm.s32 @!p1 $0x2C00;
	[tilespmem:s3+$0x2A70] =	vst @!p1 v1;
	s3 =	simm.s32 @!p1 $0x0  }
0x179: {  	[tilespmem:s4], [sflag:$0x1] =	stream.linear.gather @!p1 [hbm4b:s17+s3], $0x4000, $0x38;
	[tilespmem:$0x1EC00] =	vst v63  }
0x17a: {  	_ =	swait.ge [sflag:s29], $0x4000  }
0x17b: {  	[sflag:s29] =	ssyncset.done $0x0  }
0x17c: {  	s0 =	sor.u32 $0x2A00, s0;
	[sflag:s29] =	ssyncadd.s32 $0xFFFFC000  }
0x17d: {  	[spmem:s1] =	stream.indirect.scatter.add.f32 [tilespmem:s25], [sflag:$0x6], $0x80, s0, s22, $0xb8;
	[tilespmem:$0x1EC00] =	vst v63  }
0x17e: {  	s23 =	simm.s32 $0x400;
	s4 =	simm.s32 $0x800;
	_ =	swait.ge [sflag:s19], $0x4000  }
0x17f: {  	s3 =	sadd.s32 $0x1000, s6;
	s0 =	sadd.s32 $0x1000, s17;
	[sflag:s19] =	ssyncset.done $0x0  }
.LBB2_6:
0x180: {  	s9 =	sshra.s32 s23, $0x2  }
0x181: {  	[sflag:s19] =	ssyncadd.s32 $0xFFFFC000;
	s8 =	smov.u32 s4;
	s4 =	sadd.s32 $0x400, s4  }
0x182: {  	p1 =	sne.s32 s4, $0xA000;
	v1 =	vld [tilespmem:s9+$0x80];
	_ =	sdelay $0x2  }
0x183: {  	s10 =	sadd.s32 $0x200, s23  }
0x184: {  	s10 =	sand.u32 $0x600, s10  }
0x185: {  	s15 =	sshrl.u32 s10, $0x2;
	v1 =	vshrl.u32 v1, $0x10  }
0x186: {  	[tilespmem:s15+$0x2A00] =	vst v1  }
0x187: {  	v1 =	vld [tilespmem:s9+$0x90];
	_ =	sdelay $0x4  }
0x188: {  	v1 =	vshrl.u32 v1, $0x10  }
0x189: {  	[tilespmem:s15+$0x2A10] =	vst v1  }
0x18a: {  	v1 =	vld [tilespmem:s9+$0xA0];
	_ =	sdelay $0x4  }
0x18b: {  	v1 =	vshrl.u32 v1, $0x10  }
0x18c: {  	[tilespmem:s15+$0x2A20] =	vst v1  }
0x18d: {  	v1 =	vld [tilespmem:s9+$0xB0];
	_ =	sdelay $0x4  }
0x18e: {  	v1 =	vshrl.u32 v1, $0x10  }
0x18f: {  	[tilespmem:s15+$0x2A30] =	vst v1  }
0x190: {  	v1 =	vld [tilespmem:s9+$0xC0];
	_ =	sdelay $0x4  }
0x191: {  	v1 =	vshrl.u32 v1, $0x10  }
0x192: {  	[tilespmem:s15+$0x2A40] =	vst v1  }
0x193: {  	v1 =	vld [tilespmem:s9+$0xD0];
	_ =	sdelay $0x4  }
0x194: {  	v1 =	vshrl.u32 v1, $0x10  }
0x195: {  	[tilespmem:s15+$0x2A50] =	vst v1  }
0x196: {  	v1 =	vld [tilespmem:s9+$0xE0];
	_ =	sdelay $0x4  }
0x197: {  	v1 =	vshrl.u32 v1, $0x10  }
0x198: {  	[tilespmem:s15+$0x2A60] =	vst v1  }
0x199: {  	v1 =	vld [tilespmem:s9+$0xF0];
	_ =	sdelay $0x4  }
0x19a: {  	v1 =	vshrl.u32 v1, $0x10  }
0x19b: {  	[tilespmem:s15+$0x2A70] =	vst v1  }
0x19c: {  	[tilespmem:s25], [sflag:$0x2] =	stream.linear.gather [hbm4b:s3+s2], $0x4000, $0x38;
	[tilespmem:$0x1EC00] =	vst v63  }
0x19d: {  	s9 =	sand.u32 $0x400, s23;
	_ =	swait.ge [sflag:s26], $0x4000  }
0x19e: {  	s9 =	sshrl.u32 s9, $0x2;
	[sflag:s26] =	ssyncset.done $0x0  }
0x19f: {  	s9 =	sor.u32 $0x2A00, s9;
	[sflag:s26] =	ssyncadd.s32 $0xFFFFC000  }
0x1a0: {  	[spmem:s1] =	stream.indirect.scatter.add.f32 [tilespmem:s24], [sflag:$0x6], $0x80, s9, s22, $0xb8;
	[tilespmem:$0x1EC00] =	vst v63  }
0x1a1: {  	_ =	swait.ge [sflag:s19], $0x4000  }
0x1a2: {  	p2 =	seq.s32 s23, $0x9C00;
	[sflag:s19] =	ssyncset.done $0x0  }
0x1a3: {  	s10 =	sxor.u32 @!p2 $0xFFFFFFFF, s23;
	s9 =	sshra.s32 @!p2 s23, $0x2;
	[sflag:s19] =	ssyncadd.s32 $0xFFFFC000  }
0x1a4: {  	s10 =	sand.u32 @!p2 $0x400, s10;
	s23 =	smov.u32 s8;
	v1 =	vld @!p2 [tilespmem:s9+$0x100];
	_ =	sdelay $0x4  }
0x1a5: {  	s8 =	sshrl.u32 @!p2 s10, $0x2;
	v1 =	vshrl.u32 @!p2 v1, $0x10  }
0x1a6: {  	[tilespmem:s8+$0x2A00] =	vst @!p2 v1  }
0x1a7: {  	v1 =	vld @!p2 [tilespmem:s9+$0x110];
	_ =	sdelay $0x4  }
0x1a8: {  	v1 =	vshrl.u32 @!p2 v1, $0x10  }
0x1a9: {  	[tilespmem:s8+$0x2A10] =	vst @!p2 v1  }
0x1aa: {  	v1 =	vld @!p2 [tilespmem:s9+$0x120];
	_ =	sdelay $0x4  }
0x1ab: {  	v1 =	vshrl.u32 @!p2 v1, $0x10  }
0x1ac: {  	[tilespmem:s8+$0x2A20] =	vst @!p2 v1  }
0x1ad: {  	v1 =	vld @!p2 [tilespmem:s9+$0x130];
	_ =	sdelay $0x4  }
0x1ae: {  	v1 =	vshrl.u32 @!p2 v1, $0x10  }
0x1af: {  	[tilespmem:s8+$0x2A30] =	vst @!p2 v1  }
0x1b0: {  	v1 =	vld @!p2 [tilespmem:s9+$0x140];
	_ =	sdelay $0x4  }
0x1b1: {  	v1 =	vshrl.u32 @!p2 v1, $0x10  }
0x1b2: {  	[tilespmem:s8+$0x2A40] =	vst @!p2 v1  }
0x1b3: {  	v1 =	vld @!p2 [tilespmem:s9+$0x150];
	_ =	sdelay $0x4  }
0x1b4: {  	v1 =	vshrl.u32 @!p2 v1, $0x10  }
0x1b5: {  	[tilespmem:s8+$0x2A50] =	vst @!p2 v1  }
0x1b6: {  	v1 =	vld @!p2 [tilespmem:s9+$0x160];
	_ =	sdelay $0x4  }
0x1b7: {  	v1 =	vshrl.u32 @!p2 v1, $0x10  }
0x1b8: {  	[tilespmem:s8+$0x2A60] =	vst @!p2 v1  }
0x1b9: {  	v1 =	vld @!p2 [tilespmem:s9+$0x170];
	_ =	sdelay $0x4  }
0x1ba: {  	v1 =	vshrl.u32 @!p2 v1, $0x10  }
0x1bb: {  	s9 =	simm.s32 @!p2 $0x2C00;
	[tilespmem:s8+$0x2A70] =	vst @!p2 v1;
	s8 =	simm.s32 @!p2 $0x0  }
0x1bc: {  	[tilespmem:s9], [sflag:$0x1] =	stream.linear.gather @!p2 [hbm4b:s0+s8], $0x4000, $0x38;
	[tilespmem:$0x1EC00] =	vst v63  }
0x1bd: {  	_ =	swait.ge [sflag:s29], $0x4000  }
.Ltmp2:
0x1be: {  	[sflag:s29] =	ssyncset.done $0x0;
	(pc) =	sbr.rel @p1 .LBB2_6-.Ltmp2, $4  }
0x1bf: {  	s8 =	sor.u32 $0x2A00, s15;
	[sflag:s29] =	ssyncadd.s32 $0xFFFFC000  }
0x1c0: {  	[spmem:s1] =	stream.indirect.scatter.add.f32 [tilespmem:s25], [sflag:$0x6], $0x80, s8, s22, $0xb8;
	[tilespmem:$0x1EC00] =	vst v63  }
0x1c1: {  	_ =	swait.ge [sflag:s19], $0x4000  }
0x1c2: {  	s3 =	sadd.s32 $0x1000, s3;
	s0 =	sadd.s32 $0x1000, s0;
	[sflag:s19] =	ssyncset.done $0x0  }
0x1c3: {  	s8 =	sshra.s32 s23, $0x2;
	[sflag:s19] =	ssyncadd.s32 $0xFFFFC000  }
0x1c4: {  	v1 =	vld [tilespmem:s8+$0x80];
	_ =	sdelay $0x2  }
0x1c5: {  	s4 =	sadd.s32 $0x200, s23  }
0x1c6: {  	s4 =	sand.u32 $0x600, s4  }
0x1c7: {  	s4 =	sshrl.u32 s4, $0x2;
	v1 =	vshrl.u32 v1, $0x10  }
0x1c8: {  	[tilespmem:s4+$0x2A00] =	vst v1  }
0x1c9: {  	v1 =	vld [tilespmem:s8+$0x90];
	_ =	sdelay $0x4  }
0x1ca: {  	v1 =	vshrl.u32 v1, $0x10  }
0x1cb: {  	[tilespmem:s4+$0x2A10] =	vst v1  }
0x1cc: {  	v1 =	vld [tilespmem:s8+$0xA0];
	_ =	sdelay $0x4  }
0x1cd: {  	v1 =	vshrl.u32 v1, $0x10  }
0x1ce: {  	[tilespmem:s4+$0x2A20] =	vst v1  }
0x1cf: {  	v1 =	vld [tilespmem:s8+$0xB0];
	_ =	sdelay $0x4  }
0x1d0: {  	v1 =	vshrl.u32 v1, $0x10  }
0x1d1: {  	[tilespmem:s4+$0x2A30] =	vst v1  }
0x1d2: {  	v1 =	vld [tilespmem:s8+$0xC0];
	_ =	sdelay $0x4  }
0x1d3: {  	v1 =	vshrl.u32 v1, $0x10  }
0x1d4: {  	[tilespmem:s4+$0x2A40] =	vst v1  }
0x1d5: {  	v1 =	vld [tilespmem:s8+$0xD0];
	_ =	sdelay $0x4  }
0x1d6: {  	v1 =	vshrl.u32 v1, $0x10  }
0x1d7: {  	[tilespmem:s4+$0x2A50] =	vst v1  }
0x1d8: {  	v1 =	vld [tilespmem:s8+$0xE0];
	_ =	sdelay $0x4  }
0x1d9: {  	v1 =	vshrl.u32 v1, $0x10  }
0x1da: {  	[tilespmem:s4+$0x2A60] =	vst v1  }
0x1db: {  	v1 =	vld [tilespmem:s8+$0xF0];
	_ =	sdelay $0x4  }
0x1dc: {  	v1 =	vshrl.u32 v1, $0x10  }
0x1dd: {  	[tilespmem:s4+$0x2A70] =	vst v1  }
0x1de: {  	[tilespmem:s25], [sflag:$0x2] =	stream.linear.gather [hbm4b:s3+s2], $0x4000, $0x38;
	[tilespmem:$0x1EC00] =	vst v63  }
0x1df: {  	s8 =	sand.u32 $0x400, s23;
	_ =	swait.ge [sflag:s26], $0x4000  }
0x1e0: {  	s3 =	sshrl.u32 s8, $0x2;
	[sflag:s26] =	ssyncset.done $0x0  }
0x1e1: {  	s3 =	sor.u32 $0x2A00, s3;
	[sflag:s26] =	ssyncadd.s32 $0xFFFFC000  }
0x1e2: {  	[spmem:s1] =	stream.indirect.scatter.add.f32 [tilespmem:s24], [sflag:$0x6], $0x80, s3, s22, $0xb8;
	[tilespmem:$0x1EC00] =	vst v63  }
0x1e3: {  	_ =	swait.ge [sflag:s19], $0x4000  }
0x1e4: {  	p1 =	seq.s32 s23, $0x9C00;
	[sflag:s19] =	ssyncset.done $0x0  }
0x1e5: {  	s3 =	sshra.s32 @!p1 s23, $0x2;
	[sflag:s19] =	ssyncadd.s32 $0xFFFFC000  }
0x1e6: {  	v1 =	vld @!p1 [tilespmem:s3+$0x100];
	_ =	sdelay $0x2  }
0x1e7: {  	s8 =	sxor.u32 @!p1 $0xFFFFFFFF, s23  }
0x1e8: {  	s8 =	sand.u32 @!p1 $0x400, s8  }
0x1e9: {  	s8 =	sshrl.u32 @!p1 s8, $0x2;
	v1 =	vshrl.u32 @!p1 v1, $0x10  }
0x1ea: {  	[tilespmem:s8+$0x2A00] =	vst @!p1 v1  }
0x1eb: {  	v1 =	vld @!p1 [tilespmem:s3+$0x110];
	_ =	sdelay $0x4  }
0x1ec: {  	v1 =	vshrl.u32 @!p1 v1, $0x10  }
0x1ed: {  	[tilespmem:s8+$0x2A10] =	vst @!p1 v1  }
0x1ee: {  	v1 =	vld @!p1 [tilespmem:s3+$0x120];
	_ =	sdelay $0x4  }
0x1ef: {  	v1 =	vshrl.u32 @!p1 v1, $0x10  }
0x1f0: {  	[tilespmem:s8+$0x2A20] =	vst @!p1 v1  }
0x1f1: {  	v1 =	vld @!p1 [tilespmem:s3+$0x130];
	_ =	sdelay $0x4  }
0x1f2: {  	v1 =	vshrl.u32 @!p1 v1, $0x10  }
0x1f3: {  	[tilespmem:s8+$0x2A30] =	vst @!p1 v1  }
0x1f4: {  	v1 =	vld @!p1 [tilespmem:s3+$0x140];
	_ =	sdelay $0x4  }
0x1f5: {  	v1 =	vshrl.u32 @!p1 v1, $0x10  }
0x1f6: {  	[tilespmem:s8+$0x2A40] =	vst @!p1 v1  }
0x1f7: {  	v1 =	vld @!p1 [tilespmem:s3+$0x150];
	_ =	sdelay $0x4  }
0x1f8: {  	v1 =	vshrl.u32 @!p1 v1, $0x10  }
0x1f9: {  	[tilespmem:s8+$0x2A50] =	vst @!p1 v1  }
0x1fa: {  	v1 =	vld @!p1 [tilespmem:s3+$0x160];
	_ =	sdelay $0x4  }
0x1fb: {  	v1 =	vshrl.u32 @!p1 v1, $0x10  }
0x1fc: {  	[tilespmem:s8+$0x2A60] =	vst @!p1 v1  }
0x1fd: {  	v1 =	vld @!p1 [tilespmem:s3+$0x170];
	_ =	sdelay $0x4  }
0x1fe: {  	v1 =	vshrl.u32 @!p1 v1, $0x10  }
0x1ff: {  	s3 =	simm.s32 @!p1 $0x0;
	[tilespmem:s8+$0x2A70] =	vst @!p1 v1;
	s8 =	simm.s32 @!p1 $0x2C00  }
0x200: {  	[tilespmem:s8], [sflag:$0x1] =	stream.linear.gather @!p1 [hbm4b:s0+s3], $0x4000, $0x38;
	[tilespmem:$0x1EC00] =	vst v63  }
0x201: {  	_ =	swait.ge [sflag:s29], $0x4000  }
0x202: {  	[sflag:s29] =	ssyncset.done $0x0  }
0x203: {  	s9 =	sor.u32 $0x2A00, s4;
	[sflag:s29] =	ssyncadd.s32 $0xFFFFC000  }
0x204: {  	[spmem:s1] =	stream.indirect.scatter.add.f32 [tilespmem:s25], [sflag:$0x6], $0x80, s9, s22, $0xb8;
	[tilespmem:$0x1EC00] =	vst v63  }
0x205: {  	_ =	swait.ge [sflag:s19], $0x4000  }
0x206: {  	[sflag:s19] =	ssyncset.done $0x0  }
0x207: {  	[sflag:s19] =	ssyncadd.s32 $0xFFFFC000  }
0x208: {  	[bflag:$0x0] =	sbarrier.arrive $0xFFFF  }
0x209: {  	s10 =	sshrl.u32 s7, $0x3;
	s15 =	rddreg [dreg:$0x8]  }
0x20a: {  	[hbm:s15], [sflag:s5] =	dma.local [spmem:s10], $0x2800  }
0x20b: {  	_ =	swait.ge [sflag:s19], $0x2800  }
0x20c: {  	s31 =	sadd.s32 $0x1, s31;
	s23 =	rddreg [dreg:$0x9]  }
0x20d: {  	p1 =	sne.s32 s31, s23  }
.Ltmp3:
0x20e: {  	_ = 	snop;
	(pc) =	sbr.rel @p1 .LBB2_1-.Ltmp3, $3  }
0x20f: {  	_ =	sdelay $0x1  }
0x210: {  	[sflag:s19] =	ssyncset.done $0x0  }
0x211: {  	[sflag:s19] =	ssyncadd.s32 $0xFFFFD800  }
0x212: {  	_ =	sfence.sel $0x180000  }
0x213: {  	[bflag:$0x0] =	sbarrier.arrive $0xFFFF  }
0x214: {  	_ =	strace $0x9000004D  }
0x215: {  	[bflag:$0x2] =	sbarrier.arrive $0xFFFF  }
0x216: {  	s0 =	rddreg [dreg:$0x3]  }
0x217: {  	s0 =	sadd.s32 @!p0 $0x100000, s0  }
0x218: {  	[sflag:s0] =	ssyncadd.tile.s32 @!p0 $0x1;
	_ =	shalt  }
.Lfunc_end2:
_tile_overlayer_lowered:
.L_overlay_start_2:
0x219: {  	(tag) =	ssettag $0x2  }
0x21a: {  	s0 =	rddreg [dreg:$0x0];
	s2 =	stileid.u32  }
0x21b: {  	s1 =	rddreg [dreg:$0x1];
	p0 =	sne.s32 s2, $0x0  }
0x21c: {  	s3 =	rddreg [dreg:$0x2];
	[bflag:$0x3] =	sbarrier.arrive $0xFFFF;
	s2 =	simm.s32 @!p0 $0x1C06  }
0x21d: {  	[timem:s3], [sflag:s2] =	dma.local @!p0 [hbm:s0], s1  }
0x21e: {  	s0 =	simm.s32 @!p0 $0x6  }
0x21f: {  	_ =	swait.ge @!p0 [sflag:s0], s1  }
0x220: {  	s1 =	ssub.s32 @!p0 $0x0, s1;
	[sflag:s0] =	ssyncset.done @!p0 $0x0  }
0x221: {  	[sflag:s0] =	ssyncadd.s32 @!p0 s1  }
0x222: {  	[bflag:$0x3] =	sbarrier.arrive $0xFFFF  }
0x223: {  	_ =	shalt  }

// kernel: kernel.9.cloned.1.call-start
scs
__scs_entry_jumppad:
0x0: {  	(pc) =	sbr.rel $0x88, $3  }
0x1: {  	(tag) =	ssettag $0x0;
	lr =	simm.s32 $0x1  }
0x2: {  	[smem:$0x3F8F] =	sst lr;
	_ =	strace $0xD0000000  }
0x3: {  	_ = 	snop  }
0x4: {  	_ = 	snop  }
0x5: {  	_ = 	snop  }
0x6: {  	_ = 	snop  }
0x7: {  	_ = 	snop  }
__scs_overlays_trampoline_lowered:
0x8: {  	[smem:$0x3F9E] =	sst s0  }
0x9: {  	[smem:$0x3F9F] =	sst s1  }
0xa: {  	[smem:$0x3FA0] =	sst s2  }
0xb: {  	[smem:$0x3FA1] =	sst s3  }
0xc: {  	[smem:$0x3FA2] =	sst s4  }
0xd: {  	[smem:$0x3FA3] =	sst s5  }
0xe: {  	[smem:$0x3FA4] =	sst s6  }
0xf: {  	[smem:$0x3FA5] =	sst s7  }
0x10: {  	[smem:$0x3FA6] =	sst s8  }
0x11: {  	[smem:$0x3FA7] =	sst s9;
	s0 =	simm.s32 @!p0 $0x0  }
0x12: {  	s1 =	sld [smem:$0x3F8D];
	s0 =	simm.s32 @p0 $0x1  }
0x13: {  	[smem:$0x3FA8] =	sst s0;
	s0 =	simm.s32 @!p1 $0x0  }
0x14: {  	s2 =	sld [smem:$0x3F8C];
	s0 =	simm.s32 @p1 $0x1  }
0x15: {  	[smem:$0x3FA9] =	sst s0;
	s0 =	simm.s32 @!p2 $0x0  }
0x16: {  	s3 =	sld [smem:$0x3FDB];
	s0 =	simm.s32 @p2 $0x1  }
0x17: {  	s4 =	simm.s32 $0x1BF5;
	[smem:$0x3FAB] =	sst s0  }
0x18: {  	s0 =	sld [smem:$0x3F8E];
	_ =	swait.ge [sflag:s4], $0x0  }
0x19: {  	s7 =	sld [smem:$0x3F8F]  }
0x1a: {  	s8 =	sadd.s32 $0xFFFFE003, lr  }
0x1b: {  	s9 =	sadd.s32 $0xFFFFFEF7, lr;
	s5 =	simm.s32 $0xFFFFFFFF;
	p2 =	slt.u32 s8, $0xFFFFF086  }
0x1c: {  	p1 =	slt.u32 s9, $0xF7A;
	s5 =	simm.s32 @!p2 $0x0  }
0x1d: {  	s5 =	simm.s32 @p1 $0x1;
	p0 =	seq.s32 s7, s2  }
0x1e: {  	s7 =	smul.u32 @!p0 $0xF7A, s2;
	p2 =	seq.s32 @!p0 s5, $0x0  }
0x1f: {  	s9 =	smul.u32 $0xF7A, s1;
	s8 =	simm.s32 @!p0 $0x1BF5;
	p2 =	por !p2, p0  }
0x20: {  	[sflag:s8] =	ssyncset.s32 @!p0 $0xFFFFF086;
	s6 =	sadd.s32 @!p0 s3, s7;
	s7 =	simm.s32 @!p0 $0x108  }
0x21: {  	s3 =	sadd.s32 s3, s9;
	s6 =	sadd.s32 @!p0 $0x88, s6;
	s7 =	simm.s32 @p2 $0x1082  }
0x22: {  	[simem:s7], [sflag:s8] =	dma.local @!p0 [hbm:s6], $0xF7A  }
0x23: {  	s9 =	sor.u32 $0xD0000000, s2;
	s6 =	simm.s32 $0x108;
	_ =	swait.ge @!p0 [sflag:s8], $0x0  }
0x24: {  	s3 =	sadd.s32 $0x88, s3;
	s6 =	simm.s32 @!p1 $0x1082;
	[sflag:s4] =	ssyncset.s32 $0xFFFFF086  }
0x25: {  	[simem:s6], [sflag:s4] =	dma.local [hbm:s3], $0xF7A  }
0x26: {  	[smem:$0x3F8F] =	sst s1;
	(tag) =	ssettag s2;
	_ =	strace s9  }
0x27: {  	s1 =	sld [smem:$0x3F9F]  }
0x28: {  	s2 =	sld [smem:$0x3FA0]  }
0x29: {  	s4 =	sld [smem:$0x3FA2]  }
0x2a: {  	p0 =	seq.s32 s5, $0x0;
	s5 =	sld [smem:$0x3FA3]  }
0x2b: {  	s6 =	sld [smem:$0x3FA4]  }
0x2c: {  	s7 =	sld [smem:$0x3FA5]  }
0x2d: {  	s3 =	simm.s32 $0x108;
	s8 =	sld [smem:$0x3FA6]  }
0x2e: {  	s3 =	simm.s32 @!p0 $0x1082;
	s9 =	sld [smem:$0x3FA7]  }
0x2f: {  	lr =	sadd.s32 s0, s3;
	s0 =	sld [smem:$0x3F9E]  }
0x30: {  	s3 =	sld [smem:$0x3FA1]  }
0x31: {  	[smem:$0x3FAA] =	sst s10  }
0x32: {  	s10 =	sld [smem:$0x3FA8];
	_ =	sdelay $0x3  }
0x33: {  	p0 =	seq.s32 s10, $0x1;
	s10 =	sld [smem:$0x3FAA];
	_ =	sdelay $0x3  }
0x34: {  	[smem:$0x3FAA] =	sst s10  }
0x35: {  	s10 =	sld [smem:$0x3FA9];
	_ =	sdelay $0x3  }
0x36: {  	p1 =	seq.s32 s10, $0x1;
	s10 =	sld [smem:$0x3FAA];
	_ =	sdelay $0x3  }
0x37: {  	[smem:$0x3FAA] =	sst s10  }
0x38: {  	s10 =	sld [smem:$0x3FAB]  }
0x39: {  	_ = 	snop;
	(pc) =	sbr.ind lr, $3  }
0x3a: {  	_ = 	snop  }
0x3b: {  	_ = 	snop  }
0x3c: {  	p2 =	seq.s32 s10, $0x1;
	s10 =	sld [smem:$0x3FAA]  }
0x3d: {  	_ =	shalt  }
0x3e: {  	_ =	shalt  }
0x3f: {  	_ =	shalt  }
0x40: {  	_ =	shalt  }
0x41: {  	_ =	shalt  }
0x42: {  	_ =	shalt  }
0x43: {  	_ =	shalt  }
0x44: {  	_ =	shalt  }
0x45: {  	_ =	shalt  }
0x46: {  	_ =	shalt  }
0x47: {  	_ =	shalt  }
0x48: {  	_ =	shalt  }
0x49: {  	_ =	shalt  }
0x4a: {  	_ =	shalt  }
0x4b: {  	_ =	shalt  }
0x4c: {  	_ =	shalt  }
0x4d: {  	_ =	shalt  }
0x4e: {  	_ =	shalt  }
0x4f: {  	_ =	shalt  }
0x50: {  	_ =	shalt  }
0x51: {  	_ =	shalt  }
0x52: {  	_ =	shalt  }
0x53: {  	_ =	shalt  }
0x54: {  	_ =	shalt  }
0x55: {  	_ =	shalt  }
0x56: {  	_ =	shalt  }
0x57: {  	_ =	shalt  }
0x58: {  	_ =	shalt  }
0x59: {  	_ =	shalt  }
0x5a: {  	_ =	shalt  }
0x5b: {  	_ =	shalt  }
0x5c: {  	_ =	shalt  }
0x5d: {  	_ =	shalt  }
0x5e: {  	_ =	shalt  }
0x5f: {  	_ =	shalt  }
0x60: {  	_ =	shalt  }
0x61: {  	_ =	shalt  }
0x62: {  	_ =	shalt  }
0x63: {  	_ =	shalt  }
0x64: {  	_ =	shalt  }
0x65: {  	_ =	shalt  }
0x66: {  	_ =	shalt  }
0x67: {  	_ =	shalt  }
0x68: {  	_ =	shalt  }
0x69: {  	_ =	shalt  }
0x6a: {  	_ =	shalt  }
0x6b: {  	_ =	shalt  }
0x6c: {  	_ =	shalt  }
0x6d: {  	_ =	shalt  }
0x6e: {  	_ =	shalt  }
0x6f: {  	_ =	shalt  }
0x70: {  	_ =	shalt  }
0x71: {  	_ =	shalt  }
0x72: {  	_ =	shalt  }
0x73: {  	_ =	shalt  }
0x74: {  	_ =	shalt  }
0x75: {  	_ =	shalt  }
0x76: {  	_ =	shalt  }
0x77: {  	_ =	shalt  }
0x78: {  	_ =	shalt  }
0x79: {  	_ =	shalt  }
0x7a: {  	_ =	shalt  }
0x7b: {  	_ =	shalt  }
0x7c: {  	_ =	shalt  }
0x7d: {  	_ =	shalt  }
0x7e: {  	_ =	shalt  }
0x7f: {  	_ =	shalt  }
0x80: {  	_ =	shalt  }
0x81: {  	_ =	shalt  }
0x82: {  	_ =	shalt  }
0x83: {  	_ =	shalt  }
0x84: {  	_ =	shalt  }
0x85: {  	_ =	shalt  }
0x86: {  	_ =	shalt  }
0x87: {  	_ =	shalt  }
.Lfunc_end0:
.L_simem_size_0:
called_computation_lowered:
.L_overlay_start_0:
0x88: {  	s2 =	sld [smem:$0x3FD9]  }
0x89: {  	s3 =	sld [smem:$0x3FFE];
	_ =	sdelay $0x1  }
0x8a: {  	s1 =	srdreg.scid  }
0x8b: {  	s0 =	sand.u32 $0x1, s1  }
0x8c: {  	s16 =	sshll.u32 s0, $0xA;
	s2 =	sadd.s32 s3, s2  }
0x8d: {  	s2 =	sadd.s32 s2, s16  }
0x8e: {  	[smem:$0x3FB6] =	sst s2  }
0x8f: {  	_ = 	snop  }
0x90: {  	(tm) =	ssettm $0x1  }
0x91: {  	s17 =	sld [smem:$0x3FFB];
	_ =	sdelay $0x3  }
0x92: {  	_ =	strace s17  }
0x93: {  	s2 =	sld [smem:$0x3FFC];
	_ =	sdelay $0x3  }
0x94: {  	_ =	strace s2  }
0x95: {  	s2 =	sld [smem:$0x3FFD];
	_ =	sdelay $0x3  }
0x96: {  	_ =	strace s2  }
0x97: {  	_ =	strace $0x8FFFFFFF  }
0x98: {  	s18 =	sld [smem:$0x3FDB];
	_ =	sdelay $0x1  }
0x99: {  	s19 =	simm.s32 $_scs_section_size  }
0x9a: {  	s4 =	simm.s32 $_size__tile_overlayer_lowered;
	s5 =	simm.s32 $_tile_overlayer_lowered  }
0x9b: {  	s22 =	simm.s32 $0x1BFF;
	s21 =	sshll.u32 s5, $0x1;
	s2 =	sadd.s32 s19, s18  }
0x9c: {  	s6 =	simm.s32 $0x0;
	s20 =	sshll.u32 s4, $0x1;
	s4 =	sadd.s32 s21, s2  }
0x9d: {  	[timem:s6], [sflag:s22] =	dma.local [hbm:s4], s20  }
0x9e: {  	_ =	swait.ge [sflag:s22], s20  }
0x9f: {  	s3 =	ssub.s32 $0x0, s20;
	[sflag:s22] =	ssyncset.done $0x0  }
0xa0: {  	[sflag:s22] =	ssyncadd.s32 s3;
	_ =	sdelay $0x1  }
0xa1: {  	s23 =	simm.s32 $0x1B8B  }
0xa2: {  	_ =	swait.ge [sflag:s23], $0x1  }
0xa3: {  	[sflag:s23] =	ssyncset.done $0x0  }
0xa4: {  	s25 =	simm.s32 $0x1B8E;
	s24 =	sld [smem:$0x3FFE];
	[sflag:s23] =	ssyncadd.s32 $0xFFFFFFFF  }
0xa5: {  	s26 =	simm.s32 $execute0_lowered;
	[smem:$0x3FD2] =	sst s25  }
0xa6: {  	s4 =	sshll.u32 s26, $0x1;
	_ =	strace $0x80000046;
	[dreg:$0x1] =	wrdreg $0xFFFFFFFF  }
0xa7: {  	s28 =	simm.s32 $_size_execute0_lowered;
	s2 =	sadd.s32 s2, s4;
	[dreg:$0x0] =	wrdreg $0x0  }
0xa8: {  	s4 =	sshll.u32 s28, $0x1;
	[dreg:$0x2] =	wrdreg s2  }
0xa9: {  	[dreg:$0x3] =	wrdreg s4  }
0xaa: {  	[dreg:$0x4] =	wrdreg $0xC0  }
0xab: {  	_ =	task [dreg:s6], $0x5FFFF  }
0xac: {  	[dreg:$0x1] =	wrdreg $0xFFFFFFFF  }
0xad: {  	[dreg:$0x0] =	wrdreg $0x60  }
0xae: {  	[dreg:$0x2] =	wrdreg s24  }
0xaf: {  	[dreg:$0x3] =	wrdreg $0xA8000  }
0xb0: {  	[dreg:$0x4] =	wrdreg $0x9  }
0xb1: {  	_ =	task.clear_ibuf [dreg:s6], $0x5FFFF;
	_ =	strace $0x90000046  }
0xb2: {  	s29 =	simm.s32 $0x9;
	_ =	strace $0x80000048  }
0xb3: {  	_ =	swait.ge [sflag:s29], $0x1  }
0xb4: {  	[sflag:s29] =	ssyncadd.s32 $0xFFFFFFFF  }
0xb5: {  	_ =	strace $0x90000048  }
0xb6: {  	_ =	sfence  }
0xb7: {  	s30 =	sld [smem:$0x0];
	_ =	sdelay $0x2  }
0xb8: {  	s31 =	sshll.u32 s1, $0xD;
	s1 =	sshrl.u32 s1, $0x2  }
0xb9: {  	s3 =	sand.u32 $0x4000, s31;
	s1 =	sadd.s32 s1, s30  }
0xba: {  	s0 =	sor.u32 s3, s0;
	s1 =	sshll.u32 s1, $0x11  }
0xbb: {  	s0 =	sor.u32 s1, s0  }
0xbc: {  	s0 =	sadd.s32 $0x8F2B, s0  }
0xbd: {  	[sflag:s0] =	ssyncadd.remote.s32 $0x1  }
0xbe: {  	_ =	sfence.sel $0xFFFF  }
0xbf: {  	[dreg:$0x0] =	wrdreg $0xFFFFFFFF;
	(pc) =	sbr.abs _section_cstart, $3  }
0xc0: {  	[dreg:$0x1] =	wrdreg $0xFFFFFFFF  }
0xc1: {  	_ =	task.clear_ibuf [dreg:s6], $0x2FFFF;
	_ =	strace $0x9FFFFFFF  }
0xc2: {  	(tm) =	ssettm $0x7FFFFFFF  }
0xc3: {  	_ =	shalt  }
tec
execute0_lowered:
.L_overlay_start_1:
0x0: {  	(tag) =	ssettag $0x1  }
0x1: {  	s4 =	rddreg [dreg:$0x0]  }
0x2: {  	s2 =	rddreg [dreg:$0x1]  }
0x3: {  	s1 =	srdreg.scid;
	s0 =	rddreg [dreg:$0x2]  }
0x4: {  	s3 =	simm.s32 $0x0;
	s12 =	simm.s32 $0x6800;
	s13 =	simm.s32 $0x2  }
0x5: {  	s14 =	simm.s32 $0x1;
	s15 =	simm.s32 $0x80;
	s5 =	sand.u32 $0x1, s1  }
0x6: {  	s16 =	simm.s32 $0x2800;
	s1 =	stileid.u32;
	s7 =	smul.u32 $0x140000, s5  }
0x7: {  	s19 =	simm.s32 $0x0;
	[smem:$0x7FF] =	sst s3;
	s8 =	smul.u32 $0x14000, s1  }
0x8: {  	s6 =	sshll.u32 s5, $0x4;
	_ =	strace $0x80000047;
	s30 =	smul.u32 $0x50000, s1  }
0x9: {  	s5 =	ssub.s32 $0x2, s5;
	s17 =	sshll.u32 s1, $0x6;
	s6 =	sor.u32 s1, s6  }
0xa: {  	s31 =	sshrl.u32 s5, $0x1;
	s17 =	sor.u32 $0x1C02, s17;
	s6 =	smul.u32 $0x500, s6  }
0xb: {  	s7 =	sadd.s32 s8, s7;
	s8 =	sshrl.u32 s30, $0x2;
	s9 =	ssub.s32 s5, s31  }
0xc: {  	s7 =	sshrl.u32 s7, $0x3;
	s5 =	sadd.s32 s8, s2;
	s6 =	sadd.s32 s6, s4  }
0xd: {  	s7 =	sadd.s32 s7, s4;
	s8 =	sadd.s32 $0x4000, s5;
	s10 =	sadd.s32 $0xC000, s5  }
0xe: {  	s11 =	sadd.s32 $0x10000, s5;
	s18 =	sshrl.u32 s5, $0x3;
	s4 =	sadd.s32 $0x4E00, s6  }
0xf: {  	v0 =	vimm.f32 $1.000000000e+00;
	v1 =	vimm.f32 $0.0e+00;
	s6 =	sadd.s32 $0xEE00, s7;
	s7 =	smax.u32 s9, $0x1;
	s9 =	sadd.s32 $0x8000, s5  }
.LBB2_1:
0x10: {  	[tilespmem:s3], [sflag:$0x1] =	stream.linear.gather [hbm4b:s4+s3], $0x2800, $0x38;
	[tilespmem:$0xD000] =	vst v63  }
0x11: {  	s20 =	simm.s32 $0x200;
	s21 =	simm.s32 $0x0  }
.LBB2_2:
0x12: {  	p0 =	sne.s32 s20, $0xFE00;
	[tilespmem:s21+$0x2800] =	vst v0;
	s22 =	smov.u32 s20;
	s20 =	sadd.s32 $0x200, s20  }
.Ltmp0:
0x13: {  	[tilespmem:s21+$0x6800] =	vst v1;
	(pc) =	sbr.rel @p0 .LBB2_2-.Ltmp0, $2  }
0x14: {  	_ =	sdelay $0x2  }
0x15: {  	s21 =	sshra.s32 s22, $0x2  }
0x16: {  	[tilespmem:s21+$0x2800] =	vst v0  }
0x17: {  	[tilespmem:s21+$0x6800] =	vst v1  }
0x18: {  	[spmem:s5] =	stream.linear.scatter [tilespmem:s12], [sflag:$0x2], $0x4000, $0x38;
	[tilespmem:$0xD000] =	vst v63  }
0x19: {  	_ =	swait.ge [sflag:s13], $0x4000  }
0x1a: {  	[sflag:s13] =	ssyncset.done $0x0  }
0x1b: {  	[sflag:s13] =	ssyncadd.s32 $0xFFFFC000  }
0x1c: {  	[spmem:s8] =	stream.linear.scatter [tilespmem:s12], [sflag:$0x2], $0x4000, $0x38;
	[tilespmem:$0xD000] =	vst v63  }
0x1d: {  	_ =	swait.ge [sflag:s13], $0x4000  }
0x1e: {  	[sflag:s13] =	ssyncset.done $0x0  }
0x1f: {  	[sflag:s13] =	ssyncadd.s32 $0xFFFFC000  }
0x20: {  	[spmem:s9] =	stream.linear.scatter [tilespmem:s12], [sflag:$0x2], $0x4000, $0x38;
	[tilespmem:$0xD000] =	vst v63  }
0x21: {  	_ =	swait.ge [sflag:s13], $0x4000  }
0x22: {  	[sflag:s13] =	ssyncset.done $0x0  }
0x23: {  	[sflag:s13] =	ssyncadd.s32 $0xFFFFC000  }
0x24: {  	[spmem:s10] =	stream.linear.scatter [tilespmem:s12], [sflag:$0x2], $0x4000, $0x38;
	[tilespmem:$0xD000] =	vst v63  }
0x25: {  	_ =	swait.ge [sflag:s13], $0x4000  }
0x26: {  	[sflag:s13] =	ssyncset.done $0x0  }
0x27: {  	[sflag:s13] =	ssyncadd.s32 $0xFFFFC000  }
0x28: {  	[spmem:s11] =	stream.linear.scatter [tilespmem:s12], [sflag:$0x2], $0x4000, $0x38;
	[tilespmem:$0xD000] =	vst v63  }
0x29: {  	_ =	swait.ge [sflag:s13], $0x4000  }
0x2a: {  	[sflag:s13] =	ssyncset.done $0x0  }
0x2b: {  	[sflag:s13] =	ssyncadd.s32 $0xFFFFC000  }
0x2c: {  	_ =	swait.ge [sflag:s14], $0x2800  }
0x2d: {  	[sflag:s14] =	ssyncset.done $0x0  }
0x2e: {  	[sflag:s14] =	ssyncadd.s32 $0xFFFFD800  }
0x2f: {  	s20 =	simm.s32 $0x0;
	[bflag:$0x0] =	sbarrier.arrive $0xFFFF  }
0x30: {  	[spmem:s2] =	stream.indirect.scatter.add.f32 [tilespmem:s16], [sflag:$0x2], $0x10, s20, s15, $0xb8;
	[tilespmem:$0xD000] =	vst v63  }
0x31: {  	_ =	swait.ge [sflag:s13], $0x800  }
0x32: {  	s20 =	simm.s32 $0x200;
	[sflag:s13] =	ssyncset.done $0x0  }
.LBB2_4:
0x33: {  	s21 =	sshra.s32 s20, $0x2;
	[sflag:s13] =	ssyncadd.s32 $0xFFFFF800;
	p0 =	sne.s32 s20, $0x9E00  }
0x34: {  	[spmem:s2] =	stream.indirect.scatter.add.f32 [tilespmem:s16], [sflag:$0x2], $0x10, s21, s15, $0xb8;
	[tilespmem:$0xD000] =	vst v63  }
.Ltmp1:
0x35: {  	_ = 	snop;
	(pc) =	sbr.rel @p0 .LBB2_4-.Ltmp1, $4  }
0x36: {  	_ = 	snop  }
0x37: {  	s20 =	sadd.s32 $0x200, s20  }
0x38: {  	_ =	swait.ge [sflag:s13], $0x800  }
0x39: {  	[sflag:s13] =	ssyncset.done $0x0  }
0x3a: {  	s19 =	sadd.s32 $0x1, s19  }
0x3b: {  	[sflag:s13] =	ssyncadd.s32 $0xFFFFF800;
	p0 =	sne.s32 s19, s7  }
.Ltmp2:
0x3c: {  	[bflag:$0x0] =	sbarrier.arrive $0xFFFF;
	(pc) =	sbr.rel @p0 .LBB2_1-.Ltmp2, $4  }
0x3d: {  	[hbm:s6], [sflag:s17] =	dma.local [spmem:s18], $0x2800  }
0x3e: {  	_ =	swait.ge [sflag:s13], $0x2800  }
0x3f: {  	[sflag:s13] =	ssyncset.done $0x0  }
0x40: {  	[sflag:s13] =	ssyncadd.s32 $0xFFFFD800  }
0x41: {  	_ =	sfence.sel $0x180000  }
0x42: {  	[bflag:$0x0] =	sbarrier.arrive $0xFFFF  }
0x43: {  	p0 =	sne.s32 s1, $0x0;
	_ =	strace $0x90000047  }
0x44: {  	s0 =	sadd.s32 @!p0 $0x100000, s0;
	[bflag:$0x2] =	sbarrier.arrive $0xFFFF  }
0x45: {  	[sflag:s0] =	ssyncadd.tile.s32 @!p0 $0x1;
	_ =	shalt  }
.Lfunc_end2:
_tile_overlayer_lowered:
.L_overlay_start_2:
0x46: {  	(tag) =	ssettag $0x2  }
0x47: {  	s0 =	rddreg [dreg:$0x0];
	s2 =	stileid.u32  }
0x48: {  	s1 =	rddreg [dreg:$0x1];
	p0 =	sne.s32 s2, $0x0  }
0x49: {  	s3 =	rddreg [dreg:$0x2];
	[bflag:$0x3] =	sbarrier.arrive $0xFFFF;
	s2 =	simm.s32 @!p0 $0x1C02  }
0x4a: {  	[timem:s3], [sflag:s2] =	dma.local @!p0 [hbm:s0], s1  }
0x4b: {  	s0 =	simm.s32 @!p0 $0x2  }
0x4c: {  	_ =	swait.ge @!p0 [sflag:s0], s1  }
0x4d: {  	s1 =	ssub.s32 @!p0 $0x0, s1;
	[sflag:s0] =	ssyncset.done @!p0 $0x0  }
0x4e: {  	[sflag:s0] =	ssyncadd.s32 @!p0 s1  }
0x4f: {  	[bflag:$0x3] =	sbarrier.arrive $0xFFFF  }
0x50: {  	_ =	shalt  }

</sc_bundles>
